<compile_context>
chip_gen: v7x
topology: tpu7x:2x2x1
jax: 0.10.2.dev20260603
libtpu: 0.0.44.dev20260713+nightly
codegen_flags: <defaults>
</compile_context>

<pallas_src>
import functools

import jax
import jax.numpy as jnp
from jax import lax
from jax.experimental import pallas as pl
from jax.experimental.pallas import tpu as pltpu
from jax.experimental.pallas import tpu_sc as plsc

E = 8
TOP_K = 2
D = 768
H = 1024
N = 2048
T = 256
NB = 24
CAP = NB * T
H_CHUNK = 1024
NEG = -3.0e38

NW = 32
SLOTS_W = CAP // NW
TOK_W = N // NW
APW = (2 * N) // NW
HPW = APW // 2


def _routing_kernel(x_ref, ue_ref, onb_ref,
                    idx_ref, w_ref, post_ref, be_ref, bv_ref):
    x = x_ref[...]
    ue = ue_ref[...]
    onb = onb_ref[...]
    sims = lax.dot_general(x, ue, (((1,), (1,)), ((), ())))
    xn = jnp.sqrt(jnp.sum(x * x, axis=1, keepdims=True))
    en = jnp.sqrt(jnp.sum(ue * ue, axis=1, keepdims=True))
    tok_n = x / (xn + 1e-8)
    exp_n = ue / (en + 1e-8)
    cos = lax.dot_general(tok_n, exp_n, (((1,), (1,)), ((), ())))
    t = cos + 0.1 * onb
    eidx = lax.broadcasted_iota(jnp.int32, (N, E), 1)
    m = jnp.min(sims, axis=1, keepdims=True)
    excl = jnp.max(jnp.where(sims == m, eidx, -1), axis=1, keepdims=True)
    t = jnp.where(eidx == excl, NEG, t)
    t0 = jnp.max(t, axis=1, keepdims=True)
    i0 = jnp.min(jnp.where(t == t0, eidx, E), axis=1, keepdims=True)
    t1m = jnp.where(eidx == i0, NEG, t)
    t1 = jnp.max(t1m, axis=1, keepdims=True)
    i1 = jnp.min(jnp.where(t1m == t1, eidx, E), axis=1, keepdims=True)
    ed = jnp.exp(t1 - t0)
    s = 1.0 + ed
    w0 = 1.0 / s
    w1 = ed / s
    idx_ref[...] = jnp.concatenate([i0, i1], axis=1)
    w_ref[...] = jnp.concatenate([w0, w1], axis=1)

    a0 = jnp.where(eidx == i0, 1.0, 0.0)
    a1 = jnp.where(eidx == i1, 1.0, 0.0)
    a = jnp.concatenate([a0, a1], axis=1)
    cum = a
    k = 1
    while k < N:
        z = jnp.zeros((k, 2 * E), jnp.float32)
        cum = cum + jnp.concatenate([z, cum[: N - k]], axis=0)
        k *= 2
    cum = cum - a
    cum0 = cum[:, :E]
    cum1 = cum[:, E:]
    cnt0 = jnp.sum(a0, axis=0, keepdims=True)
    cnt1 = jnp.sum(a1, axis=0, keepdims=True)
    cnt = cnt0 + cnt1
    al = jnp.float32(T) * jnp.ceil(cnt * (1.0 / T))
    e8r = lax.broadcasted_iota(jnp.int32, (E, E), 0).astype(jnp.float32)
    e8c = lax.broadcasted_iota(jnp.int32, (E, E), 1).astype(jnp.float32)
    strict_lt = jnp.where(e8r < e8c, 1.0, 0.0)
    base = lax.dot_general(al, strict_lt, (((1,), (0,)), ((), ())))
    pos0 = jnp.sum(a0 * (base + cum0), axis=1, keepdims=True)
    pos1 = jnp.sum(a1 * (base + cnt0 + cum1), axis=1, keepdims=True)
    post_ref[...] = jnp.concatenate(
        [pos0.astype(jnp.int32).T, pos1.astype(jnp.int32).T], axis=0)

    bstart = jnp.float32(T) * lax.broadcasted_iota(jnp.int32, (NB, E), 0).astype(jnp.float32)
    basem = jnp.broadcast_to(base, (NB, E))
    alm = jnp.broadcast_to(al, (NB, E))
    sel = jnp.where((bstart >= basem) & (bstart < basem + alm), 1.0, 0.0)
    erow = lax.broadcasted_iota(jnp.int32, (NB, E), 1).astype(jnp.float32)
    be = jnp.sum(sel * erow, axis=1, keepdims=True)
    total = jnp.sum(al)
    valid = bstart[:, :1] < total
    e1r = lax.broadcasted_iota(jnp.int32, (1, E), 1).astype(jnp.float32)
    last_e = jnp.max(jnp.where(al > 0.0, e1r, -1.0))
    be_ref[...] = jnp.where(valid, be, last_e).astype(jnp.int32)
    bv_ref[...] = valid.astype(jnp.int32)


def _routing_call(x, ue, onb):
    return pl.pallas_call(
        _routing_kernel,
        in_specs=[
            pl.BlockSpec((N, D), lambda: (0, 0)),
            pl.BlockSpec((E, D), lambda: (0, 0)),
            pl.BlockSpec((1, E), lambda: (0, 0)),
        ],
        out_specs=[
            pl.BlockSpec((N, TOP_K), lambda: (0, 0)),
            pl.BlockSpec((N, TOP_K), lambda: (0, 0)),
            pl.BlockSpec((TOP_K, N), lambda: (0, 0)),
            pl.BlockSpec((NB, 1), lambda: (0, 0)),
            pl.BlockSpec((NB, 1), lambda: (0, 0)),
        ],
        out_shape=[
            jax.ShapeDtypeStruct((N, TOP_K), jnp.int32),
            jax.ShapeDtypeStruct((N, TOP_K), jnp.float32),
            jax.ShapeDtypeStruct((TOP_K, N), jnp.int32),
            jax.ShapeDtypeStruct((NB, 1), jnp.int32),
            jax.ShapeDtypeStruct((NB, 1), jnp.int32),
        ],
    )(x, ue, onb)


def _make_sc_dispatch():
    mesh = plsc.VectorSubcoreMesh(core_axis_name="c", subcore_axis_name="s", num_cores=2, num_subcores=16)

    @functools.partial(
        pl.kernel, mesh=mesh,
        compiler_params=pltpu.CompilerParams(needs_layout_passes=False),
        out_type=[
            jax.ShapeDtypeStruct((CAP, D), jnp.float32),
            jax.ShapeDtypeStruct((CAP,), jnp.float32),
        ],
        scratch_types=[
            pltpu.VMEM((HPW,), jnp.int32),
            pltpu.VMEM((HPW,), jnp.int32),
            pltpu.VMEM((APW,), jnp.float32),
            pltpu.VMEM((HPW, D), jnp.float32),
            pltpu.VMEM((HPW, D), jnp.float32),
            pltpu.SemaphoreType.DMA,
            pltpu.SemaphoreType.DMA,
            pltpu.SemaphoreType.DMA,
            pltpu.SemaphoreType.DMA,
            pltpu.SemaphoreType.DMA,
        ],
    )
    def dispatch(x_hbm, posr_hbm, wr_hbm, xs_hbm, ws_hbm,
                 pos_a, pos_b, w_v, rows_a, rows_b,
                 sem_a, sem_b, sem_w, sem_xa, sem_xb):
        wid = lax.axis_index("s") * 2 + lax.axis_index("c")
        tok0 = pl.multiple_of((wid * APW) & (N - 1), APW)
        c1 = pltpu.async_copy(posr_hbm.at[wid, 0], pos_a, sem_a)
        c2 = pltpu.async_copy(posr_hbm.at[wid, 1], pos_b, sem_b)
        c3 = pltpu.async_copy(wr_hbm.at[wid], w_v, sem_w)
        ca = pltpu.async_copy(x_hbm.at[pl.ds(tok0, HPW)], rows_a, sem_xa)
        cb = pltpu.async_copy(x_hbm.at[pl.ds(tok0 + HPW, HPW)], rows_b, sem_xb)
        c1.wait()
        ca.wait()
        sa = pltpu.async_copy(rows_a, xs_hbm.at[pos_a], sem_xa)
        c2.wait()
        cb.wait()
        sb = pltpu.async_copy(rows_b, xs_hbm.at[pos_b], sem_xb)
        c3.wait()
        s1 = pltpu.async_copy(w_v.at[pl.ds(0, HPW)], ws_hbm.at[pos_a], sem_a)
        s2 = pltpu.async_copy(w_v.at[pl.ds(HPW, HPW)], ws_hbm.at[pos_b], sem_b)
        sa.wait()
        sb.wait()
        s1.wait()
        s2.wait()

    return dispatch


def _ffn_kernel(be_ref, bv_ref, xs_ref, w1_ref, b1_ref, w2_ref, b2_ref,
                ws_ref, ys_ref):
    b = pl.program_id(0)

    @pl.when(bv_ref[b] != 0)
    def _():
        x = xs_ref[...]
        b2 = b2_ref[0]


        def body(c, y):
            h = lax.dot_general(
                x, w1_ref[0, :, pl.ds(c * H_CHUNK, H_CHUNK)],
                (((1,), (0,)), ((), ())), preferred_element_type=jnp.float32)
            h = h + b1_ref[0, :, pl.ds(c * H_CHUNK, H_CHUNK)]
            a = 0.5 * h * (1.0 + lax.erf(h * 0.7071067811865476))
            y = y + lax.dot_general(
                a, w2_ref[0, pl.ds(c * H_CHUNK, H_CHUNK), :],
                (((1,), (0,)), ((), ())), preferred_element_type=jnp.float32)
            return y

        y = lax.fori_loop(0, H // H_CHUNK, body, jnp.zeros((T, D), jnp.float32))
        ys_ref[...] = (y + b2) * ws_ref[0].T


def _ffn_call(xs, W1, b1r, W2, b2r, wsr, be, bv):
    grid_spec = pltpu.PrefetchScalarGridSpec(
        num_scalar_prefetch=2,
        grid=(NB,),
        in_specs=[
            pl.BlockSpec((T, D), lambda b, be_r, bv_r: (b, 0)),
            pl.BlockSpec((1, D, H), lambda b, be_r, bv_r: (be_r[b], 0, 0)),
            pl.BlockSpec((1, 1, H), lambda b, be_r, bv_r: (be_r[b], 0, 0)),
            pl.BlockSpec((1, H, D), lambda b, be_r, bv_r: (be_r[b], 0, 0)),
            pl.BlockSpec((1, 1, D), lambda b, be_r, bv_r: (be_r[b], 0, 0)),
            pl.BlockSpec((1, 1, T), lambda b, be_r, bv_r: (b, 0, 0)),
        ],
        out_specs=pl.BlockSpec((T, D), lambda b, be_r, bv_r: (b, 0)),
    )
    return pl.pallas_call(
        _ffn_kernel,
        grid_spec=grid_spec,
        out_shape=jax.ShapeDtypeStruct((CAP, D), jnp.float32),
    )(be, bv, xs, W1, b1r, W2, b2r, wsr)


def _make_sc_combine():
    mesh = plsc.VectorSubcoreMesh(core_axis_name="c", subcore_axis_name="s", num_cores=2, num_subcores=16)

    @functools.partial(
        pl.kernel, mesh=mesh,
        out_type=jax.ShapeDtypeStruct((N, D), jnp.float32),
        scratch_types=[
            pltpu.VMEM((TOK_W,), jnp.int32),
            pltpu.VMEM((TOK_W,), jnp.int32),
            pltpu.VMEM((TOK_W, D), jnp.float32),
            pltpu.VMEM((TOK_W, D), jnp.float32),
            pltpu.SemaphoreType.DMA,
            pltpu.SemaphoreType.DMA,
        ],
    )
    def combine(ys_hbm, p0_hbm, p1_hbm, out_hbm, p0v, p1v, buf0, buf1,
                sem0, sem1):
        wid = lax.axis_index("s") * 2 + lax.axis_index("c")
        base = wid * TOK_W
        c1 = pltpu.async_copy(p0_hbm.at[pl.ds(base, TOK_W)], p0v, sem0)
        c2 = pltpu.async_copy(p1_hbm.at[pl.ds(base, TOK_W)], p1v, sem1)
        c1.wait()
        c3 = pltpu.async_copy(ys_hbm.at[p0v], buf0, sem0)
        c2.wait()
        c4 = pltpu.async_copy(ys_hbm.at[p1v], buf1, sem1)
        c3.wait()
        c4.wait()

        def abody(i, carry):
            for k in range(D // 16):
                sl = pl.ds(k * 16, 16)
                buf0[i, sl] = buf0[i, sl] + buf1[i, sl]
            return carry

        lax.fori_loop(0, TOK_W, abody, 0)
        pltpu.sync_copy(buf0, out_hbm.at[pl.ds(base, TOK_W)])

    return combine


_SC_CACHE = {}


def _sc_kernels():
    if "dispatch" not in _SC_CACHE:
        _SC_CACHE["dispatch"] = _make_sc_dispatch()
        _SC_CACHE["combine"] = _make_sc_combine()
    return _SC_CACHE["dispatch"], _SC_CACHE["combine"]


@jax.jit
def kernel(token_embeddings, uzman_embeddings, W1, b1, W2, b2,
           onbellek_durumu):
    b, s, d = token_embeddings.shape
    x = token_embeddings.reshape(-1, d)
    onb = onbellek_durumu.reshape(1, E)
    b1r = b1.reshape(E, 1, H)
    b2r = b2.reshape(E, 1, D)

    sc_dispatch, sc_combine = _sc_kernels()
    idx, w, post, be, bv = _routing_call(x, uzman_embeddings, onb)
    posr = post.reshape(NW, 2, HPW)
    wr = jnp.transpose(w).reshape(NW, APW)
    xs, ws = sc_dispatch(x, posr, wr)
    wsr = ws.reshape(NB, 1, T)
    ys = _ffn_call(xs, W1, b1r, W2, b2r, wsr, be.reshape(NB),
                   bv.reshape(NB))
    out = sc_combine(ys, post[0], post[1])
    return (out.reshape(b, s, d), idx.reshape(b, s, TOP_K),
            w.reshape(b, s, TOP_K))

# --- scband reference (transcript-rebuilt; emitter-appended) ---
"""Pipeline reference for scband-nash-suru-mo-e-30030411334251 (READ-ONLY COPY).

The authoritative reference and input builder live on the scoring server;
editing this copy changes nothing except your own understanding.
"""

import jax, jax.numpy as jnp
import numpy as np

E = 8
TOP_K = 2
LOKAL = 7
D = 768
H = 1024
B = 1
S = 2048


def setup_inputs(seed: int = 0) -> dict:
    key = jax.random.key(seed)
    ks = jax.random.split(key, 6)
    token_embeddings = jax.random.normal(ks[0], (B, S, D), dtype=jnp.float32)
    uzman_embeddings = jax.random.normal(ks[1], (E, D), dtype=jnp.float32) * 0.01
    W1 = jax.random.normal(ks[2], (E, D, H), dtype=jnp.float32) * 0.02
    b1 = jnp.zeros((E, H), dtype=jnp.float32)
    W2 = jax.random.normal(ks[3], (E, H, D), dtype=jnp.float32) * 0.02
    b2 = jnp.zeros((E, D), dtype=jnp.float32)
    onbellek_durumu = jnp.ones((E,), dtype=jnp.float32)
    return {
        "token_embeddings": token_embeddings,
        "uzman_embeddings": uzman_embeddings,
        "W1": W1,
        "b1": b1,
        "W2": W2,
        "b2": b2,
        "onbellek_durumu": onbellek_durumu,
    }


def _route(tokens_flat, uzman_embeddings, onbellek_durumu):
    # Fallback lokal grup secimi: benzerlikler = dot(uzman_embs, token_emb),
    # top-LOKAL indeksler (Suru davranisi)
    sims = tokens_flat @ uzman_embeddings.T  # [N, E]
    _, lokal_idx = jax.lax.top_k(sims, LOKAL)  # [N, LOKAL]
    # Kosinus benzerligi lokal grup icinde
    tok_norm = tokens_flat / (jnp.linalg.norm(tokens_flat, axis=1, keepdims=True) + 1e-08)
    exp_norm = uzman_embeddings / (jnp.linalg.norm(uzman_embeddings, axis=1, keepdims=True) + 1e-08)
    cos = tok_norm @ exp_norm.T  # [N, E]
    lokal_skor = jnp.take_along_axis(cos, lokal_idx, axis=1)  # [N, LOKAL]
    onbellek_bonus = onbellek_durumu[lokal_idx]  # [N, LOKAL]
    toplam_skor = lokal_skor + 0.1 * onbellek_bonus
    topk_skor, topk_pos = jax.lax.top_k(toplam_skor, TOP_K)  # [N, TOP_K]
    global_idx = jnp.take_along_axis(lokal_idx, topk_pos, axis=1)  # [N, TOP_K]
    # agirliklar = exp(s - max) / sum  (softmax)
    agirliklar = jax.nn.softmax(topk_skor, axis=1)
    return global_idx, agirliklar


def reference(token_embeddings, uzman_embeddings, W1, b1, W2, b2, onbellek_durumu):
    b, s, d = token_embeddings.shape
    x = token_embeddings.reshape(-1, d)  # [N, D]
    # Routing kararlari detach edilmis degerler uzerinden (orijinalde .detach().cpu().numpy())
    idx, w = _route(
        jax.lax.stop_gradient(x),
        jax.lax.stop_gradient(uzman_embeddings),
        onbellek_durumu,
    )
    w = jax.lax.stop_gradient(w)
    combine = jnp.sum(jax.nn.one_hot(idx, E, dtype=x.dtype) * w[..., None], axis=1)  # [N, E]
    # Uzman FFN'leri: Linear -> GELU(exact) -> Linear
    h = jnp.einsum("nd,edh->neh", x, W1) + b1[None, :, :]
    a = jax.nn.gelu(h, approximate=False)
    y = jnp.einsum("neh,ehd->ned", a, W2) + b2[None, :, :]
    out = jnp.einsum("ne,ned->nd", combine, y).reshape(b, s, d)
    uzman_indeksleri = idx.reshape(b, s, TOP_K)
    uzman_agirliklari = w.reshape(b, s, TOP_K)
    return out, uzman_indeksleri, uzman_agirliklari

if __name__ == "__main__":
    import jax
    _d = setup_inputs()
    print(jax.jit(kernel)(*tuple(_d.values())))

</pallas_src>

<mosaic_0001>
#map = affine_map<(d0, d1) -> (0, 0)>
#map1 = affine_map<(d0, d1) -> (0)>
module attributes {stable_mosaic.version = 14 : i64} {
  func.func @combine(%arg0: i32, %arg1: i32, %arg2: memref<6144x768xf32, #tpu.memory_space<hbm>>, %arg3: memref<2048xi32, #tpu.memory_space<hbm>>, %arg4: memref<2048xi32, #tpu.memory_space<hbm>>, %arg5: memref<2048x768xf32, #tpu.memory_space<hbm>>, %arg6: memref<64xi32, #tpu.memory_space<vmem>>, %arg7: memref<64xi32, #tpu.memory_space<vmem>>, %arg8: memref<64x768xf32, #tpu.memory_space<vmem>>, %arg9: memref<64x768xf32, #tpu.memory_space<vmem>>, %arg10: memref<!tpu.dma_semaphore, #tpu.memory_space<semaphore_mem>>, %arg11: memref<!tpu.dma_semaphore, #tpu.memory_space<semaphore_mem>>) attributes {dimension_semantics = [#tpu.dimension_semantics<core_parallel>, #tpu.dimension_semantics<subcore_parallel>], iteration_bounds = array<i64: 2, 16>, scalar_prefetch = 0 : i64, scratch_operands = 6 : i64, tpu.core_type = #tpu.core_type<sc_vector_subcore>, window_params = [{transform_indices = #map}, {transform_indices = #map1}, {transform_indices = #map1}, {transform_indices = #map}]} {
    %mul3A = arith.constant 2 : i32
    %mul3A_0 = arith.muli %arg1, %mul3A : i32
    %add3A = arith.addi %mul3A_0, %arg0 : i32
    %mul3A_1 = arith.constant 64 : i32
    %mul3A_2 = arith.muli %add3A, %mul3A_1 : i32
    %dma_start3A = tpu.memref_slice %arg3[%mul3A_2] : memref<2048xi32, #tpu.memory_space<hbm>> -> memref<64xi32, #tpu.memory_space<hbm>>
    %dma_start3A_3 = tpu.memref_slice %arg3[%mul3A_2] : memref<2048xi32, #tpu.memory_space<hbm>> -> memref<64xi32, #tpu.memory_space<hbm>>
    tpu.enqueue_dma source(%dma_start3A_3 : memref<64xi32, #tpu.memory_space<hbm>>) target(%arg6 : memref<64xi32, #tpu.memory_space<vmem>>) target_semaphore(%arg10 : memref<!tpu.dma_semaphore, #tpu.memory_space<semaphore_mem>>)
    %dma_start3A_4 = tpu.memref_slice %arg4[%mul3A_2] : memref<2048xi32, #tpu.memory_space<hbm>> -> memref<64xi32, #tpu.memory_space<hbm>>
    %dma_start3A_5 = tpu.memref_slice %arg4[%mul3A_2] : memref<2048xi32, #tpu.memory_space<hbm>> -> memref<64xi32, #tpu.memory_space<hbm>>
    tpu.enqueue_dma source(%dma_start3A_5 : memref<64xi32, #tpu.memory_space<hbm>>) target(%arg7 : memref<64xi32, #tpu.memory_space<vmem>>) target_semaphore(%arg11 : memref<!tpu.dma_semaphore, #tpu.memory_space<semaphore_mem>>)
    %dma_wait3A = tpu.memref_slice %arg3[%mul3A_2] : memref<2048xi32, #tpu.memory_space<hbm>> -> memref<64xi32, #tpu.memory_space<hbm>>
    %dma_wait3A_6 = tpu.memref_slice %arg3[%mul3A_2] : memref<2048xi32, #tpu.memory_space<hbm>> -> memref<64xi32, #tpu.memory_space<hbm>>
    tpu.wait_dma2 semaphore(%arg10 : memref<!tpu.dma_semaphore, #tpu.memory_space<semaphore_mem>>) src(%dma_wait3A_6 : memref<64xi32, #tpu.memory_space<hbm>>) dst(%arg6 : memref<64xi32, #tpu.memory_space<vmem>>)
    %dma_start3A_7 = arith.constant 0 : i32
    %dma_start3A_8 = arith.constant 0 : i32
    %dma_start3A_9 = tpu.memref_slice %arg2[%dma_start3A_7, %dma_start3A_8] : memref<6144x768xf32, #tpu.memory_space<hbm>> -> memref<6144x768xf32, #tpu.memory_space<hbm>>
    tpu.enqueue_indirect_dma source(%dma_start3A_9 : memref<6144x768xf32, #tpu.memory_space<hbm>>) target(%arg8 : memref<64x768xf32, #tpu.memory_space<vmem>>) offsets(%arg6 : memref<64xi32, #tpu.memory_space<vmem>>) semaphore(%arg10 : memref<!tpu.dma_semaphore, #tpu.memory_space<semaphore_mem>>)
    %dma_wait3A_10 = tpu.memref_slice %arg4[%mul3A_2] : memref<2048xi32, #tpu.memory_space<hbm>> -> memref<64xi32, #tpu.memory_space<hbm>>
    %dma_wait3A_11 = tpu.memref_slice %arg4[%mul3A_2] : memref<2048xi32, #tpu.memory_space<hbm>> -> memref<64xi32, #tpu.memory_space<hbm>>
    tpu.wait_dma2 semaphore(%arg11 : memref<!tpu.dma_semaphore, #tpu.memory_space<semaphore_mem>>) src(%dma_wait3A_11 : memref<64xi32, #tpu.memory_space<hbm>>) dst(%arg7 : memref<64xi32, #tpu.memory_space<vmem>>)
    %dma_start3A_12 = arith.constant 0 : i32
    %dma_start3A_13 = arith.constant 0 : i32
    %dma_start3A_14 = tpu.memref_slice %arg2[%dma_start3A_12, %dma_start3A_13] : memref<6144x768xf32, #tpu.memory_space<hbm>> -> memref<6144x768xf32, #tpu.memory_space<hbm>>
    tpu.enqueue_indirect_dma source(%dma_start3A_14 : memref<6144x768xf32, #tpu.memory_space<hbm>>) target(%arg9 : memref<64x768xf32, #tpu.memory_space<vmem>>) offsets(%arg7 : memref<64xi32, #tpu.memory_space<vmem>>) semaphore(%arg11 : memref<!tpu.dma_semaphore, #tpu.memory_space<semaphore_mem>>)
    %dma_wait3A_15 = arith.constant 0 : i32
    %dma_wait3A_16 = arith.constant 0 : i32
    %dma_wait3A_17 = tpu.memref_slice %arg2[%dma_wait3A_15, %dma_wait3A_16] : memref<6144x768xf32, #tpu.memory_space<hbm>> -> memref<6144x768xf32, #tpu.memory_space<hbm>>
    tpu.wait_indirect_dma semaphore(%arg10 : memref<!tpu.dma_semaphore, #tpu.memory_space<semaphore_mem>>) src(%dma_wait3A_17 : memref<6144x768xf32, #tpu.memory_space<hbm>>) dst(%arg8 : memref<64x768xf32, #tpu.memory_space<vmem>>)
    %dma_wait3A_18 = arith.constant 0 : i32
    %dma_wait3A_19 = arith.constant 0 : i32
    %dma_wait3A_20 = tpu.memref_slice %arg2[%dma_wait3A_18, %dma_wait3A_19] : memref<6144x768xf32, #tpu.memory_space<hbm>> -> memref<6144x768xf32, #tpu.memory_space<hbm>>
    tpu.wait_indirect_dma semaphore(%arg11 : memref<!tpu.dma_semaphore, #tpu.memory_space<semaphore_mem>>) src(%dma_wait3A_20 : memref<6144x768xf32, #tpu.memory_space<hbm>>) dst(%arg9 : memref<64x768xf32, #tpu.memory_space<vmem>>)
    %scan3A = arith.constant 0 : i32
    %scan3A_21 = arith.constant 0 : i32
    %scan3A_22 = arith.constant 64 : i32
    %scan3A_23 = arith.addi %scan3A_21, %scan3A_22 : i32
    %scan3A_24 = arith.constant 1 : i32
    scf.for %scan3A_26 = %scan3A_21 to %scan3A_23 step %scan3A_24  : i32 {
      %get3A = arith.index_cast %scan3A_26 : i32 to index
      %get3A_27 = arith.constant 0 : index
      %get3A_28 = tpu.vector_load %arg8[%get3A, %get3A_27] {strides = array<i32>} : memref<64x768xf32, #tpu.memory_space<vmem>>, vector<1x16xf32>,
      %get3A_29 = vector.shape_cast %get3A_28 : vector<1x16xf32> to vector<16xf32>
      %get3A_30 = arith.index_cast %scan3A_26 : i32 to index
      %get3A_31 = arith.constant 0 : index
      %get3A_32 = tpu.vector_load %arg9[%get3A_30, %get3A_31] {strides = array<i32>} : memref<64x768xf32, #tpu.memory_space<vmem>>, vector<1x16xf32>,
      %get3A_33 = vector.shape_cast %get3A_32 : vector<1x16xf32> to vector<16xf32>
      %add3A_34 = arith.addf %get3A_29, %get3A_33 : vector<16xf32>
      %swap3A = arith.index_cast %scan3A_26 : i32 to index
      %swap3A_35 = arith.constant 0 : index
      %swap3A_36 = tpu.vector_load %arg8[%swap3A, %swap3A_35] {strides = array<i32>} : memref<64x768xf32, #tpu.memory_space<vmem>>, vector<1x16xf32>,
      %swap3A_37 = vector.shape_cast %swap3A_36 : vector<1x16xf32> to vector<16xf32>
      %swap3A_38 = vector.shape_cast %add3A_34 : vector<16xf32> to vector<1x16xf32>
      tpu.vector_store %arg8[%swap3A, %swap3A_35], %swap3A_38 {strides = array<i32>} : memref<64x768xf32, #tpu.memory_space<vmem>>, vector<1x16xf32>,
      %get3A_39 = arith.index_cast %scan3A_26 : i32 to index
      %get3A_40 = arith.constant 16 : index
      %get3A_41 = tpu.vector_load %arg8[%get3A_39, %get3A_40] {strides = array<i32>} : memref<64x768xf32, #tpu.memory_space<vmem>>, vector<1x16xf32>,
      %get3A_42 = vector.shape_cast %get3A_41 : vector<1x16xf32> to vector<16xf32>
      %get3A_43 = arith.index_cast %scan3A_26 : i32 to index
      %get3A_44 = arith.constant 16 : index
      %get3A_45 = tpu.vector_load %arg9[%get3A_43, %get3A_44] {strides = array<i32>} : memref<64x768xf32, #tpu.memory_space<vmem>>, vector<1x16xf32>,
      %get3A_46 = vector.shape_cast %get3A_45 : vector<1x16xf32> to vector<16xf32>
      %add3A_47 = arith.addf %get3A_42, %get3A_46 : vector<16xf32>
      %swap3A_48 = arith.index_cast %scan3A_26 : i32 to index
      %swap3A_49 = arith.constant 16 : index
      %swap3A_50 = tpu.vector_load %arg8[%swap3A_48, %swap3A_49] {strides = array<i32>} : memref<64x768xf32, #tpu.memory_space<vmem>>, vector<1x16xf32>,
      %swap3A_51 = vector.shape_cast %swap3A_50 : vector<1x16xf32> to vector<16xf32>
      %swap3A_52 = vector.shape_cast %add3A_47 : vector<16xf32> to vector<1x16xf32>
      tpu.vector_store %arg8[%swap3A_48, %swap3A_49], %swap3A_52 {strides = array<i32>} : memref<64x768xf32, #tpu.memory_space<vmem>>, vector<1x16xf32>,
      %get3A_53 = arith.index_cast %scan3A_26 : i32 to index
      %get3A_54 = arith.constant 32 : index
      %get3A_55 = tpu.vector_load %arg8[%get3A_53, %get3A_54] {strides = array<i32>} : memref<64x768xf32, #tpu.memory_space<vmem>>, vector<1x16xf32>,
      %get3A_56 = vector.shape_cast %get3A_55 : vector<1x16xf32> to vector<16xf32>
      %get3A_57 = arith.index_cast %scan3A_26 : i32 to index
      %get3A_58 = arith.constant 32 : index
      %get3A_59 = tpu.vector_load %arg9[%get3A_57, %get3A_58] {strides = array<i32>} : memref<64x768xf32, #tpu.memory_space<vmem>>, vector<1x16xf32>,
      %get3A_60 = vector.shape_cast %get3A_59 : vector<1x16xf32> to vector<16xf32>
      %add3A_61 = arith.addf %get3A_56, %get3A_60 : vector<16xf32>
      %swap3A_62 = arith.index_cast %scan3A_26 : i32 to index
      %swap3A_63 = arith.constant 32 : index
      %swap3A_64 = tpu.vector_load %arg8[%swap3A_62, %swap3A_63] {strides = array<i32>} : memref<64x768xf32, #tpu.memory_space<vmem>>, vector<1x16xf32>,
      %swap3A_65 = vector.shape_cast %swap3A_64 : vector<1x16xf32> to vector<16xf32>
      %swap3A_66 = vector.shape_cast %add3A_61 : vector<16xf32> to vector<1x16xf32>
      tpu.vector_store %arg8[%swap3A_62, %swap3A_63], %swap3A_66 {strides = array<i32>} : memref<64x768xf32, #tpu.memory_space<vmem>>, vector<1x16xf32>,
      %get3A_67 = arith.index_cast %scan3A_26 : i32 to index
      %get3A_68 = arith.constant 48 : index
      %get3A_69 = tpu.vector_load %arg8[%get3A_67, %get3A_68] {strides = array<i32>} : memref<64x768xf32, #tpu.memory_space<vmem>>, vector<1x16xf32>,
      %get3A_70 = vector.shape_cast %get3A_69 : vector<1x16xf32> to vector<16xf32>
      %get3A_71 = arith.index_cast %scan3A_26 : i32 to index
      %get3A_72 = arith.constant 48 : index
      %get3A_73 = tpu.vector_load %arg9[%get3A_71, %get3A_72] {strides = array<i32>} : memref<64x768xf32, #tpu.memory_space<vmem>>, vector<1x16xf32>,
      %get3A_74 = vector.shape_cast %get3A_73 : vector<1x16xf32> to vector<16xf32>
      %add3A_75 = arith.addf %get3A_70, %get3A_74 : vector<16xf32>
      %swap3A_76 = arith.index_cast %scan3A_26 : i32 to index
      %swap3A_77 = arith.constant 48 : index
      %swap3A_78 = tpu.vector_load %arg8[%swap3A_76, %swap3A_77] {strides = array<i32>} : memref<64x768xf32, #tpu.memory_space<vmem>>, vector<1x16xf32>,
      %swap3A_79 = vector.shape_cast %swap3A_78 : vector<1x16xf32> to vector<16xf32>
      %swap3A_80 = vector.shape_cast %add3A_75 : vector<16xf32> to vector<1x16xf32>
      tpu.vector_store %arg8[%swap3A_76, %swap3A_77], %swap3A_80 {strides = array<i32>} : memref<64x768xf32, #tpu.memory_space<vmem>>, vector<1x16xf32>,
      %get3A_81 = arith.index_cast %scan3A_26 : i32 to index
      %get3A_82 = arith.constant 64 : index
      %get3A_83 = tpu.vector_load %arg8[%get3A_81, %get3A_82] {strides = array<i32>} : memref<64x768xf32, #tpu.memory_space<vmem>>, vector<1x16xf32>,
      %get3A_84 = vector.shape_cast %get3A_83 : vector<1x16xf32> to vector<16xf32>
      %get3A_85 = arith.index_cast %scan3A_26 : i32 to index
      %get3A_86 = arith.constant 64 : index
      %get3A_87 = tpu.vector_load %arg9[%get3A_85, %get3A_86] {strides = array<i32>} : memref<64x768xf32, #tpu.memory_space<vmem>>, vector<1x16xf32>,
      %get3A_88 = vector.shape_cast %get3A_87 : vector<1x16xf32> to vector<16xf32>
      %add3A_89 = arith.addf %get3A_84, %get3A_88 : vector<16xf32>
      %swap3A_90 = arith.index_cast %scan3A_26 : i32 to index
      %swap3A_91 = arith.constant 64 : index
      %swap3A_92 = tpu.vector_load %arg8[%swap3A_90, %swap3A_91] {strides = array<i32>} : memref<64x768xf32, #tpu.memory_space<vmem>>, vector<1x16xf32>,
      %swap3A_93 = vector.shape_cast %swap3A_92 : vector<1x16xf32> to vector<16xf32>
      %swap3A_94 = vector.shape_cast %add3A_89 : vector<16xf32> to vector<1x16xf32>
      tpu.vector_store %arg8[%swap3A_90, %swap3A_91], %swap3A_94 {strides = array<i32>} : memref<64x768xf32, #tpu.memory_space<vmem>>, vector<1x16xf32>,
      %get3A_95 = arith.index_cast %scan3A_26 : i32 to index
      %get3A_96 = arith.constant 80 : index
      %get3A_97 = tpu.vector_load %arg8[%get3A_95, %get3A_96] {strides = array<i32>} : memref<64x768xf32, #tpu.memory_space<vmem>>, vector<1x16xf32>,
      %get3A_98 = vector.shape_cast %get3A_97 : vector<1x16xf32> to vector<16xf32>
      %get3A_99 = arith.index_cast %scan3A_26 : i32 to index
      %get3A_100 = arith.constant 80 : index
      %get3A_101 = tpu.vector_load %arg9[%get3A_99, %get3A_100] {strides = array<i32>} : memref<64x768xf32, #tpu.memory_space<vmem>>, vector<1x16xf32>,
      %get3A_102 = vector.shape_cast %get3A_101 : vector<1x16xf32> to vector<16xf32>
      %add3A_103 = arith.addf %get3A_98, %get3A_102 : vector<16xf32>
      %swap3A_104 = arith.index_cast %scan3A_26 : i32 to index
      %swap3A_105 = arith.constant 80 : index
      %swap3A_106 = tpu.vector_load %arg8[%swap3A_104, %swap3A_105] {strides = array<i32>} : memref<64x768xf32, #tpu.memory_space<vmem>>, vector<1x16xf32>,
      %swap3A_107 = vector.shape_cast %swap3A_106 : vector<1x16xf32> to vector<16xf32>
      %swap3A_108 = vector.shape_cast %add3A_103 : vector<16xf32> to vector<1x16xf32>
      tpu.vector_store %arg8[%swap3A_104, %swap3A_105], %swap3A_108 {strides = array<i32>} : memref<64x768xf32, #tpu.memory_space<vmem>>, vector<1x16xf32>,
      %get3A_109 = arith.index_cast %scan3A_26 : i32 to index
      %get3A_110 = arith.constant 96 : index
      %get3A_111 = tpu.vector_load %arg8[%get3A_109, %get3A_110] {strides = array<i32>} : memref<64x768xf32, #tpu.memory_space<vmem>>, vector<1x16xf32>,
      %get3A_112 = vector.shape_cast %get3A_111 : vector<1x16xf32> to vector<16xf32>
      %get3A_113 = arith.index_cast %scan3A_26 : i32 to index
      %get3A_114 = arith.constant 96 : index
      %get3A_115 = tpu.vector_load %arg9[%get3A_113, %get3A_114] {strides = array<i32>} : memref<64x768xf32, #tpu.memory_space<vmem>>, vector<1x16xf32>,
      %get3A_116 = vector.shape_cast %get3A_115 : vector<1x16xf32> to vector<16xf32>
      %add3A_117 = arith.addf %get3A_112, %get3A_116 : vector<16xf32>
      %swap3A_118 = arith.index_cast %scan3A_26 : i32 to index
      %swap3A_119 = arith.constant 96 : index
      %swap3A_120 = tpu.vector_load %arg8[%swap3A_118, %swap3A_119] {strides = array<i32>} : memref<64x768xf32, #tpu.memory_space<vmem>>, vector<1x16xf32>,
      %swap3A_121 = vector.shape_cast %swap3A_120 : vector<1x16xf32> to vector<16xf32>
      %swap3A_122 = vector.shape_cast %add3A_117 : vector<16xf32> to vector<1x16xf32>
      tpu.vector_store %arg8[%swap3A_118, %swap3A_119], %swap3A_122 {strides = array<i32>} : memref<64x768xf32, #tpu.memory_space<vmem>>, vector<1x16xf32>,
      %get3A_123 = arith.index_cast %scan3A_26 : i32 to index
      %get3A_124 = arith.constant 112 : index
      %get3A_125 = tpu.vector_load %arg8[%get3A_123, %get3A_124] {strides = array<i32>} : memref<64x768xf32, #tpu.memory_space<vmem>>, vector<1x16xf32>,
      %get3A_126 = vector.shape_cast %get3A_125 : vector<1x16xf32> to vector<16xf32>
      %get3A_127 = arith.index_cast %scan3A_26 : i32 to index
      %get3A_128 = arith.constant 112 : index
      %get3A_129 = tpu.vector_load %arg9[%get3A_127, %get3A_128] {strides = array<i32>} : memref<64x768xf32, #tpu.memory_space<vmem>>, vector<1x16xf32>,
      %get3A_130 = vector.shape_cast %get3A_129 : vector<1x16xf32> to vector<16xf32>
      %add3A_131 = arith.addf %get3A_126, %get3A_130 : vector<16xf32>
      %swap3A_132 = arith.index_cast %scan3A_26 : i32 to index
      %swap3A_133 = arith.constant 112 : index
      %swap3A_134 = tpu.vector_load %arg8[%swap3A_132, %swap3A_133] {strides = array<i32>} : memref<64x768xf32, #tpu.memory_space<vmem>>, vector<1x16xf32>,
      %swap3A_135 = vector.shape_cast %swap3A_134 : vector<1x16xf32> to vector<16xf32>
      %swap3A_136 = vector.shape_cast %add3A_131 : vector<16xf32> to vector<1x16xf32>
      tpu.vector_store %arg8[%swap3A_132, %swap3A_133], %swap3A_136 {strides = array<i32>} : memref<64x768xf32, #tpu.memory_space<vmem>>, vector<1x16xf32>,
      %get3A_137 = arith.index_cast %scan3A_26 : i32 to index
      %get3A_138 = arith.constant 128 : index
      %get3A_139 = tpu.vector_load %arg8[%get3A_137, %get3A_138] {strides = array<i32>} : memref<64x768xf32, #tpu.memory_space<vmem>>, vector<1x16xf32>,
      %get3A_140 = vector.shape_cast %get3A_139 : vector<1x16xf32> to vector<16xf32>
      %get3A_141 = arith.index_cast %scan3A_26 : i32 to index
      %get3A_142 = arith.constant 128 : index
      %get3A_143 = tpu.vector_load %arg9[%get3A_141, %get3A_142] {strides = array<i32>} : memref<64x768xf32, #tpu.memory_space<vmem>>, vector<1x16xf32>,
      %get3A_144 = vector.shape_cast %get3A_143 : vector<1x16xf32> to vector<16xf32>
      %add3A_145 = arith.addf %get3A_140, %get3A_144 : vector<16xf32>
      %swap3A_146 = arith.index_cast %scan3A_26 : i32 to index
      %swap3A_147 = arith.constant 128 : index
      %swap3A_148 = tpu.vector_load %arg8[%swap3A_146, %swap3A_147] {strides = array<i32>} : memref<64x768xf32, #tpu.memory_space<vmem>>, vector<1x16xf32>,
      %swap3A_149 = vector.shape_cast %swap3A_148 : vector<1x16xf32> to vector<16xf32>
      %swap3A_150 = vector.shape_cast %add3A_145 : vector<16xf32> to vector<1x16xf32>
      tpu.vector_store %arg8[%swap3A_146, %swap3A_147], %swap3A_150 {strides = array<i32>} : memref<64x768xf32, #tpu.memory_space<vmem>>, vector<1x16xf32>,
      %get3A_151 = arith.index_cast %scan3A_26 : i32 to index
      %get3A_152 = arith.constant 144 : index
      %get3A_153 = tpu.vector_load %arg8[%get3A_151, %get3A_152] {strides = array<i32>} : memref<64x768xf32, #tpu.memory_space<vmem>>, vector<1x16xf32>,
      %get3A_154 = vector.shape_cast %get3A_153 : vector<1x16xf32> to vector<16xf32>
      %get3A_155 = arith.index_cast %scan3A_26 : i32 to index
      %get3A_156 = arith.constant 144 : index
      %get3A_157 = tpu.vector_load %arg9[%get3A_155, %get3A_156] {strides = array<i32>} : memref<64x768xf32, #tpu.memory_space<vmem>>, vector<1x16xf32>,
      %get3A_158 = vector.shape_cast %get3A_157 : vector<1x16xf32> to vector<16xf32>
      %add3A_159 = arith.addf %get3A_154, %get3A_158 : vector<16xf32>
      %swap3A_160 = arith.index_cast %scan3A_26 : i32 to index
      %swap3A_161 = arith.constant 144 : index
      %swap3A_162 = tpu.vector_load %arg8[%swap3A_160, %swap3A_161] {strides = array<i32>} : memref<64x768xf32, #tpu.memory_space<vmem>>, vector<1x16xf32>,
      %swap3A_163 = vector.shape_cast %swap3A_162 : vector<1x16xf32> to vector<16xf32>
      %swap3A_164 = vector.shape_cast %add3A_159 : vector<16xf32> to vector<1x16xf32>
      tpu.vector_store %arg8[%swap3A_160, %swap3A_161], %swap3A_164 {strides = array<i32>} : memref<64x768xf32, #tpu.memory_space<vmem>>, vector<1x16xf32>,
      %get3A_165 = arith.index_cast %scan3A_26 : i32 to index
      %get3A_166 = arith.constant 160 : index
      %get3A_167 = tpu.vector_load %arg8[%get3A_165, %get3A_166] {strides = array<i32>} : memref<64x768xf32, #tpu.memory_space<vmem>>, vector<1x16xf32>,
      %get3A_168 = vector.shape_cast %get3A_167 : vector<1x16xf32> to vector<16xf32>
      %get3A_169 = arith.index_cast %scan3A_26 : i32 to index
      %get3A_170 = arith.constant 160 : index
      %get3A_171 = tpu.vector_load %arg9[%get3A_169, %get3A_170] {strides = array<i32>} : memref<64x768xf32, #tpu.memory_space<vmem>>, vector<1x16xf32>,
      %get3A_172 = vector.shape_cast %get3A_171 : vector<1x16xf32> to vector<16xf32>
      %add3A_173 = arith.addf %get3A_168, %get3A_172 : vector<16xf32>
      %swap3A_174 = arith.index_cast %scan3A_26 : i32 to index
      %swap3A_175 = arith.constant 160 : index
      %swap3A_176 = tpu.vector_load %arg8[%swap3A_174, %swap3A_175] {strides = array<i32>} : memref<64x768xf32, #tpu.memory_space<vmem>>, vector<1x16xf32>,
      %swap3A_177 = vector.shape_cast %swap3A_176 : vector<1x16xf32> to vector<16xf32>
      %swap3A_178 = vector.shape_cast %add3A_173 : vector<16xf32> to vector<1x16xf32>
      tpu.vector_store %arg8[%swap3A_174, %swap3A_175], %swap3A_178 {strides = array<i32>} : memref<64x768xf32, #tpu.memory_space<vmem>>, vector<1x16xf32>,
      %get3A_179 = arith.index_cast %scan3A_26 : i32 to index
      %get3A_180 = arith.constant 176 : index
      %get3A_181 = tpu.vector_load %arg8[%get3A_179, %get3A_180] {strides = array<i32>} : memref<64x768xf32, #tpu.memory_space<vmem>>, vector<1x16xf32>,
      %get3A_182 = vector.shape_cast %get3A_181 : vector<1x16xf32> to vector<16xf32>
      %get3A_183 = arith.index_cast %scan3A_26 : i32 to index
      %get3A_184 = arith.constant 176 : index
      %get3A_185 = tpu.vector_load %arg9[%get3A_183, %get3A_184] {strides = array<i32>} : memref<64x768xf32, #tpu.memory_space<vmem>>, vector<1x16xf32>,
      %get3A_186 = vector.shape_cast %get3A_185 : vector<1x16xf32> to vector<16xf32>
      %add3A_187 = arith.addf %get3A_182, %get3A_186 : vector<16xf32>
      %swap3A_188 = arith.index_cast %scan3A_26 : i32 to index
      %swap3A_189 = arith.constant 176 : index
      %swap3A_190 = tpu.vector_load %arg8[%swap3A_188, %swap3A_189] {strides = array<i32>} : memref<64x768xf32, #tpu.memory_space<vmem>>, vector<1x16xf32>,
      %swap3A_191 = vector.shape_cast %swap3A_190 : vector<1x16xf32> to vector<16xf32>
      %swap3A_192 = vector.shape_cast %add3A_187 : vector<16xf32> to vector<1x16xf32>
      tpu.vector_store %arg8[%swap3A_188, %swap3A_189], %swap3A_192 {strides = array<i32>} : memref<64x768xf32, #tpu.memory_space<vmem>>, vector<1x16xf32>,
      %get3A_193 = arith.index_cast %scan3A_26 : i32 to index
      %get3A_194 = arith.constant 192 : index
      %get3A_195 = tpu.vector_load %arg8[%get3A_193, %get3A_194] {strides = array<i32>} : memref<64x768xf32, #tpu.memory_space<vmem>>, vector<1x16xf32>,
      %get3A_196 = vector.shape_cast %get3A_195 : vector<1x16xf32> to vector<16xf32>
      %get3A_197 = arith.index_cast %scan3A_26 : i32 to index
      %get3A_198 = arith.constant 192 : index
      %get3A_199 = tpu.vector_load %arg9[%get3A_197, %get3A_198] {strides = array<i32>} : memref<64x768xf32, #tpu.memory_space<vmem>>, vector<1x16xf32>,
      %get3A_200 = vector.shape_cast %get3A_199 : vector<1x16xf32> to vector<16xf32>
      %add3A_201 = arith.addf %get3A_196, %get3A_200 : vector<16xf32>
      %swap3A_202 = arith.index_cast %scan3A_26 : i32 to index
      %swap3A_203 = arith.constant 192 : index
      %swap3A_204 = tpu.vector_load %arg8[%swap3A_202, %swap3A_203] {strides = array<i32>} : memref<64x768xf32, #tpu.memory_space<vmem>>, vector<1x16xf32>,
      %swap3A_205 = vector.shape_cast %swap3A_204 : vector<1x16xf32> to vector<16xf32>
      %swap3A_206 = vector.shape_cast %add3A_201 : vector<16xf32> to vector<1x16xf32>
      tpu.vector_store %arg8[%swap3A_202, %swap3A_203], %swap3A_206 {strides = array<i32>} : memref<64x768xf32, #tpu.memory_space<vmem>>, vector<1x16xf32>,
      %get3A_207 = arith.index_cast %scan3A_26 : i32 to index
      %get3A_208 = arith.constant 208 : index
      %get3A_209 = tpu.vector_load %arg8[%get3A_207, %get3A_208] {strides = array<i32>} : memref<64x768xf32, #tpu.memory_space<vmem>>, vector<1x16xf32>,
      %get3A_210 = vector.shape_cast %get3A_209 : vector<1x16xf32> to vector<16xf32>
      %get3A_211 = arith.index_cast %scan3A_26 : i32 to index
      %get3A_212 = arith.constant 208 : index
      %get3A_213 = tpu.vector_load %arg9[%get3A_211, %get3A_212] {strides = array<i32>} : memref<64x768xf32, #tpu.memory_space<vmem>>, vector<1x16xf32>,
      %get3A_214 = vector.shape_cast %get3A_213 : vector<1x16xf32> to vector<16xf32>
      %add3A_215 = arith.addf %get3A_210, %get3A_214 : vector<16xf32>
      %swap3A_216 = arith.index_cast %scan3A_26 : i32 to index
      %swap3A_217 = arith.constant 208 : index
      %swap3A_218 = tpu.vector_load %arg8[%swap3A_216, %swap3A_217] {strides = array<i32>} : memref<64x768xf32, #tpu.memory_space<vmem>>, vector<1x16xf32>,
      %swap3A_219 = vector.shape_cast %swap3A_218 : vector<1x16xf32> to vector<16xf32>
      %swap3A_220 = vector.shape_cast %add3A_215 : vector<16xf32> to vector<1x16xf32>
      tpu.vector_store %arg8[%swap3A_216, %swap3A_217], %swap3A_220 {strides = array<i32>} : memref<64x768xf32, #tpu.memory_space<vmem>>, vector<1x16xf32>,
      %get3A_221 = arith.index_cast %scan3A_26 : i32 to index
      %get3A_222 = arith.constant 224 : index
      %get3A_223 = tpu.vector_load %arg8[%get3A_221, %get3A_222] {strides = array<i32>} : memref<64x768xf32, #tpu.memory_space<vmem>>, vector<1x16xf32>,
      %get3A_224 = vector.shape_cast %get3A_223 : vector<1x16xf32> to vector<16xf32>
      %get3A_225 = arith.index_cast %scan3A_26 : i32 to index
      %get3A_226 = arith.constant 224 : index
      %get3A_227 = tpu.vector_load %arg9[%get3A_225, %get3A_226] {strides = array<i32>} : memref<64x768xf32, #tpu.memory_space<vmem>>, vector<1x16xf32>,
      %get3A_228 = vector.shape_cast %get3A_227 : vector<1x16xf32> to vector<16xf32>
      %add3A_229 = arith.addf %get3A_224, %get3A_228 : vector<16xf32>
      %swap3A_230 = arith.index_cast %scan3A_26 : i32 to index
      %swap3A_231 = arith.constant 224 : index
      %swap3A_232 = tpu.vector_load %arg8[%swap3A_230, %swap3A_231] {strides = array<i32>} : memref<64x768xf32, #tpu.memory_space<vmem>>, vector<1x16xf32>,
      %swap3A_233 = vector.shape_cast %swap3A_232 : vector<1x16xf32> to vector<16xf32>
      %swap3A_234 = vector.shape_cast %add3A_229 : vector<16xf32> to vector<1x16xf32>
      tpu.vector_store %arg8[%swap3A_230, %swap3A_231], %swap3A_234 {strides = array<i32>} : memref<64x768xf32, #tpu.memory_space<vmem>>, vector<1x16xf32>,
      %get3A_235 = arith.index_cast %scan3A_26 : i32 to index
      %get3A_236 = arith.constant 240 : index
      %get3A_237 = tpu.vector_load %arg8[%get3A_235, %get3A_236] {strides = array<i32>} : memref<64x768xf32, #tpu.memory_space<vmem>>, vector<1x16xf32>,
      %get3A_238 = vector.shape_cast %get3A_237 : vector<1x16xf32> to vector<16xf32>
      %get3A_239 = arith.index_cast %scan3A_26 : i32 to index
      %get3A_240 = arith.constant 240 : index
      %get3A_241 = tpu.vector_load %arg9[%get3A_239, %get3A_240] {strides = array<i32>} : memref<64x768xf32, #tpu.memory_space<vmem>>, vector<1x16xf32>,
      %get3A_242 = vector.shape_cast %get3A_241 : vector<1x16xf32> to vector<16xf32>
      %add3A_243 = arith.addf %get3A_238, %get3A_242 : vector<16xf32>
      %swap3A_244 = arith.index_cast %scan3A_26 : i32 to index
      %swap3A_245 = arith.constant 240 : index
      %swap3A_246 = tpu.vector_load %arg8[%swap3A_244, %swap3A_245] {strides = array<i32>} : memref<64x768xf32, #tpu.memory_space<vmem>>, vector<1x16xf32>,
      %swap3A_247 = vector.shape_cast %swap3A_246 : vector<1x16xf32> to vector<16xf32>
      %swap3A_248 = vector.shape_cast %add3A_243 : vector<16xf32> to vector<1x16xf32>
      tpu.vector_store %arg8[%swap3A_244, %swap3A_245], %swap3A_248 {strides = array<i32>} : memref<64x768xf32, #tpu.memory_space<vmem>>, vector<1x16xf32>,
      %get3A_249 = arith.index_cast %scan3A_26 : i32 to index
      %get3A_250 = arith.constant 256 : index
      %get3A_251 = tpu.vector_load %arg8[%get3A_249, %get3A_250] {strides = array<i32>} : memref<64x768xf32, #tpu.memory_space<vmem>>, vector<1x16xf32>,
      %get3A_252 = vector.shape_cast %get3A_251 : vector<1x16xf32> to vector<16xf32>
      %get3A_253 = arith.index_cast %scan3A_26 : i32 to index
      %get3A_254 = arith.constant 256 : index
      %get3A_255 = tpu.vector_load %arg9[%get3A_253, %get3A_254] {strides = array<i32>} : memref<64x768xf32, #tpu.memory_space<vmem>>, vector<1x16xf32>,
      %get3A_256 = vector.shape_cast %get3A_255 : vector<1x16xf32> to vector<16xf32>
      %add3A_257 = arith.addf %get3A_252, %get3A_256 : vector<16xf32>
      %swap3A_258 = arith.index_cast %scan3A_26 : i32 to index
      %swap3A_259 = arith.constant 256 : index
      %swap3A_260 = tpu.vector_load %arg8[%swap3A_258, %swap3A_259] {strides = array<i32>} : memref<64x768xf32, #tpu.memory_space<vmem>>, vector<1x16xf32>,
      %swap3A_261 = vector.shape_cast %swap3A_260 : vector<1x16xf32> to vector<16xf32>
      %swap3A_262 = vector.shape_cast %add3A_257 : vector<16xf32> to vector<1x16xf32>
      tpu.vector_store %arg8[%swap3A_258, %swap3A_259], %swap3A_262 {strides = array<i32>} : memref<64x768xf32, #tpu.memory_space<vmem>>, vector<1x16xf32>,
      %get3A_263 = arith.index_cast %scan3A_26 : i32 to index
      %get3A_264 = arith.constant 272 : index
      %get3A_265 = tpu.vector_load %arg8[%get3A_263, %get3A_264] {strides = array<i32>} : memref<64x768xf32, #tpu.memory_space<vmem>>, vector<1x16xf32>,
      %get3A_266 = vector.shape_cast %get3A_265 : vector<1x16xf32> to vector<16xf32>
      %get3A_267 = arith.index_cast %scan3A_26 : i32 to index
      %get3A_268 = arith.constant 272 : index
      %get3A_269 = tpu.vector_load %arg9[%get3A_267, %get3A_268] {strides = array<i32>} : memref<64x768xf32, #tpu.memory_space<vmem>>, vector<1x16xf32>,
      %get3A_270 = vector.shape_cast %get3A_269 : vector<1x16xf32> to vector<16xf32>
      %add3A_271 = arith.addf %get3A_266, %get3A_270 : vector<16xf32>
      %swap3A_272 = arith.index_cast %scan3A_26 : i32 to index
      %swap3A_273 = arith.constant 272 : index
      %swap3A_274 = tpu.vector_load %arg8[%swap3A_272, %swap3A_273] {strides = array<i32>} : memref<64x768xf32, #tpu.memory_space<vmem>>, vector<1x16xf32>,
      %swap3A_275 = vector.shape_cast %swap3A_274 : vector<1x16xf32> to vector<16xf32>
      %swap3A_276 = vector.shape_cast %add3A_271 : vector<16xf32> to vector<1x16xf32>
      tpu.vector_store %arg8[%swap3A_272, %swap3A_273], %swap3A_276 {strides = array<i32>} : memref<64x768xf32, #tpu.memory_space<vmem>>, vector<1x16xf32>,
      %get3A_277 = arith.index_cast %scan3A_26 : i32 to index
      %get3A_278 = arith.constant 288 : index
      %get3A_279 = tpu.vector_load %arg8[%get3A_277, %get3A_278] {strides = array<i32>} : memref<64x768xf32, #tpu.memory_space<vmem>>, vector<1x16xf32>,
      %get3A_280 = vector.shape_cast %get3A_279 : vector<1x16xf32> to vector<16xf32>
      %get3A_281 = arith.index_cast %scan3A_26 : i32 to index
      %get3A_282 = arith.constant 288 : index
      %get3A_283 = tpu.vector_load %arg9[%get3A_281, %get3A_282] {strides = array<i32>} : memref<64x768xf32, #tpu.memory_space<vmem>>, vector<1x16xf32>,
      %get3A_284 = vector.shape_cast %get3A_283 : vector<1x16xf32> to vector<16xf32>
      %add3A_285 = arith.addf %get3A_280, %get3A_284 : vector<16xf32>
      %swap3A_286 = arith.index_cast %scan3A_26 : i32 to index
      %swap3A_287 = arith.constant 288 : index
      %swap3A_288 = tpu.vector_load %arg8[%swap3A_286, %swap3A_287] {strides = array<i32>} : memref<64x768xf32, #tpu.memory_space<vmem>>, vector<1x16xf32>,
      %swap3A_289 = vector.shape_cast %swap3A_288 : vector<1x16xf32> to vector<16xf32>
      %swap3A_290 = vector.shape_cast %add3A_285 : vector<16xf32> to vector<1x16xf32>
      tpu.vector_store %arg8[%swap3A_286, %swap3A_287], %swap3A_290 {strides = array<i32>} : memref<64x768xf32, #tpu.memory_space<vmem>>, vector<1x16xf32>,
      %get3A_291 = arith.index_cast %scan3A_26 : i32 to index
      %get3A_292 = arith.constant 304 : index
      %get3A_293 = tpu.vector_load %arg8[%get3A_291, %get3A_292] {strides = array<i32>} : memref<64x768xf32, #tpu.memory_space<vmem>>, vector<1x16xf32>,
      %get3A_294 = vector.shape_cast %get3A_293 : vector<1x16xf32> to vector<16xf32>
      %get3A_295 = arith.index_cast %scan3A_26 : i32 to index
      %get3A_296 = arith.constant 304 : index
      %get3A_297 = tpu.vector_load %arg9[%get3A_295, %get3A_296] {strides = array<i32>} : memref<64x768xf32, #tpu.memory_space<vmem>>, vector<1x16xf32>,
      %get3A_298 = vector.shape_cast %get3A_297 : vector<1x16xf32> to vector<16xf32>
      %add3A_299 = arith.addf %get3A_294, %get3A_298 : vector<16xf32>
      %swap3A_300 = arith.index_cast %scan3A_26 : i32 to index
      %swap3A_301 = arith.constant 304 : index
      %swap3A_302 = tpu.vector_load %arg8[%swap3A_300, %swap3A_301] {strides = array<i32>} : memref<64x768xf32, #tpu.memory_space<vmem>>, vector<1x16xf32>,
      %swap3A_303 = vector.shape_cast %swap3A_302 : vector<1x16xf32> to vector<16xf32>
      %swap3A_304 = vector.shape_cast %add3A_299 : vector<16xf32> to vector<1x16xf32>
      tpu.vector_store %arg8[%swap3A_300, %swap3A_301], %swap3A_304 {strides = array<i32>} : memref<64x768xf32, #tpu.memory_space<vmem>>, vector<1x16xf32>,
      %get3A_305 = arith.index_cast %scan3A_26 : i32 to index
      %get3A_306 = arith.constant 320 : index
      %get3A_307 = tpu.vector_load %arg8[%get3A_305, %get3A_306] {strides = array<i32>} : memref<64x768xf32, #tpu.memory_space<vmem>>, vector<1x16xf32>,
      %get3A_308 = vector.shape_cast %get3A_307 : vector<1x16xf32> to vector<16xf32>
      %get3A_309 = arith.index_cast %scan3A_26 : i32 to index
      %get3A_310 = arith.constant 320 : index
      %get3A_311 = tpu.vector_load %arg9[%get3A_309, %get3A_310] {strides = array<i32>} : memref<64x768xf32, #tpu.memory_space<vmem>>, vector<1x16xf32>,
      %get3A_312 = vector.shape_cast %get3A_311 : vector<1x16xf32> to vector<16xf32>
      %add3A_313 = arith.addf %get3A_308, %get3A_312 : vector<16xf32>
      %swap3A_314 = arith.index_cast %scan3A_26 : i32 to index
      %swap3A_315 = arith.constant 320 : index
      %swap3A_316 = tpu.vector_load %arg8[%swap3A_314, %swap3A_315] {strides = array<i32>} : memref<64x768xf32, #tpu.memory_space<vmem>>, vector<1x16xf32>,
      %swap3A_317 = vector.shape_cast %swap3A_316 : vector<1x16xf32> to vector<16xf32>
      %swap3A_318 = vector.shape_cast %add3A_313 : vector<16xf32> to vector<1x16xf32>
      tpu.vector_store %arg8[%swap3A_314, %swap3A_315], %swap3A_318 {strides = array<i32>} : memref<64x768xf32, #tpu.memory_space<vmem>>, vector<1x16xf32>,
      %get3A_319 = arith.index_cast %scan3A_26 : i32 to index
      %get3A_320 = arith.constant 336 : index
      %get3A_321 = tpu.vector_load %arg8[%get3A_319, %get3A_320] {strides = array<i32>} : memref<64x768xf32, #tpu.memory_space<vmem>>, vector<1x16xf32>,
      %get3A_322 = vector.shape_cast %get3A_321 : vector<1x16xf32> to vector<16xf32>
      %get3A_323 = arith.index_cast %scan3A_26 : i32 to index
      %get3A_324 = arith.constant 336 : index
      %get3A_325 = tpu.vector_load %arg9[%get3A_323, %get3A_324] {strides = array<i32>} : memref<64x768xf32, #tpu.memory_space<vmem>>, vector<1x16xf32>,
      %get3A_326 = vector.shape_cast %get3A_325 : vector<1x16xf32> to vector<16xf32>
      %add3A_327 = arith.addf %get3A_322, %get3A_326 : vector<16xf32>
      %swap3A_328 = arith.index_cast %scan3A_26 : i32 to index
      %swap3A_329 = arith.constant 336 : index
      %swap3A_330 = tpu.vector_load %arg8[%swap3A_328, %swap3A_329] {strides = array<i32>} : memref<64x768xf32, #tpu.memory_space<vmem>>, vector<1x16xf32>,
      %swap3A_331 = vector.shape_cast %swap3A_330 : vector<1x16xf32> to vector<16xf32>
      %swap3A_332 = vector.shape_cast %add3A_327 : vector<16xf32> to vector<1x16xf32>
      tpu.vector_store %arg8[%swap3A_328, %swap3A_329], %swap3A_332 {strides = array<i32>} : memref<64x768xf32, #tpu.memory_space<vmem>>, vector<1x16xf32>,
      %get3A_333 = arith.index_cast %scan3A_26 : i32 to index
      %get3A_334 = arith.constant 352 : index
      %get3A_335 = tpu.vector_load %arg8[%get3A_333, %get3A_334] {strides = array<i32>} : memref<64x768xf32, #tpu.memory_space<vmem>>, vector<1x16xf32>,
      %get3A_336 = vector.shape_cast %get3A_335 : vector<1x16xf32> to vector<16xf32>
      %get3A_337 = arith.index_cast %scan3A_26 : i32 to index
      %get3A_338 = arith.constant 352 : index
      %get3A_339 = tpu.vector_load %arg9[%get3A_337, %get3A_338] {strides = array<i32>} : memref<64x768xf32, #tpu.memory_space<vmem>>, vector<1x16xf32>,
      %get3A_340 = vector.shape_cast %get3A_339 : vector<1x16xf32> to vector<16xf32>
      %add3A_341 = arith.addf %get3A_336, %get3A_340 : vector<16xf32>
      %swap3A_342 = arith.index_cast %scan3A_26 : i32 to index
      %swap3A_343 = arith.constant 352 : index
      %swap3A_344 = tpu.vector_load %arg8[%swap3A_342, %swap3A_343] {strides = array<i32>} : memref<64x768xf32, #tpu.memory_space<vmem>>, vector<1x16xf32>,
      %swap3A_345 = vector.shape_cast %swap3A_344 : vector<1x16xf32> to vector<16xf32>
      %swap3A_346 = vector.shape_cast %add3A_341 : vector<16xf32> to vector<1x16xf32>
      tpu.vector_store %arg8[%swap3A_342, %swap3A_343], %swap3A_346 {strides = array<i32>} : memref<64x768xf32, #tpu.memory_space<vmem>>, vector<1x16xf32>,
      %get3A_347 = arith.index_cast %scan3A_26 : i32 to index
      %get3A_348 = arith.constant 368 : index
      %get3A_349 = tpu.vector_load %arg8[%get3A_347, %get3A_348] {strides = array<i32>} : memref<64x768xf32, #tpu.memory_space<vmem>>, vector<1x16xf32>,
      %get3A_350 = vector.shape_cast %get3A_349 : vector<1x16xf32> to vector<16xf32>
      %get3A_351 = arith.index_cast %scan3A_26 : i32 to index
      %get3A_352 = arith.constant 368 : index
      %get3A_353 = tpu.vector_load %arg9[%get3A_351, %get3A_352] {strides = array<i32>} : memref<64x768xf32, #tpu.memory_space<vmem>>, vector<1x16xf32>,
      %get3A_354 = vector.shape_cast %get3A_353 : vector<1x16xf32> to vector<16xf32>
      %add3A_355 = arith.addf %get3A_350, %get3A_354 : vector<16xf32>
      %swap3A_356 = arith.index_cast %scan3A_26 : i32 to index
      %swap3A_357 = arith.constant 368 : index
      %swap3A_358 = tpu.vector_load %arg8[%swap3A_356, %swap3A_357] {strides = array<i32>} : memref<64x768xf32, #tpu.memory_space<vmem>>, vector<1x16xf32>,
      %swap3A_359 = vector.shape_cast %swap3A_358 : vector<1x16xf32> to vector<16xf32>
      %swap3A_360 = vector.shape_cast %add3A_355 : vector<16xf32> to vector<1x16xf32>
      tpu.vector_store %arg8[%swap3A_356, %swap3A_357], %swap3A_360 {strides = array<i32>} : memref<64x768xf32, #tpu.memory_space<vmem>>, vector<1x16xf32>,
      %get3A_361 = arith.index_cast %scan3A_26 : i32 to index
      %get3A_362 = arith.constant 384 : index
      %get3A_363 = tpu.vector_load %arg8[%get3A_361, %get3A_362] {strides = array<i32>} : memref<64x768xf32, #tpu.memory_space<vmem>>, vector<1x16xf32>,
      %get3A_364 = vector.shape_cast %get3A_363 : vector<1x16xf32> to vector<16xf32>
      %get3A_365 = arith.index_cast %scan3A_26 : i32 to index
      %get3A_366 = arith.constant 384 : index
      %get3A_367 = tpu.vector_load %arg9[%get3A_365, %get3A_366] {strides = array<i32>} : memref<64x768xf32, #tpu.memory_space<vmem>>, vector<1x16xf32>,
      %get3A_368 = vector.shape_cast %get3A_367 : vector<1x16xf32> to vector<16xf32>
      %add3A_369 = arith.addf %get3A_364, %get3A_368 : vector<16xf32>
      %swap3A_370 = arith.index_cast %scan3A_26 : i32 to index
      %swap3A_371 = arith.constant 384 : index
      %swap3A_372 = tpu.vector_load %arg8[%swap3A_370, %swap3A_371] {strides = array<i32>} : memref<64x768xf32, #tpu.memory_space<vmem>>, vector<1x16xf32>,
      %swap3A_373 = vector.shape_cast %swap3A_372 : vector<1x16xf32> to vector<16xf32>
      %swap3A_374 = vector.shape_cast %add3A_369 : vector<16xf32> to vector<1x16xf32>
      tpu.vector_store %arg8[%swap3A_370, %swap3A_371], %swap3A_374 {strides = array<i32>} : memref<64x768xf32, #tpu.memory_space<vmem>>, vector<1x16xf32>,
      %get3A_375 = arith.index_cast %scan3A_26 : i32 to index
      %get3A_376 = arith.constant 400 : index
      %get3A_377 = tpu.vector_load %arg8[%get3A_375, %get3A_376] {strides = array<i32>} : memref<64x768xf32, #tpu.memory_space<vmem>>, vector<1x16xf32>,
      %get3A_378 = vector.shape_cast %get3A_377 : vector<1x16xf32> to vector<16xf32>
      %get3A_379 = arith.index_cast %scan3A_26 : i32 to index
      %get3A_380 = arith.constant 400 : index
      %get3A_381 = tpu.vector_load %arg9[%get3A_379, %get3A_380] {strides = array<i32>} : memref<64x768xf32, #tpu.memory_space<vmem>>, vector<1x16xf32>,
      %get3A_382 = vector.shape_cast %get3A_381 : vector<1x16xf32> to vector<16xf32>
      %add3A_383 = arith.addf %get3A_378, %get3A_382 : vector<16xf32>
      %swap3A_384 = arith.index_cast %scan3A_26 : i32 to index
      %swap3A_385 = arith.constant 400 : index
      %swap3A_386 = tpu.vector_load %arg8[%swap3A_384, %swap3A_385] {strides = array<i32>} : memref<64x768xf32, #tpu.memory_space<vmem>>, vector<1x16xf32>,
      %swap3A_387 = vector.shape_cast %swap3A_386 : vector<1x16xf32> to vector<16xf32>
      %swap3A_388 = vector.shape_cast %add3A_383 : vector<16xf32> to vector<1x16xf32>
      tpu.vector_store %arg8[%swap3A_384, %swap3A_385], %swap3A_388 {strides = array<i32>} : memref<64x768xf32, #tpu.memory_space<vmem>>, vector<1x16xf32>,
      %get3A_389 = arith.index_cast %scan3A_26 : i32 to index
      %get3A_390 = arith.constant 416 : index
      %get3A_391 = tpu.vector_load %arg8[%get3A_389, %get3A_390] {strides = array<i32>} : memref<64x768xf32, #tpu.memory_space<vmem>>, vector<1x16xf32>,
      %get3A_392 = vector.shape_cast %get3A_391 : vector<1x16xf32> to vector<16xf32>
      %get3A_393 = arith.index_cast %scan3A_26 : i32 to index
      %get3A_394 = arith.constant 416 : index
      %get3A_395 = tpu.vector_load %arg9[%get3A_393, %get3A_394] {strides = array<i32>} : memref<64x768xf32, #tpu.memory_space<vmem>>, vector<1x16xf32>,
      %get3A_396 = vector.shape_cast %get3A_395 : vector<1x16xf32> to vector<16xf32>
      %add3A_397 = arith.addf %get3A_392, %get3A_396 : vector<16xf32>
      %swap3A_398 = arith.index_cast %scan3A_26 : i32 to index
      %swap3A_399 = arith.constant 416 : index
      %swap3A_400 = tpu.vector_load %arg8[%swap3A_398, %swap3A_399] {strides = array<i32>} : memref<64x768xf32, #tpu.memory_space<vmem>>, vector<1x16xf32>,
      %swap3A_401 = vector.shape_cast %swap3A_400 : vector<1x16xf32> to vector<16xf32>
      %swap3A_402 = vector.shape_cast %add3A_397 : vector<16xf32> to vector<1x16xf32>
      tpu.vector_store %arg8[%swap3A_398, %swap3A_399], %swap3A_402 {strides = array<i32>} : memref<64x768xf32, #tpu.memory_space<vmem>>, vector<1x16xf32>,
      %get3A_403 = arith.index_cast %scan3A_26 : i32 to index
      %get3A_404 = arith.constant 432 : index
      %get3A_405 = tpu.vector_load %arg8[%get3A_403, %get3A_404] {strides = array<i32>} : memref<64x768xf32, #tpu.memory_space<vmem>>, vector<1x16xf32>,
      %get3A_406 = vector.shape_cast %get3A_405 : vector<1x16xf32> to vector<16xf32>
      %get3A_407 = arith.index_cast %scan3A_26 : i32 to index
      %get3A_408 = arith.constant 432 : index
      %get3A_409 = tpu.vector_load %arg9[%get3A_407, %get3A_408] {strides = array<i32>} : memref<64x768xf32, #tpu.memory_space<vmem>>, vector<1x16xf32>,
      %get3A_410 = vector.shape_cast %get3A_409 : vector<1x16xf32> to vector<16xf32>
      %add3A_411 = arith.addf %get3A_406, %get3A_410 : vector<16xf32>
      %swap3A_412 = arith.index_cast %scan3A_26 : i32 to index
      %swap3A_413 = arith.constant 432 : index
      %swap3A_414 = tpu.vector_load %arg8[%swap3A_412, %swap3A_413] {strides = array<i32>} : memref<64x768xf32, #tpu.memory_space<vmem>>, vector<1x16xf32>,
      %swap3A_415 = vector.shape_cast %swap3A_414 : vector<1x16xf32> to vector<16xf32>
      %swap3A_416 = vector.shape_cast %add3A_411 : vector<16xf32> to vector<1x16xf32>
      tpu.vector_store %arg8[%swap3A_412, %swap3A_413], %swap3A_416 {strides = array<i32>} : memref<64x768xf32, #tpu.memory_space<vmem>>, vector<1x16xf32>,
      %get3A_417 = arith.index_cast %scan3A_26 : i32 to index
      %get3A_418 = arith.constant 448 : index
      %get3A_419 = tpu.vector_load %arg8[%get3A_417, %get3A_418] {strides = array<i32>} : memref<64x768xf32, #tpu.memory_space<vmem>>, vector<1x16xf32>,
      %get3A_420 = vector.shape_cast %get3A_419 : vector<1x16xf32> to vector<16xf32>
      %get3A_421 = arith.index_cast %scan3A_26 : i32 to index
      %get3A_422 = arith.constant 448 : index
      %get3A_423 = tpu.vector_load %arg9[%get3A_421, %get3A_422] {strides = array<i32>} : memref<64x768xf32, #tpu.memory_space<vmem>>, vector<1x16xf32>,
      %get3A_424 = vector.shape_cast %get3A_423 : vector<1x16xf32> to vector<16xf32>
      %add3A_425 = arith.addf %get3A_420, %get3A_424 : vector<16xf32>
      %swap3A_426 = arith.index_cast %scan3A_26 : i32 to index
      %swap3A_427 = arith.constant 448 : index
      %swap3A_428 = tpu.vector_load %arg8[%swap3A_426, %swap3A_427] {strides = array<i32>} : memref<64x768xf32, #tpu.memory_space<vmem>>, vector<1x16xf32>,
      %swap3A_429 = vector.shape_cast %swap3A_428 : vector<1x16xf32> to vector<16xf32>
      %swap3A_430 = vector.shape_cast %add3A_425 : vector<16xf32> to vector<1x16xf32>
      tpu.vector_store %arg8[%swap3A_426, %swap3A_427], %swap3A_430 {strides = array<i32>} : memref<64x768xf32, #tpu.memory_space<vmem>>, vector<1x16xf32>,
      %get3A_431 = arith.index_cast %scan3A_26 : i32 to index
      %get3A_432 = arith.constant 464 : index
      %get3A_433 = tpu.vector_load %arg8[%get3A_431, %get3A_432] {strides = array<i32>} : memref<64x768xf32, #tpu.memory_space<vmem>>, vector<1x16xf32>,
      %get3A_434 = vector.shape_cast %get3A_433 : vector<1x16xf32> to vector<16xf32>
      %get3A_435 = arith.index_cast %scan3A_26 : i32 to index
      %get3A_436 = arith.constant 464 : index
      %get3A_437 = tpu.vector_load %arg9[%get3A_435, %get3A_436] {strides = array<i32>} : memref<64x768xf32, #tpu.memory_space<vmem>>, vector<1x16xf32>,
      %get3A_438 = vector.shape_cast %get3A_437 : vector<1x16xf32> to vector<16xf32>
      %add3A_439 = arith.addf %get3A_434, %get3A_438 : vector<16xf32>
      %swap3A_440 = arith.index_cast %scan3A_26 : i32 to index
      %swap3A_441 = arith.constant 464 : index
      %swap3A_442 = tpu.vector_load %arg8[%swap3A_440, %swap3A_441] {strides = array<i32>} : memref<64x768xf32, #tpu.memory_space<vmem>>, vector<1x16xf32>,
      %swap3A_443 = vector.shape_cast %swap3A_442 : vector<1x16xf32> to vector<16xf32>
      %swap3A_444 = vector.shape_cast %add3A_439 : vector<16xf32> to vector<1x16xf32>
      tpu.vector_store %arg8[%swap3A_440, %swap3A_441], %swap3A_444 {strides = array<i32>} : memref<64x768xf32, #tpu.memory_space<vmem>>, vector<1x16xf32>,
      %get3A_445 = arith.index_cast %scan3A_26 : i32 to index
      %get3A_446 = arith.constant 480 : index
      %get3A_447 = tpu.vector_load %arg8[%get3A_445, %get3A_446] {strides = array<i32>} : memref<64x768xf32, #tpu.memory_space<vmem>>, vector<1x16xf32>,
      %get3A_448 = vector.shape_cast %get3A_447 : vector<1x16xf32> to vector<16xf32>
      %get3A_449 = arith.index_cast %scan3A_26 : i32 to index
      %get3A_450 = arith.constant 480 : index
      %get3A_451 = tpu.vector_load %arg9[%get3A_449, %get3A_450] {strides = array<i32>} : memref<64x768xf32, #tpu.memory_space<vmem>>, vector<1x16xf32>,
      %get3A_452 = vector.shape_cast %get3A_451 : vector<1x16xf32> to vector<16xf32>
      %add3A_453 = arith.addf %get3A_448, %get3A_452 : vector<16xf32>
      %swap3A_454 = arith.index_cast %scan3A_26 : i32 to index
      %swap3A_455 = arith.constant 480 : index
      %swap3A_456 = tpu.vector_load %arg8[%swap3A_454, %swap3A_455] {strides = array<i32>} : memref<64x768xf32, #tpu.memory_space<vmem>>, vector<1x16xf32>,
      %swap3A_457 = vector.shape_cast %swap3A_456 : vector<1x16xf32> to vector<16xf32>
      %swap3A_458 = vector.shape_cast %add3A_453 : vector<16xf32> to vector<1x16xf32>
      tpu.vector_store %arg8[%swap3A_454, %swap3A_455], %swap3A_458 {strides = array<i32>} : memref<64x768xf32, #tpu.memory_space<vmem>>, vector<1x16xf32>,
      %get3A_459 = arith.index_cast %scan3A_26 : i32 to index
      %get3A_460 = arith.constant 496 : index
      %get3A_461 = tpu.vector_load %arg8[%get3A_459, %get3A_460] {strides = array<i32>} : memref<64x768xf32, #tpu.memory_space<vmem>>, vector<1x16xf32>,
      %get3A_462 = vector.shape_cast %get3A_461 : vector<1x16xf32> to vector<16xf32>
      %get3A_463 = arith.index_cast %scan3A_26 : i32 to index
      %get3A_464 = arith.constant 496 : index
      %get3A_465 = tpu.vector_load %arg9[%get3A_463, %get3A_464] {strides = array<i32>} : memref<64x768xf32, #tpu.memory_space<vmem>>, vector<1x16xf32>,
      %get3A_466 = vector.shape_cast %get3A_465 : vector<1x16xf32> to vector<16xf32>
      %add3A_467 = arith.addf %get3A_462, %get3A_466 : vector<16xf32>
      %swap3A_468 = arith.index_cast %scan3A_26 : i32 to index
      %swap3A_469 = arith.constant 496 : index
      %swap3A_470 = tpu.vector_load %arg8[%swap3A_468, %swap3A_469] {strides = array<i32>} : memref<64x768xf32, #tpu.memory_space<vmem>>, vector<1x16xf32>,
      %swap3A_471 = vector.shape_cast %swap3A_470 : vector<1x16xf32> to vector<16xf32>
      %swap3A_472 = vector.shape_cast %add3A_467 : vector<16xf32> to vector<1x16xf32>
      tpu.vector_store %arg8[%swap3A_468, %swap3A_469], %swap3A_472 {strides = array<i32>} : memref<64x768xf32, #tpu.memory_space<vmem>>, vector<1x16xf32>,
      %get3A_473 = arith.index_cast %scan3A_26 : i32 to index
      %get3A_474 = arith.constant 512 : index
      %get3A_475 = tpu.vector_load %arg8[%get3A_473, %get3A_474] {strides = array<i32>} : memref<64x768xf32, #tpu.memory_space<vmem>>, vector<1x16xf32>,
      %get3A_476 = vector.shape_cast %get3A_475 : vector<1x16xf32> to vector<16xf32>
      %get3A_477 = arith.index_cast %scan3A_26 : i32 to index
      %get3A_478 = arith.constant 512 : index
      %get3A_479 = tpu.vector_load %arg9[%get3A_477, %get3A_478] {strides = array<i32>} : memref<64x768xf32, #tpu.memory_space<vmem>>, vector<1x16xf32>,
      %get3A_480 = vector.shape_cast %get3A_479 : vector<1x16xf32> to vector<16xf32>
      %add3A_481 = arith.addf %get3A_476, %get3A_480 : vector<16xf32>
      %swap3A_482 = arith.index_cast %scan3A_26 : i32 to index
      %swap3A_483 = arith.constant 512 : index
      %swap3A_484 = tpu.vector_load %arg8[%swap3A_482, %swap3A_483] {strides = array<i32>} : memref<64x768xf32, #tpu.memory_space<vmem>>, vector<1x16xf32>,
      %swap3A_485 = vector.shape_cast %swap3A_484 : vector<1x16xf32> to vector<16xf32>
      %swap3A_486 = vector.shape_cast %add3A_481 : vector<16xf32> to vector<1x16xf32>
      tpu.vector_store %arg8[%swap3A_482, %swap3A_483], %swap3A_486 {strides = array<i32>} : memref<64x768xf32, #tpu.memory_space<vmem>>, vector<1x16xf32>,
      %get3A_487 = arith.index_cast %scan3A_26 : i32 to index
      %get3A_488 = arith.constant 528 : index
      %get3A_489 = tpu.vector_load %arg8[%get3A_487, %get3A_488] {strides = array<i32>} : memref<64x768xf32, #tpu.memory_space<vmem>>, vector<1x16xf32>,
      %get3A_490 = vector.shape_cast %get3A_489 : vector<1x16xf32> to vector<16xf32>
      %get3A_491 = arith.index_cast %scan3A_26 : i32 to index
      %get3A_492 = arith.constant 528 : index
      %get3A_493 = tpu.vector_load %arg9[%get3A_491, %get3A_492] {strides = array<i32>} : memref<64x768xf32, #tpu.memory_space<vmem>>, vector<1x16xf32>,
      %get3A_494 = vector.shape_cast %get3A_493 : vector<1x16xf32> to vector<16xf32>
      %add3A_495 = arith.addf %get3A_490, %get3A_494 : vector<16xf32>
      %swap3A_496 = arith.index_cast %scan3A_26 : i32 to index
      %swap3A_497 = arith.constant 528 : index
      %swap3A_498 = tpu.vector_load %arg8[%swap3A_496, %swap3A_497] {strides = array<i32>} : memref<64x768xf32, #tpu.memory_space<vmem>>, vector<1x16xf32>,
      %swap3A_499 = vector.shape_cast %swap3A_498 : vector<1x16xf32> to vector<16xf32>
      %swap3A_500 = vector.shape_cast %add3A_495 : vector<16xf32> to vector<1x16xf32>
      tpu.vector_store %arg8[%swap3A_496, %swap3A_497], %swap3A_500 {strides = array<i32>} : memref<64x768xf32, #tpu.memory_space<vmem>>, vector<1x16xf32>,
      %get3A_501 = arith.index_cast %scan3A_26 : i32 to index
      %get3A_502 = arith.constant 544 : index
      %get3A_503 = tpu.vector_load %arg8[%get3A_501, %get3A_502] {strides = array<i32>} : memref<64x768xf32, #tpu.memory_space<vmem>>, vector<1x16xf32>,
      %get3A_504 = vector.shape_cast %get3A_503 : vector<1x16xf32> to vector<16xf32>
      %get3A_505 = arith.index_cast %scan3A_26 : i32 to index
      %get3A_506 = arith.constant 544 : index
      %get3A_507 = tpu.vector_load %arg9[%get3A_505, %get3A_506] {strides = array<i32>} : memref<64x768xf32, #tpu.memory_space<vmem>>, vector<1x16xf32>,
      %get3A_508 = vector.shape_cast %get3A_507 : vector<1x16xf32> to vector<16xf32>
      %add3A_509 = arith.addf %get3A_504, %get3A_508 : vector<16xf32>
      %swap3A_510 = arith.index_cast %scan3A_26 : i32 to index
      %swap3A_511 = arith.constant 544 : index
      %swap3A_512 = tpu.vector_load %arg8[%swap3A_510, %swap3A_511] {strides = array<i32>} : memref<64x768xf32, #tpu.memory_space<vmem>>, vector<1x16xf32>,
      %swap3A_513 = vector.shape_cast %swap3A_512 : vector<1x16xf32> to vector<16xf32>
      %swap3A_514 = vector.shape_cast %add3A_509 : vector<16xf32> to vector<1x16xf32>
      tpu.vector_store %arg8[%swap3A_510, %swap3A_511], %swap3A_514 {strides = array<i32>} : memref<64x768xf32, #tpu.memory_space<vmem>>, vector<1x16xf32>,
      %get3A_515 = arith.index_cast %scan3A_26 : i32 to index
      %get3A_516 = arith.constant 560 : index
      %get3A_517 = tpu.vector_load %arg8[%get3A_515, %get3A_516] {strides = array<i32>} : memref<64x768xf32, #tpu.memory_space<vmem>>, vector<1x16xf32>,
      %get3A_518 = vector.shape_cast %get3A_517 : vector<1x16xf32> to vector<16xf32>
      %get3A_519 = arith.index_cast %scan3A_26 : i32 to index
      %get3A_520 = arith.constant 560 : index
      %get3A_521 = tpu.vector_load %arg9[%get3A_519, %get3A_520] {strides = array<i32>} : memref<64x768xf32, #tpu.memory_space<vmem>>, vector<1x16xf32>,
      %get3A_522 = vector.shape_cast %get3A_521 : vector<1x16xf32> to vector<16xf32>
      %add3A_523 = arith.addf %get3A_518, %get3A_522 : vector<16xf32>
      %swap3A_524 = arith.index_cast %scan3A_26 : i32 to index
      %swap3A_525 = arith.constant 560 : index
      %swap3A_526 = tpu.vector_load %arg8[%swap3A_524, %swap3A_525] {strides = array<i32>} : memref<64x768xf32, #tpu.memory_space<vmem>>, vector<1x16xf32>,
      %swap3A_527 = vector.shape_cast %swap3A_526 : vector<1x16xf32> to vector<16xf32>
      %swap3A_528 = vector.shape_cast %add3A_523 : vector<16xf32> to vector<1x16xf32>
      tpu.vector_store %arg8[%swap3A_524, %swap3A_525], %swap3A_528 {strides = array<i32>} : memref<64x768xf32, #tpu.memory_space<vmem>>, vector<1x16xf32>,
      %get3A_529 = arith.index_cast %scan3A_26 : i32 to index
      %get3A_530 = arith.constant 576 : index
      %get3A_531 = tpu.vector_load %arg8[%get3A_529, %get3A_530] {strides = array<i32>} : memref<64x768xf32, #tpu.memory_space<vmem>>, vector<1x16xf32>,
      %get3A_532 = vector.shape_cast %get3A_531 : vector<1x16xf32> to vector<16xf32>
      %get3A_533 = arith.index_cast %scan3A_26 : i32 to index
      %get3A_534 = arith.constant 576 : index
      %get3A_535 = tpu.vector_load %arg9[%get3A_533, %get3A_534] {strides = array<i32>} : memref<64x768xf32, #tpu.memory_space<vmem>>, vector<1x16xf32>,
      %get3A_536 = vector.shape_cast %get3A_535 : vector<1x16xf32> to vector<16xf32>
      %add3A_537 = arith.addf %get3A_532, %get3A_536 : vector<16xf32>
      %swap3A_538 = arith.index_cast %scan3A_26 : i32 to index
      %swap3A_539 = arith.constant 576 : index
      %swap3A_540 = tpu.vector_load %arg8[%swap3A_538, %swap3A_539] {strides = array<i32>} : memref<64x768xf32, #tpu.memory_space<vmem>>, vector<1x16xf32>,
      %swap3A_541 = vector.shape_cast %swap3A_540 : vector<1x16xf32> to vector<16xf32>
      %swap3A_542 = vector.shape_cast %add3A_537 : vector<16xf32> to vector<1x16xf32>
      tpu.vector_store %arg8[%swap3A_538, %swap3A_539], %swap3A_542 {strides = array<i32>} : memref<64x768xf32, #tpu.memory_space<vmem>>, vector<1x16xf32>,
      %get3A_543 = arith.index_cast %scan3A_26 : i32 to index
      %get3A_544 = arith.constant 592 : index
      %get3A_545 = tpu.vector_load %arg8[%get3A_543, %get3A_544] {strides = array<i32>} : memref<64x768xf32, #tpu.memory_space<vmem>>, vector<1x16xf32>,
      %get3A_546 = vector.shape_cast %get3A_545 : vector<1x16xf32> to vector<16xf32>
      %get3A_547 = arith.index_cast %scan3A_26 : i32 to index
      %get3A_548 = arith.constant 592 : index
      %get3A_549 = tpu.vector_load %arg9[%get3A_547, %get3A_548] {strides = array<i32>} : memref<64x768xf32, #tpu.memory_space<vmem>>, vector<1x16xf32>,
      %get3A_550 = vector.shape_cast %get3A_549 : vector<1x16xf32> to vector<16xf32>
      %add3A_551 = arith.addf %get3A_546, %get3A_550 : vector<16xf32>
      %swap3A_552 = arith.index_cast %scan3A_26 : i32 to index
      %swap3A_553 = arith.constant 592 : index
      %swap3A_554 = tpu.vector_load %arg8[%swap3A_552, %swap3A_553] {strides = array<i32>} : memref<64x768xf32, #tpu.memory_space<vmem>>, vector<1x16xf32>,
      %swap3A_555 = vector.shape_cast %swap3A_554 : vector<1x16xf32> to vector<16xf32>
      %swap3A_556 = vector.shape_cast %add3A_551 : vector<16xf32> to vector<1x16xf32>
      tpu.vector_store %arg8[%swap3A_552, %swap3A_553], %swap3A_556 {strides = array<i32>} : memref<64x768xf32, #tpu.memory_space<vmem>>, vector<1x16xf32>,
      %get3A_557 = arith.index_cast %scan3A_26 : i32 to index
      %get3A_558 = arith.constant 608 : index
      %get3A_559 = tpu.vector_load %arg8[%get3A_557, %get3A_558] {strides = array<i32>} : memref<64x768xf32, #tpu.memory_space<vmem>>, vector<1x16xf32>,
      %get3A_560 = vector.shape_cast %get3A_559 : vector<1x16xf32> to vector<16xf32>
      %get3A_561 = arith.index_cast %scan3A_26 : i32 to index
      %get3A_562 = arith.constant 608 : index
      %get3A_563 = tpu.vector_load %arg9[%get3A_561, %get3A_562] {strides = array<i32>} : memref<64x768xf32, #tpu.memory_space<vmem>>, vector<1x16xf32>,
      %get3A_564 = vector.shape_cast %get3A_563 : vector<1x16xf32> to vector<16xf32>
      %add3A_565 = arith.addf %get3A_560, %get3A_564 : vector<16xf32>
      %swap3A_566 = arith.index_cast %scan3A_26 : i32 to index
      %swap3A_567 = arith.constant 608 : index
      %swap3A_568 = tpu.vector_load %arg8[%swap3A_566, %swap3A_567] {strides = array<i32>} : memref<64x768xf32, #tpu.memory_space<vmem>>, vector<1x16xf32>,
      %swap3A_569 = vector.shape_cast %swap3A_568 : vector<1x16xf32> to vector<16xf32>
      %swap3A_570 = vector.shape_cast %add3A_565 : vector<16xf32> to vector<1x16xf32>
      tpu.vector_store %arg8[%swap3A_566, %swap3A_567], %swap3A_570 {strides = array<i32>} : memref<64x768xf32, #tpu.memory_space<vmem>>, vector<1x16xf32>,
      %get3A_571 = arith.index_cast %scan3A_26 : i32 to index
      %get3A_572 = arith.constant 624 : index
      %get3A_573 = tpu.vector_load %arg8[%get3A_571, %get3A_572] {strides = array<i32>} : memref<64x768xf32, #tpu.memory_space<vmem>>, vector<1x16xf32>,
      %get3A_574 = vector.shape_cast %get3A_573 : vector<1x16xf32> to vector<16xf32>
      %get3A_575 = arith.index_cast %scan3A_26 : i32 to index
      %get3A_576 = arith.constant 624 : index
      %get3A_577 = tpu.vector_load %arg9[%get3A_575, %get3A_576] {strides = array<i32>} : memref<64x768xf32, #tpu.memory_space<vmem>>, vector<1x16xf32>,
      %get3A_578 = vector.shape_cast %get3A_577 : vector<1x16xf32> to vector<16xf32>
      %add3A_579 = arith.addf %get3A_574, %get3A_578 : vector<16xf32>
      %swap3A_580 = arith.index_cast %scan3A_26 : i32 to index
      %swap3A_581 = arith.constant 624 : index
      %swap3A_582 = tpu.vector_load %arg8[%swap3A_580, %swap3A_581] {strides = array<i32>} : memref<64x768xf32, #tpu.memory_space<vmem>>, vector<1x16xf32>,
      %swap3A_583 = vector.shape_cast %swap3A_582 : vector<1x16xf32> to vector<16xf32>
      %swap3A_584 = vector.shape_cast %add3A_579 : vector<16xf32> to vector<1x16xf32>
      tpu.vector_store %arg8[%swap3A_580, %swap3A_581], %swap3A_584 {strides = array<i32>} : memref<64x768xf32, #tpu.memory_space<vmem>>, vector<1x16xf32>,
      %get3A_585 = arith.index_cast %scan3A_26 : i32 to index
      %get3A_586 = arith.constant 640 : index
      %get3A_587 = tpu.vector_load %arg8[%get3A_585, %get3A_586] {strides = array<i32>} : memref<64x768xf32, #tpu.memory_space<vmem>>, vector<1x16xf32>,
      %get3A_588 = vector.shape_cast %get3A_587 : vector<1x16xf32> to vector<16xf32>
      %get3A_589 = arith.index_cast %scan3A_26 : i32 to index
      %get3A_590 = arith.constant 640 : index
      %get3A_591 = tpu.vector_load %arg9[%get3A_589, %get3A_590] {strides = array<i32>} : memref<64x768xf32, #tpu.memory_space<vmem>>, vector<1x16xf32>,
      %get3A_592 = vector.shape_cast %get3A_591 : vector<1x16xf32> to vector<16xf32>
      %add3A_593 = arith.addf %get3A_588, %get3A_592 : vector<16xf32>
      %swap3A_594 = arith.index_cast %scan3A_26 : i32 to index
      %swap3A_595 = arith.constant 640 : index
      %swap3A_596 = tpu.vector_load %arg8[%swap3A_594, %swap3A_595] {strides = array<i32>} : memref<64x768xf32, #tpu.memory_space<vmem>>, vector<1x16xf32>,
      %swap3A_597 = vector.shape_cast %swap3A_596 : vector<1x16xf32> to vector<16xf32>
      %swap3A_598 = vector.shape_cast %add3A_593 : vector<16xf32> to vector<1x16xf32>
      tpu.vector_store %arg8[%swap3A_594, %swap3A_595], %swap3A_598 {strides = array<i32>} : memref<64x768xf32, #tpu.memory_space<vmem>>, vector<1x16xf32>,
      %get3A_599 = arith.index_cast %scan3A_26 : i32 to index
      %get3A_600 = arith.constant 656 : index
      %get3A_601 = tpu.vector_load %arg8[%get3A_599, %get3A_600] {strides = array<i32>} : memref<64x768xf32, #tpu.memory_space<vmem>>, vector<1x16xf32>,
      %get3A_602 = vector.shape_cast %get3A_601 : vector<1x16xf32> to vector<16xf32>
      %get3A_603 = arith.index_cast %scan3A_26 : i32 to index
      %get3A_604 = arith.constant 656 : index
      %get3A_605 = tpu.vector_load %arg9[%get3A_603, %get3A_604] {strides = array<i32>} : memref<64x768xf32, #tpu.memory_space<vmem>>, vector<1x16xf32>,
      %get3A_606 = vector.shape_cast %get3A_605 : vector<1x16xf32> to vector<16xf32>
      %add3A_607 = arith.addf %get3A_602, %get3A_606 : vector<16xf32>
      %swap3A_608 = arith.index_cast %scan3A_26 : i32 to index
      %swap3A_609 = arith.constant 656 : index
      %swap3A_610 = tpu.vector_load %arg8[%swap3A_608, %swap3A_609] {strides = array<i32>} : memref<64x768xf32, #tpu.memory_space<vmem>>, vector<1x16xf32>,
      %swap3A_611 = vector.shape_cast %swap3A_610 : vector<1x16xf32> to vector<16xf32>
      %swap3A_612 = vector.shape_cast %add3A_607 : vector<16xf32> to vector<1x16xf32>
      tpu.vector_store %arg8[%swap3A_608, %swap3A_609], %swap3A_612 {strides = array<i32>} : memref<64x768xf32, #tpu.memory_space<vmem>>, vector<1x16xf32>,
      %get3A_613 = arith.index_cast %scan3A_26 : i32 to index
      %get3A_614 = arith.constant 672 : index
      %get3A_615 = tpu.vector_load %arg8[%get3A_613, %get3A_614] {strides = array<i32>} : memref<64x768xf32, #tpu.memory_space<vmem>>, vector<1x16xf32>,
      %get3A_616 = vector.shape_cast %get3A_615 : vector<1x16xf32> to vector<16xf32>
      %get3A_617 = arith.index_cast %scan3A_26 : i32 to index
      %get3A_618 = arith.constant 672 : index
      %get3A_619 = tpu.vector_load %arg9[%get3A_617, %get3A_618] {strides = array<i32>} : memref<64x768xf32, #tpu.memory_space<vmem>>, vector<1x16xf32>,
      %get3A_620 = vector.shape_cast %get3A_619 : vector<1x16xf32> to vector<16xf32>
      %add3A_621 = arith.addf %get3A_616, %get3A_620 : vector<16xf32>
      %swap3A_622 = arith.index_cast %scan3A_26 : i32 to index
      %swap3A_623 = arith.constant 672 : index
      %swap3A_624 = tpu.vector_load %arg8[%swap3A_622, %swap3A_623] {strides = array<i32>} : memref<64x768xf32, #tpu.memory_space<vmem>>, vector<1x16xf32>,
      %swap3A_625 = vector.shape_cast %swap3A_624 : vector<1x16xf32> to vector<16xf32>
      %swap3A_626 = vector.shape_cast %add3A_621 : vector<16xf32> to vector<1x16xf32>
      tpu.vector_store %arg8[%swap3A_622, %swap3A_623], %swap3A_626 {strides = array<i32>} : memref<64x768xf32, #tpu.memory_space<vmem>>, vector<1x16xf32>,
      %get3A_627 = arith.index_cast %scan3A_26 : i32 to index
      %get3A_628 = arith.constant 688 : index
      %get3A_629 = tpu.vector_load %arg8[%get3A_627, %get3A_628] {strides = array<i32>} : memref<64x768xf32, #tpu.memory_space<vmem>>, vector<1x16xf32>,
      %get3A_630 = vector.shape_cast %get3A_629 : vector<1x16xf32> to vector<16xf32>
      %get3A_631 = arith.index_cast %scan3A_26 : i32 to index
      %get3A_632 = arith.constant 688 : index
      %get3A_633 = tpu.vector_load %arg9[%get3A_631, %get3A_632] {strides = array<i32>} : memref<64x768xf32, #tpu.memory_space<vmem>>, vector<1x16xf32>,
      %get3A_634 = vector.shape_cast %get3A_633 : vector<1x16xf32> to vector<16xf32>
      %add3A_635 = arith.addf %get3A_630, %get3A_634 : vector<16xf32>
      %swap3A_636 = arith.index_cast %scan3A_26 : i32 to index
      %swap3A_637 = arith.constant 688 : index
      %swap3A_638 = tpu.vector_load %arg8[%swap3A_636, %swap3A_637] {strides = array<i32>} : memref<64x768xf32, #tpu.memory_space<vmem>>, vector<1x16xf32>,
      %swap3A_639 = vector.shape_cast %swap3A_638 : vector<1x16xf32> to vector<16xf32>
      %swap3A_640 = vector.shape_cast %add3A_635 : vector<16xf32> to vector<1x16xf32>
      tpu.vector_store %arg8[%swap3A_636, %swap3A_637], %swap3A_640 {strides = array<i32>} : memref<64x768xf32, #tpu.memory_space<vmem>>, vector<1x16xf32>,
      %get3A_641 = arith.index_cast %scan3A_26 : i32 to index
      %get3A_642 = arith.constant 704 : index
      %get3A_643 = tpu.vector_load %arg8[%get3A_641, %get3A_642] {strides = array<i32>} : memref<64x768xf32, #tpu.memory_space<vmem>>, vector<1x16xf32>,
      %get3A_644 = vector.shape_cast %get3A_643 : vector<1x16xf32> to vector<16xf32>
      %get3A_645 = arith.index_cast %scan3A_26 : i32 to index
      %get3A_646 = arith.constant 704 : index
      %get3A_647 = tpu.vector_load %arg9[%get3A_645, %get3A_646] {strides = array<i32>} : memref<64x768xf32, #tpu.memory_space<vmem>>, vector<1x16xf32>,
      %get3A_648 = vector.shape_cast %get3A_647 : vector<1x16xf32> to vector<16xf32>
      %add3A_649 = arith.addf %get3A_644, %get3A_648 : vector<16xf32>
      %swap3A_650 = arith.index_cast %scan3A_26 : i32 to index
      %swap3A_651 = arith.constant 704 : index
      %swap3A_652 = tpu.vector_load %arg8[%swap3A_650, %swap3A_651] {strides = array<i32>} : memref<64x768xf32, #tpu.memory_space<vmem>>, vector<1x16xf32>,
      %swap3A_653 = vector.shape_cast %swap3A_652 : vector<1x16xf32> to vector<16xf32>
      %swap3A_654 = vector.shape_cast %add3A_649 : vector<16xf32> to vector<1x16xf32>
      tpu.vector_store %arg8[%swap3A_650, %swap3A_651], %swap3A_654 {strides = array<i32>} : memref<64x768xf32, #tpu.memory_space<vmem>>, vector<1x16xf32>,
      %get3A_655 = arith.index_cast %scan3A_26 : i32 to index
      %get3A_656 = arith.constant 720 : index
      %get3A_657 = tpu.vector_load %arg8[%get3A_655, %get3A_656] {strides = array<i32>} : memref<64x768xf32, #tpu.memory_space<vmem>>, vector<1x16xf32>,
      %get3A_658 = vector.shape_cast %get3A_657 : vector<1x16xf32> to vector<16xf32>
      %get3A_659 = arith.index_cast %scan3A_26 : i32 to index
      %get3A_660 = arith.constant 720 : index
      %get3A_661 = tpu.vector_load %arg9[%get3A_659, %get3A_660] {strides = array<i32>} : memref<64x768xf32, #tpu.memory_space<vmem>>, vector<1x16xf32>,
      %get3A_662 = vector.shape_cast %get3A_661 : vector<1x16xf32> to vector<16xf32>
      %add3A_663 = arith.addf %get3A_658, %get3A_662 : vector<16xf32>
      %swap3A_664 = arith.index_cast %scan3A_26 : i32 to index
      %swap3A_665 = arith.constant 720 : index
      %swap3A_666 = tpu.vector_load %arg8[%swap3A_664, %swap3A_665] {strides = array<i32>} : memref<64x768xf32, #tpu.memory_space<vmem>>, vector<1x16xf32>,
      %swap3A_667 = vector.shape_cast %swap3A_666 : vector<1x16xf32> to vector<16xf32>
      %swap3A_668 = vector.shape_cast %add3A_663 : vector<16xf32> to vector<1x16xf32>
      tpu.vector_store %arg8[%swap3A_664, %swap3A_665], %swap3A_668 {strides = array<i32>} : memref<64x768xf32, #tpu.memory_space<vmem>>, vector<1x16xf32>,
      %get3A_669 = arith.index_cast %scan3A_26 : i32 to index
      %get3A_670 = arith.constant 736 : index
      %get3A_671 = tpu.vector_load %arg8[%get3A_669, %get3A_670] {strides = array<i32>} : memref<64x768xf32, #tpu.memory_space<vmem>>, vector<1x16xf32>,
      %get3A_672 = vector.shape_cast %get3A_671 : vector<1x16xf32> to vector<16xf32>
      %get3A_673 = arith.index_cast %scan3A_26 : i32 to index
      %get3A_674 = arith.constant 736 : index
      %get3A_675 = tpu.vector_load %arg9[%get3A_673, %get3A_674] {strides = array<i32>} : memref<64x768xf32, #tpu.memory_space<vmem>>, vector<1x16xf32>,
      %get3A_676 = vector.shape_cast %get3A_675 : vector<1x16xf32> to vector<16xf32>
      %add3A_677 = arith.addf %get3A_672, %get3A_676 : vector<16xf32>
      %swap3A_678 = arith.index_cast %scan3A_26 : i32 to index
      %swap3A_679 = arith.constant 736 : index
      %swap3A_680 = tpu.vector_load %arg8[%swap3A_678, %swap3A_679] {strides = array<i32>} : memref<64x768xf32, #tpu.memory_space<vmem>>, vector<1x16xf32>,
      %swap3A_681 = vector.shape_cast %swap3A_680 : vector<1x16xf32> to vector<16xf32>
      %swap3A_682 = vector.shape_cast %add3A_677 : vector<16xf32> to vector<1x16xf32>
      tpu.vector_store %arg8[%swap3A_678, %swap3A_679], %swap3A_682 {strides = array<i32>} : memref<64x768xf32, #tpu.memory_space<vmem>>, vector<1x16xf32>,
      %get3A_683 = arith.index_cast %scan3A_26 : i32 to index
      %get3A_684 = arith.constant 752 : index
      %get3A_685 = tpu.vector_load %arg8[%get3A_683, %get3A_684] {strides = array<i32>} : memref<64x768xf32, #tpu.memory_space<vmem>>, vector<1x16xf32>,
      %get3A_686 = vector.shape_cast %get3A_685 : vector<1x16xf32> to vector<16xf32>
      %get3A_687 = arith.index_cast %scan3A_26 : i32 to index
      %get3A_688 = arith.constant 752 : index
      %get3A_689 = tpu.vector_load %arg9[%get3A_687, %get3A_688] {strides = array<i32>} : memref<64x768xf32, #tpu.memory_space<vmem>>, vector<1x16xf32>,
      %get3A_690 = vector.shape_cast %get3A_689 : vector<1x16xf32> to vector<16xf32>
      %add3A_691 = arith.addf %get3A_686, %get3A_690 : vector<16xf32>
      %swap3A_692 = arith.index_cast %scan3A_26 : i32 to index
      %swap3A_693 = arith.constant 752 : index
      %swap3A_694 = tpu.vector_load %arg8[%swap3A_692, %swap3A_693] {strides = array<i32>} : memref<64x768xf32, #tpu.memory_space<vmem>>, vector<1x16xf32>,
      %swap3A_695 = vector.shape_cast %swap3A_694 : vector<1x16xf32> to vector<16xf32>
      %swap3A_696 = vector.shape_cast %add3A_691 : vector<16xf32> to vector<1x16xf32>
      tpu.vector_store %arg8[%swap3A_692, %swap3A_693], %swap3A_696 {strides = array<i32>} : memref<64x768xf32, #tpu.memory_space<vmem>>, vector<1x16xf32>,
    }
    %scan3A_25 = arith.constant 64 : i32
    "tpu.region"() ({
      %run_scoped3A = tpu.sem_alloc : memref<!tpu.dma_semaphore, #tpu.memory_space<semaphore_mem>>
      %dma_start3A_26 = arith.constant 0 : i32
      %dma_start3A_27 = tpu.memref_slice %arg5[%mul3A_2, %dma_start3A_26] : memref<2048x768xf32, #tpu.memory_space<hbm>> -> memref<64x768xf32, #tpu.memory_space<hbm>>
      %dma_start3A_28 = arith.constant 0 : i32
      %dma_start3A_29 = tpu.memref_slice %arg5[%mul3A_2, %dma_start3A_28] : memref<2048x768xf32, #tpu.memory_space<hbm>> -> memref<64x768xf32, #tpu.memory_space<hbm>>
      tpu.enqueue_dma source(%arg8 : memref<64x768xf32, #tpu.memory_space<vmem>>) target(%dma_start3A_29 : memref<64x768xf32, #tpu.memory_space<hbm>>) target_semaphore(%run_scoped3A : memref<!tpu.dma_semaphore, #tpu.memory_space<semaphore_mem>>)
      %dma_wait3A_30 = arith.constant 0 : i32
      %dma_wait3A_31 = tpu.memref_slice %arg5[%mul3A_2, %dma_wait3A_30] : memref<2048x768xf32, #tpu.memory_space<hbm>> -> memref<64x768xf32, #tpu.memory_space<hbm>>
      %dma_wait3A_32 = arith.constant 0 : i32
      %dma_wait3A_33 = tpu.memref_slice %arg5[%mul3A_2, %dma_wait3A_32] : memref<2048x768xf32, #tpu.memory_space<hbm>> -> memref<64x768xf32, #tpu.memory_space<hbm>>
      tpu.wait_dma2 semaphore(%run_scoped3A : memref<!tpu.dma_semaphore, #tpu.memory_space<semaphore_mem>>) src(%arg8 : memref<64x768xf32, #tpu.memory_space<vmem>>) dst(%dma_wait3A_33 : memref<64x768xf32, #tpu.memory_space<hbm>>)
      tpu.yield
    }) : () -> ()
    return
  }
}

#map = affine_map<(d0, d1) -> (0, 0)>
#map1 = affine_map<(d0, d1) -> (0, 0, 0)>
#map2 = affine_map<(d0, d1) -> (0)>
module attributes {stable_mosaic.version = 14 : i64} {
  func.func @dispatch(%arg0: i32, %arg1: i32, %arg2: memref<2048x768xf32, #tpu.memory_space<hbm>>, %arg3: memref<32x2x64xi32, #tpu.memory_space<hbm>>, %arg4: memref<32x128xf32, #tpu.memory_space<hbm>>, %arg5: memref<6144x768xf32, #tpu.memory_space<hbm>>, %arg6: memref<6144xf32, #tpu.memory_space<hbm>>, %arg7: memref<64xi32, #tpu.memory_space<vmem>>, %arg8: memref<64xi32, #tpu.memory_space<vmem>>, %arg9: memref<128xf32, #tpu.memory_space<vmem>>, %arg10: memref<64x768xf32, #tpu.memory_space<vmem>>, %arg11: memref<64x768xf32, #tpu.memory_space<vmem>>, %arg12: memref<!tpu.dma_semaphore, #tpu.memory_space<semaphore_mem>>, %arg13: memref<!tpu.dma_semaphore, #tpu.memory_space<semaphore_mem>>, %arg14: memref<!tpu.dma_semaphore, #tpu.memory_space<semaphore_mem>>, %arg15: memref<!tpu.dma_semaphore, #tpu.memory_space<semaphore_mem>>, %arg16: memref<!tpu.dma_semaphore, #tpu.memory_space<semaphore_mem>>) attributes {dimension_semantics = [#tpu.dimension_semantics<core_parallel>, #tpu.dimension_semantics<subcore_parallel>], iteration_bounds = array<i64: 2, 16>, scalar_prefetch = 0 : i64, scratch_operands = 10 : i64, tpu.core_type = #tpu.core_type<sc_vector_subcore>, window_params = [{transform_indices = #map}, {transform_indices = #map1}, {transform_indices = #map}, {transform_indices = #map}, {transform_indices = #map2}]} {
    %mul3A = arith.constant 2 : i32
    %mul3A_0 = arith.muli %arg1, %mul3A : i32
    %add3A = arith.addi %mul3A_0, %arg0 : i32
    %mul3A_1 = arith.constant 128 : i32
    %mul3A_2 = arith.muli %add3A, %mul3A_1 : i32
    %and3A = arith.constant 2047 : i32
    %and3A_3 = arith.andi %mul3A_2, %and3A : i32
    %multiple_of3A = tpu.assume_multiple %and3A_3, 128 : i32
    %dma_start3A = arith.constant 0 : i32
    %dma_start3A_4 = arith.constant 0 : i32
    %dma_start3A_5 = tpu.memref_slice %arg3[%add3A, %dma_start3A, %dma_start3A_4] : memref<32x2x64xi32, #tpu.memory_space<hbm>> -> memref<1x1x64xi32, #tpu.memory_space<hbm>>
    %dma_start3A_6 = tpu.memref_squeeze %dma_start3A_5 : memref<1x1x64xi32, #tpu.memory_space<hbm>> -> memref<64xi32, #tpu.memory_space<hbm>>
    %dma_start3A_7 = arith.constant 0 : i32
    %dma_start3A_8 = tpu.memref_slice %arg3[%add3A, %dma_start3A, %dma_start3A_7] : memref<32x2x64xi32, #tpu.memory_space<hbm>> -> memref<1x1x64xi32, #tpu.memory_space<hbm>>
    %dma_start3A_9 = tpu.memref_squeeze %dma_start3A_8 : memref<1x1x64xi32, #tpu.memory_space<hbm>> -> memref<64xi32, #tpu.memory_space<hbm>>
    tpu.enqueue_dma source(%dma_start3A_9 : memref<64xi32, #tpu.memory_space<hbm>>) target(%arg7 : memref<64xi32, #tpu.memory_space<vmem>>) target_semaphore(%arg12 : memref<!tpu.dma_semaphore, #tpu.memory_space<semaphore_mem>>)
    %dma_start3A_10 = arith.constant 1 : i32
    %dma_start3A_11 = arith.constant 0 : i32
    %dma_start3A_12 = tpu.memref_slice %arg3[%add3A, %dma_start3A_10, %dma_start3A_11] : memref<32x2x64xi32, #tpu.memory_space<hbm>> -> memref<1x1x64xi32, #tpu.memory_space<hbm>>
    %dma_start3A_13 = tpu.memref_squeeze %dma_start3A_12 : memref<1x1x64xi32, #tpu.memory_space<hbm>> -> memref<64xi32, #tpu.memory_space<hbm>>
    %dma_start3A_14 = arith.constant 0 : i32
    %dma_start3A_15 = tpu.memref_slice %arg3[%add3A, %dma_start3A_10, %dma_start3A_14] : memref<32x2x64xi32, #tpu.memory_space<hbm>> -> memref<1x1x64xi32, #tpu.memory_space<hbm>>
    %dma_start3A_16 = tpu.memref_squeeze %dma_start3A_15 : memref<1x1x64xi32, #tpu.memory_space<hbm>> -> memref<64xi32, #tpu.memory_space<hbm>>
    tpu.enqueue_dma source(%dma_start3A_16 : memref<64xi32, #tpu.memory_space<hbm>>) target(%arg8 : memref<64xi32, #tpu.memory_space<vmem>>) target_semaphore(%arg13 : memref<!tpu.dma_semaphore, #tpu.memory_space<semaphore_mem>>)
    %dma_start3A_17 = arith.constant 0 : i32
    %dma_start3A_18 = tpu.memref_slice %arg4[%add3A, %dma_start3A_17] : memref<32x128xf32, #tpu.memory_space<hbm>> -> memref<1x128xf32, #tpu.memory_space<hbm>>
    %dma_start3A_19 = tpu.memref_squeeze %dma_start3A_18 : memref<1x128xf32, #tpu.memory_space<hbm>> -> memref<128xf32, #tpu.memory_space<hbm>>
    %dma_start3A_20 = arith.constant 0 : i32
    %dma_start3A_21 = tpu.memref_slice %arg4[%add3A, %dma_start3A_20] : memref<32x128xf32, #tpu.memory_space<hbm>> -> memref<1x128xf32, #tpu.memory_space<hbm>>
    %dma_start3A_22 = tpu.memref_squeeze %dma_start3A_21 : memref<1x128xf32, #tpu.memory_space<hbm>> -> memref<128xf32, #tpu.memory_space<hbm>>
    tpu.enqueue_dma source(%dma_start3A_22 : memref<128xf32, #tpu.memory_space<hbm>>) target(%arg9 : memref<128xf32, #tpu.memory_space<vmem>>) target_semaphore(%arg14 : memref<!tpu.dma_semaphore, #tpu.memory_space<semaphore_mem>>)
    %dma_start3A_23 = arith.constant 0 : i32
    %dma_start3A_24 = tpu.memref_slice %arg2[%multiple_of3A, %dma_start3A_23] : memref<2048x768xf32, #tpu.memory_space<hbm>> -> memref<64x768xf32, #tpu.memory_space<hbm>>
    %dma_start3A_25 = arith.constant 0 : i32
    %dma_start3A_26 = tpu.memref_slice %arg2[%multiple_of3A, %dma_start3A_25] : memref<2048x768xf32, #tpu.memory_space<hbm>> -> memref<64x768xf32, #tpu.memory_space<hbm>>
    tpu.enqueue_dma source(%dma_start3A_26 : memref<64x768xf32, #tpu.memory_space<hbm>>) target(%arg10 : memref<64x768xf32, #tpu.memory_space<vmem>>) target_semaphore(%arg15 : memref<!tpu.dma_semaphore, #tpu.memory_space<semaphore_mem>>)
    %add3A_27 = arith.constant 64 : i32
    %add3A_28 = arith.addi %multiple_of3A, %add3A_27 : i32
    %dma_start3A_29 = arith.constant 0 : i32
    %dma_start3A_30 = tpu.memref_slice %arg2[%add3A_28, %dma_start3A_29] : memref<2048x768xf32, #tpu.memory_space<hbm>> -> memref<64x768xf32, #tpu.memory_space<hbm>>
    %dma_start3A_31 = arith.constant 0 : i32
    %dma_start3A_32 = tpu.memref_slice %arg2[%add3A_28, %dma_start3A_31] : memref<2048x768xf32, #tpu.memory_space<hbm>> -> memref<64x768xf32, #tpu.memory_space<hbm>>
    tpu.enqueue_dma source(%dma_start3A_32 : memref<64x768xf32, #tpu.memory_space<hbm>>) target(%arg11 : memref<64x768xf32, #tpu.memory_space<vmem>>) target_semaphore(%arg16 : memref<!tpu.dma_semaphore, #tpu.memory_space<semaphore_mem>>)
    %dma_wait3A = arith.constant 0 : i32
    %dma_wait3A_33 = arith.constant 0 : i32
    %dma_wait3A_34 = tpu.memref_slice %arg3[%add3A, %dma_wait3A, %dma_wait3A_33] : memref<32x2x64xi32, #tpu.memory_space<hbm>> -> memref<1x1x64xi32, #tpu.memory_space<hbm>>
    %dma_wait3A_35 = tpu.memref_squeeze %dma_wait3A_34 : memref<1x1x64xi32, #tpu.memory_space<hbm>> -> memref<64xi32, #tpu.memory_space<hbm>>
    %dma_wait3A_36 = arith.constant 0 : i32
    %dma_wait3A_37 = tpu.memref_slice %arg3[%add3A, %dma_wait3A, %dma_wait3A_36] : memref<32x2x64xi32, #tpu.memory_space<hbm>> -> memref<1x1x64xi32, #tpu.memory_space<hbm>>
    %dma_wait3A_38 = tpu.memref_squeeze %dma_wait3A_37 : memref<1x1x64xi32, #tpu.memory_space<hbm>> -> memref<64xi32, #tpu.memory_space<hbm>>
    tpu.wait_dma2 semaphore(%arg12 : memref<!tpu.dma_semaphore, #tpu.memory_space<semaphore_mem>>) src(%dma_wait3A_38 : memref<64xi32, #tpu.memory_space<hbm>>) dst(%arg7 : memref<64xi32, #tpu.memory_space<vmem>>)
    %dma_wait3A_39 = arith.constant 0 : i32
    %dma_wait3A_40 = tpu.memref_slice %arg2[%multiple_of3A, %dma_wait3A_39] : memref<2048x768xf32, #tpu.memory_space<hbm>> -> memref<64x768xf32, #tpu.memory_space<hbm>>
    %dma_wait3A_41 = arith.constant 0 : i32
    %dma_wait3A_42 = tpu.memref_slice %arg2[%multiple_of3A, %dma_wait3A_41] : memref<2048x768xf32, #tpu.memory_space<hbm>> -> memref<64x768xf32, #tpu.memory_space<hbm>>
    tpu.wait_dma2 semaphore(%arg15 : memref<!tpu.dma_semaphore, #tpu.memory_space<semaphore_mem>>) src(%dma_wait3A_42 : memref<64x768xf32, #tpu.memory_space<hbm>>) dst(%arg10 : memref<64x768xf32, #tpu.memory_space<vmem>>)
    %dma_start3A_43 = arith.constant 0 : i32
    %dma_start3A_44 = arith.constant 0 : i32
    %dma_start3A_45 = tpu.memref_slice %arg5[%dma_start3A_43, %dma_start3A_44] : memref<6144x768xf32, #tpu.memory_space<hbm>> -> memref<6144x768xf32, #tpu.memory_space<hbm>>
    tpu.enqueue_indirect_dma source(%arg10 : memref<64x768xf32, #tpu.memory_space<vmem>>) target(%dma_start3A_45 : memref<6144x768xf32, #tpu.memory_space<hbm>>) offsets(%arg7 : memref<64xi32, #tpu.memory_space<vmem>>) semaphore(%arg15 : memref<!tpu.dma_semaphore, #tpu.memory_space<semaphore_mem>>)
    %dma_wait3A_46 = arith.constant 1 : i32
    %dma_wait3A_47 = arith.constant 0 : i32
    %dma_wait3A_48 = tpu.memref_slice %arg3[%add3A, %dma_wait3A_46, %dma_wait3A_47] : memref<32x2x64xi32, #tpu.memory_space<hbm>> -> memref<1x1x64xi32, #tpu.memory_space<hbm>>
    %dma_wait3A_49 = tpu.memref_squeeze %dma_wait3A_48 : memref<1x1x64xi32, #tpu.memory_space<hbm>> -> memref<64xi32, #tpu.memory_space<hbm>>
    %dma_wait3A_50 = arith.constant 0 : i32
    %dma_wait3A_51 = tpu.memref_slice %arg3[%add3A, %dma_wait3A_46, %dma_wait3A_50] : memref<32x2x64xi32, #tpu.memory_space<hbm>> -> memref<1x1x64xi32, #tpu.memory_space<hbm>>
    %dma_wait3A_52 = tpu.memref_squeeze %dma_wait3A_51 : memref<1x1x64xi32, #tpu.memory_space<hbm>> -> memref<64xi32, #tpu.memory_space<hbm>>
    tpu.wait_dma2 semaphore(%arg13 : memref<!tpu.dma_semaphore, #tpu.memory_space<semaphore_mem>>) src(%dma_wait3A_52 : memref<64xi32, #tpu.memory_space<hbm>>) dst(%arg8 : memref<64xi32, #tpu.memory_space<vmem>>)
    %dma_wait3A_53 = arith.constant 0 : i32
    %dma_wait3A_54 = tpu.memref_slice %arg2[%add3A_28, %dma_wait3A_53] : memref<2048x768xf32, #tpu.memory_space<hbm>> -> memref<64x768xf32, #tpu.memory_space<hbm>>
    %dma_wait3A_55 = arith.constant 0 : i32
    %dma_wait3A_56 = tpu.memref_slice %arg2[%add3A_28, %dma_wait3A_55] : memref<2048x768xf32, #tpu.memory_space<hbm>> -> memref<64x768xf32, #tpu.memory_space<hbm>>
    tpu.wait_dma2 semaphore(%arg16 : memref<!tpu.dma_semaphore, #tpu.memory_space<semaphore_mem>>) src(%dma_wait3A_56 : memref<64x768xf32, #tpu.memory_space<hbm>>) dst(%arg11 : memref<64x768xf32, #tpu.memory_space<vmem>>)
    %dma_start3A_57 = arith.constant 0 : i32
    %dma_start3A_58 = arith.constant 0 : i32
    %dma_start3A_59 = tpu.memref_slice %arg5[%dma_start3A_57, %dma_start3A_58] : memref<6144x768xf32, #tpu.memory_space<hbm>> -> memref<6144x768xf32, #tpu.memory_space<hbm>>
    tpu.enqueue_indirect_dma source(%arg11 : memref<64x768xf32, #tpu.memory_space<vmem>>) target(%dma_start3A_59 : memref<6144x768xf32, #tpu.memory_space<hbm>>) offsets(%arg8 : memref<64xi32, #tpu.memory_space<vmem>>) semaphore(%arg16 : memref<!tpu.dma_semaphore, #tpu.memory_space<semaphore_mem>>)
    %dma_wait3A_60 = arith.constant 0 : i32
    %dma_wait3A_61 = tpu.memref_slice %arg4[%add3A, %dma_wait3A_60] : memref<32x128xf32, #tpu.memory_space<hbm>> -> memref<1x128xf32, #tpu.memory_space<hbm>>
    %dma_wait3A_62 = tpu.memref_squeeze %dma_wait3A_61 : memref<1x128xf32, #tpu.memory_space<hbm>> -> memref<128xf32, #tpu.memory_space<hbm>>
    %dma_wait3A_63 = arith.constant 0 : i32
    %dma_wait3A_64 = tpu.memref_slice %arg4[%add3A, %dma_wait3A_63] : memref<32x128xf32, #tpu.memory_space<hbm>> -> memref<1x128xf32, #tpu.memory_space<hbm>>
    %dma_wait3A_65 = tpu.memref_squeeze %dma_wait3A_64 : memref<1x128xf32, #tpu.memory_space<hbm>> -> memref<128xf32, #tpu.memory_space<hbm>>
    tpu.wait_dma2 semaphore(%arg14 : memref<!tpu.dma_semaphore, #tpu.memory_space<semaphore_mem>>) src(%dma_wait3A_65 : memref<128xf32, #tpu.memory_space<hbm>>) dst(%arg9 : memref<128xf32, #tpu.memory_space<vmem>>)
    %dma_start3A_66 = arith.constant 0 : i32
    %dma_start3A_67 = tpu.memref_slice %arg9[%dma_start3A_66] : memref<128xf32, #tpu.memory_space<vmem>> -> memref<64xf32, #tpu.memory_space<vmem>>
    %dma_start3A_68 = arith.constant 0 : i32
    %dma_start3A_69 = tpu.memref_slice %arg6[%dma_start3A_68] : memref<6144xf32, #tpu.memory_space<hbm>> -> memref<6144xf32, #tpu.memory_space<hbm>>
    tpu.enqueue_indirect_dma source(%dma_start3A_67 : memref<64xf32, #tpu.memory_space<vmem>>) target(%dma_start3A_69 : memref<6144xf32, #tpu.memory_space<hbm>>) offsets(%arg7 : memref<64xi32, #tpu.memory_space<vmem>>) semaphore(%arg12 : memref<!tpu.dma_semaphore, #tpu.memory_space<semaphore_mem>>)
    %dma_start3A_70 = arith.constant 64 : i32
    %dma_start3A_71 = tpu.memref_slice %arg9[%dma_start3A_70] : memref<128xf32, #tpu.memory_space<vmem>> -> memref<64xf32, #tpu.memory_space<vmem>>
    %dma_start3A_72 = arith.constant 0 : i32
    %dma_start3A_73 = tpu.memref_slice %arg6[%dma_start3A_72] : memref<6144xf32, #tpu.memory_space<hbm>> -> memref<6144xf32, #tpu.memory_space<hbm>>
    tpu.enqueue_indirect_dma source(%dma_start3A_71 : memref<64xf32, #tpu.memory_space<vmem>>) target(%dma_start3A_73 : memref<6144xf32, #tpu.memory_space<hbm>>) offsets(%arg8 : memref<64xi32, #tpu.memory_space<vmem>>) semaphore(%arg13 : memref<!tpu.dma_semaphore, #tpu.memory_space<semaphore_mem>>)
    %dma_wait3A_74 = arith.constant 0 : i32
    %dma_wait3A_75 = arith.constant 0 : i32
    %dma_wait3A_76 = tpu.memref_slice %arg5[%dma_wait3A_74, %dma_wait3A_75] : memref<6144x768xf32, #tpu.memory_space<hbm>> -> memref<6144x768xf32, #tpu.memory_space<hbm>>
    tpu.wait_indirect_dma semaphore(%arg15 : memref<!tpu.dma_semaphore, #tpu.memory_space<semaphore_mem>>) src(%arg10 : memref<64x768xf32, #tpu.memory_space<vmem>>) dst(%dma_wait3A_76 : memref<6144x768xf32, #tpu.memory_space<hbm>>)
    %dma_wait3A_77 = arith.constant 0 : i32
    %dma_wait3A_78 = arith.constant 0 : i32
    %dma_wait3A_79 = tpu.memref_slice %arg5[%dma_wait3A_77, %dma_wait3A_78] : memref<6144x768xf32, #tpu.memory_space<hbm>> -> memref<6144x768xf32, #tpu.memory_space<hbm>>
    tpu.wait_indirect_dma semaphore(%arg16 : memref<!tpu.dma_semaphore, #tpu.memory_space<semaphore_mem>>) src(%arg11 : memref<64x768xf32, #tpu.memory_space<vmem>>) dst(%dma_wait3A_79 : memref<6144x768xf32, #tpu.memory_space<hbm>>)
    %dma_wait3A_80 = arith.constant 0 : i32
    %dma_wait3A_81 = tpu.memref_slice %arg9[%dma_wait3A_80] : memref<128xf32, #tpu.memory_space<vmem>> -> memref<64xf32, #tpu.memory_space<vmem>>
    %dma_wait3A_82 = arith.constant 0 : i32
    %dma_wait3A_83 = tpu.memref_slice %arg6[%dma_wait3A_82] : memref<6144xf32, #tpu.memory_space<hbm>> -> memref<6144xf32, #tpu.memory_space<hbm>>
    tpu.wait_indirect_dma semaphore(%arg12 : memref<!tpu.dma_semaphore, #tpu.memory_space<semaphore_mem>>) src(%dma_wait3A_81 : memref<64xf32, #tpu.memory_space<vmem>>) dst(%dma_wait3A_83 : memref<6144xf32, #tpu.memory_space<hbm>>)
    %dma_wait3A_84 = arith.constant 64 : i32
    %dma_wait3A_85 = tpu.memref_slice %arg9[%dma_wait3A_84] : memref<128xf32, #tpu.memory_space<vmem>> -> memref<64xf32, #tpu.memory_space<vmem>>
    %dma_wait3A_86 = arith.constant 0 : i32
    %dma_wait3A_87 = tpu.memref_slice %arg6[%dma_wait3A_86] : memref<6144xf32, #tpu.memory_space<hbm>> -> memref<6144xf32, #tpu.memory_space<hbm>>
    tpu.wait_indirect_dma semaphore(%arg13 : memref<!tpu.dma_semaphore, #tpu.memory_space<semaphore_mem>>) src(%dma_wait3A_85 : memref<64xf32, #tpu.memory_space<vmem>>) dst(%dma_wait3A_87 : memref<6144xf32, #tpu.memory_space<hbm>>)
    return
  }
}

module attributes {stable_mosaic.version = 14 : i64} {
  func.func @_routing_kernel(%arg0: memref<2048x768xf32, #tpu.memory_space<vmem>>, %arg1: memref<8x768xf32, #tpu.memory_space<vmem>>, %arg2: memref<1x8xf32, #tpu.memory_space<vmem>>, %arg3: memref<2048x2xi32, #tpu.memory_space<vmem>>, %arg4: memref<2048x2xf32, #tpu.memory_space<vmem>>, %arg5: memref<2x2048xi32, #tpu.memory_space<vmem>>, %arg6: memref<24x1xi32, #tpu.memory_space<vmem>>, %arg7: memref<24x1xi32, #tpu.memory_space<vmem>>) attributes {dimension_semantics = [], scalar_prefetch = 0 : i64, scratch_operands = 0 : i64, tpu.core_type = #tpu.core_type<tc>} {
    %get3A = arith.constant 0 : index
    %get3A_0 = arith.constant 0 : index
    %get3A_1 = vector.load %arg0[%get3A, %get3A_0] : memref<2048x768xf32, #tpu.memory_space<vmem>>, vector<2048x768xf32>
    %get3A_2 = arith.constant 0 : index
    %get3A_3 = arith.constant 0 : index
    %get3A_4 = vector.load %arg1[%get3A_2, %get3A_3] : memref<8x768xf32, #tpu.memory_space<vmem>>, vector<8x768xf32>
    %get3A_5 = arith.constant 0 : index
    %get3A_6 = arith.constant 0 : index
    %get3A_7 = vector.load %arg2[%get3A_5, %get3A_6] : memref<1x8xf32, #tpu.memory_space<vmem>>, vector<1x8xf32>
    %dot_general3A = arith.constant dense<0.000000e+00> : vector<2048x8xf32>
    %dot_general3A_8 = tpu.matmul %get3A_1, %get3A_4, %dot_general3A {dimension_numbers = #tpu.dot_dimension_numbers<[1], [1], [0], [0], [0, 0, 1, 0], [], []>, transpose_lhs_hint = false} : vector<2048x768xf32>, vector<8x768xf32>, vector<2048x8xf32> -> vector<2048x8xf32>
    %mul3A = arith.mulf %get3A_1, %get3A_1 : vector<2048x768xf32>
    %reduce_sum3A = arith.constant dense<0.000000e+00> : vector<2048xf32>
    %reduce_sum3A_9 = vector.multi_reduction <add>, %mul3A, %reduce_sum3A [1] : vector<2048x768xf32> to vector<2048xf32>
    %broadcast_in_dim3A = vector.shape_cast %reduce_sum3A_9 : vector<2048xf32> to vector<2048x1xf32>
    %sqrt3A = math.sqrt %broadcast_in_dim3A : vector<2048x1xf32>
    %mul3A_10 = arith.mulf %get3A_4, %get3A_4 : vector<8x768xf32>
    %reduce_sum3A_11 = arith.constant dense<0.000000e+00> : vector<8xf32>
    %reduce_sum3A_12 = vector.multi_reduction <add>, %mul3A_10, %reduce_sum3A_11 [1] : vector<8x768xf32> to vector<8xf32>
    %broadcast_in_dim3A_13 = vector.shape_cast %reduce_sum3A_12 : vector<8xf32> to vector<8x1xf32>
    %sqrt3A_14 = math.sqrt %broadcast_in_dim3A_13 : vector<8x1xf32>
    %add3A = arith.constant 9.99999993E-9 : f32
    %add3A_15 = vector.broadcast %add3A : f32 to vector<2048x1xf32>
    %add3A_16 = arith.addf %sqrt3A, %add3A_15 : vector<2048x1xf32>
    %div3A = vector.broadcast %add3A_16 : vector<2048x1xf32> to vector<2048x768xf32>
    %div3A_17 = arith.divf %get3A_1, %div3A : vector<2048x768xf32>
    %add3A_18 = arith.constant 9.99999993E-9 : f32
    %add3A_19 = vector.broadcast %add3A_18 : f32 to vector<8x1xf32>
    %add3A_20 = arith.addf %sqrt3A_14, %add3A_19 : vector<8x1xf32>
    %div3A_21 = vector.broadcast %add3A_20 : vector<8x1xf32> to vector<8x768xf32>
    %div3A_22 = arith.divf %get3A_4, %div3A_21 : vector<8x768xf32>
    %dot_general3A_23 = arith.constant dense<0.000000e+00> : vector<2048x8xf32>
    %dot_general3A_24 = tpu.matmul %div3A_17, %div3A_22, %dot_general3A_23 {dimension_numbers = #tpu.dot_dimension_numbers<[1], [1], [0], [0], [0, 0, 1, 0], [], []>, transpose_lhs_hint = false} : vector<2048x768xf32>, vector<8x768xf32>, vector<2048x8xf32> -> vector<2048x8xf32>
    %mul3A_25 = arith.constant 1.000000e-01 : f32
    %mul3A_26 = vector.broadcast %mul3A_25 : f32 to vector<1x8xf32>
    %mul3A_27 = arith.mulf %mul3A_26, %get3A_7 : vector<1x8xf32>
    %add3A_28 = vector.broadcast %mul3A_27 : vector<1x8xf32> to vector<2048x8xf32>
    %add3A_29 = arith.addf %dot_general3A_24, %add3A_28 : vector<2048x8xf32>
    %iota3A = tpu.iota {dimensions = array<i32: 1>} : vector<2048x8xi32>
    %reduce_min3A = arith.constant dense<0x7F800000> : vector<2048xf32>
    %reduce_min3A_30 = vector.multi_reduction <minimumf>, %dot_general3A_8, %reduce_min3A [1] : vector<2048x8xf32> to vector<2048xf32>
    %broadcast_in_dim3A_31 = vector.shape_cast %reduce_min3A_30 : vector<2048xf32> to vector<2048x1xf32>
    %eq3A = vector.broadcast %broadcast_in_dim3A_31 : vector<2048x1xf32> to vector<2048x8xf32>
    %eq3A_32 = arith.cmpf oeq, %dot_general3A_8, %eq3A : vector<2048x8xf32>
    %jit3A = arith.constant -1 : i32
    %broadcast_in_dim3A_33 = vector.broadcast %jit3A : i32 to vector<2048x8xi32>
    %select_n3A = arith.select %eq3A_32, %iota3A, %broadcast_in_dim3A_33 : vector<2048x8xi1>, vector<2048x8xi32>
    %reduce_max3A = arith.constant dense<-2147483648> : vector<2048xi32>
    %reduce_max3A_34 = vector.multi_reduction <maxsi>, %select_n3A, %reduce_max3A [1] : vector<2048x8xi32> to vector<2048xi32>
    %broadcast_in_dim3A_35 = vector.shape_cast %reduce_max3A_34 : vector<2048xi32> to vector<2048x1xi32>
    %eq3A_36 = vector.broadcast %broadcast_in_dim3A_35 : vector<2048x1xi32> to vector<2048x8xi32>
    %eq3A_37 = arith.cmpi eq, %iota3A, %eq3A_36 : vector<2048x8xi32>
    %jit3A_38 = arith.constant -3.000000e+38 : f32
    %broadcast_in_dim3A_39 = vector.broadcast %jit3A_38 : f32 to vector<2048x8xf32>
    %select_n3A_40 = arith.select %eq3A_37, %broadcast_in_dim3A_39, %add3A_29 : vector<2048x8xi1>, vector<2048x8xf32>
    %reduce_max3A_41 = arith.constant dense<0xFF800000> : vector<2048xf32>
    %reduce_max3A_42 = vector.multi_reduction <maximumf>, %select_n3A_40, %reduce_max3A_41 [1] : vector<2048x8xf32> to vector<2048xf32>
    %broadcast_in_dim3A_43 = vector.shape_cast %reduce_max3A_42 : vector<2048xf32> to vector<2048x1xf32>
    %eq3A_44 = vector.broadcast %broadcast_in_dim3A_43 : vector<2048x1xf32> to vector<2048x8xf32>
    %eq3A_45 = arith.cmpf oeq, %select_n3A_40, %eq3A_44 : vector<2048x8xf32>
    %jit3A_46 = arith.constant 8 : i32
    %broadcast_in_dim3A_47 = vector.broadcast %jit3A_46 : i32 to vector<2048x8xi32>
    %select_n3A_48 = arith.select %eq3A_45, %iota3A, %broadcast_in_dim3A_47 : vector<2048x8xi1>, vector<2048x8xi32>
    %reduce_min3A_49 = arith.constant dense<2147483647> : vector<2048xi32>
    %reduce_min3A_50 = vector.multi_reduction <minsi>, %select_n3A_48, %reduce_min3A_49 [1] : vector<2048x8xi32> to vector<2048xi32>
    %broadcast_in_dim3A_51 = vector.shape_cast %reduce_min3A_50 : vector<2048xi32> to vector<2048x1xi32>
    %eq3A_52 = vector.broadcast %broadcast_in_dim3A_51 : vector<2048x1xi32> to vector<2048x8xi32>
    %eq3A_53 = arith.cmpi eq, %iota3A, %eq3A_52 : vector<2048x8xi32>
    %jit3A_54 = arith.constant -3.000000e+38 : f32
    %broadcast_in_dim3A_55 = vector.broadcast %jit3A_54 : f32 to vector<2048x8xf32>
    %select_n3A_56 = arith.select %eq3A_53, %broadcast_in_dim3A_55, %select_n3A_40 : vector<2048x8xi1>, vector<2048x8xf32>
    %reduce_max3A_57 = arith.constant dense<0xFF800000> : vector<2048xf32>
    %reduce_max3A_58 = vector.multi_reduction <maximumf>, %select_n3A_56, %reduce_max3A_57 [1] : vector<2048x8xf32> to vector<2048xf32>
    %broadcast_in_dim3A_59 = vector.shape_cast %reduce_max3A_58 : vector<2048xf32> to vector<2048x1xf32>
    %eq3A_60 = vector.broadcast %broadcast_in_dim3A_59 : vector<2048x1xf32> to vector<2048x8xf32>
    %eq3A_61 = arith.cmpf oeq, %select_n3A_56, %eq3A_60 : vector<2048x8xf32>
    %jit3A_62 = arith.constant 8 : i32
    %broadcast_in_dim3A_63 = vector.broadcast %jit3A_62 : i32 to vector<2048x8xi32>
    %select_n3A_64 = arith.select %eq3A_61, %iota3A, %broadcast_in_dim3A_63 : vector<2048x8xi1>, vector<2048x8xi32>
    %reduce_min3A_65 = arith.constant dense<2147483647> : vector<2048xi32>
    %reduce_min3A_66 = vector.multi_reduction <minsi>, %select_n3A_64, %reduce_min3A_65 [1] : vector<2048x8xi32> to vector<2048xi32>
    %broadcast_in_dim3A_67 = vector.shape_cast %reduce_min3A_66 : vector<2048xi32> to vector<2048x1xi32>
    %sub3A = arith.subf %broadcast_in_dim3A_59, %broadcast_in_dim3A_43 : vector<2048x1xf32>
    %exp3A = math.exp %sub3A : vector<2048x1xf32>
    %add3A_68 = arith.constant 1.000000e+00 : f32
    %add3A_69 = vector.broadcast %add3A_68 : f32 to vector<2048x1xf32>
    %add3A_70 = arith.addf %add3A_69, %exp3A : vector<2048x1xf32>
    %div3A_71 = arith.constant 1.000000e+00 : f32
    %div3A_72 = vector.broadcast %div3A_71 : f32 to vector<2048x1xf32>
    %div3A_73 = arith.divf %div3A_72, %add3A_70 : vector<2048x1xf32>
    %div3A_74 = arith.divf %exp3A, %add3A_70 : vector<2048x1xf32>
    %concatenate3A = tpu.concatenate %broadcast_in_dim3A_51, %broadcast_in_dim3A_67 in 1 : vector<2048x1xi32>, vector<2048x1xi32> -> vector<2048x2xi32>
    %swap3A = arith.constant 0 : index
    %swap3A_75 = arith.constant 0 : index
    %swap3A_76 = vector.load %arg3[%swap3A, %swap3A_75] : memref<2048x2xi32, #tpu.memory_space<vmem>>, vector<2048x2xi32>
    tpu.vector_store %arg3[%swap3A, %swap3A_75], %concatenate3A {strides = array<i32>} : memref<2048x2xi32, #tpu.memory_space<vmem>>, vector<2048x2xi32>,
    %concatenate3A_77 = tpu.concatenate %div3A_73, %div3A_74 in 1 : vector<2048x1xf32>, vector<2048x1xf32> -> vector<2048x2xf32>
    %swap3A_78 = arith.constant 0 : index
    %swap3A_79 = arith.constant 0 : index
    %swap3A_80 = vector.load %arg4[%swap3A_78, %swap3A_79] : memref<2048x2xf32, #tpu.memory_space<vmem>>, vector<2048x2xf32>
    tpu.vector_store %arg4[%swap3A_78, %swap3A_79], %concatenate3A_77 {strides = array<i32>} : memref<2048x2xf32, #tpu.memory_space<vmem>>, vector<2048x2xf32>,
    %eq3A_81 = vector.broadcast %broadcast_in_dim3A_51 : vector<2048x1xi32> to vector<2048x8xi32>
    %eq3A_82 = arith.cmpi eq, %iota3A, %eq3A_81 : vector<2048x8xi32>
    %jit3A_83 = arith.constant 1.000000e+00 : f32
    %jit3A_84 = arith.constant 0.000000e+00 : f32
    %broadcast_in_dim3A_85 = vector.broadcast %jit3A_83 : f32 to vector<2048x8xf32>
    %broadcast_in_dim3A_86 = vector.broadcast %jit3A_84 : f32 to vector<2048x8xf32>
    %select_n3A_87 = arith.select %eq3A_82, %broadcast_in_dim3A_85, %broadcast_in_dim3A_86 : vector<2048x8xi1>, vector<2048x8xf32>
    %eq3A_88 = vector.broadcast %broadcast_in_dim3A_67 : vector<2048x1xi32> to vector<2048x8xi32>
    %eq3A_89 = arith.cmpi eq, %iota3A, %eq3A_88 : vector<2048x8xi32>
    %jit3A_90 = arith.constant 1.000000e+00 : f32
    %jit3A_91 = arith.constant 0.000000e+00 : f32
    %broadcast_in_dim3A_92 = vector.broadcast %jit3A_90 : f32 to vector<2048x8xf32>
    %broadcast_in_dim3A_93 = vector.broadcast %jit3A_91 : f32 to vector<2048x8xf32>
    %select_n3A_94 = arith.select %eq3A_89, %broadcast_in_dim3A_92, %broadcast_in_dim3A_93 : vector<2048x8xi1>, vector<2048x8xf32>
    %concatenate3A_95 = tpu.concatenate %select_n3A_87, %select_n3A_94 in 1 : vector<2048x8xf32>, vector<2048x8xf32> -> vector<2048x16xf32>
    %broadcast_in_dim3A_96 = arith.constant 0.000000e+00 : f32
    %broadcast_in_dim3A_97 = vector.broadcast %broadcast_in_dim3A_96 : f32 to vector<1x16xf32>
    %slice3A = vector.extract_strided_slice %concatenate3A_95 {offsets = [0, 0], sizes = [2047, 16], strides = [1, 1]} : vector<2048x16xf32> to vector<2047x16xf32>
    %concatenate3A_98 = tpu.concatenate %broadcast_in_dim3A_97, %slice3A in 0 : vector<1x16xf32>, vector<2047x16xf32> -> vector<2048x16xf32>
    %add3A_99 = arith.addf %concatenate3A_95, %concatenate3A_98 : vector<2048x16xf32>
    %broadcast_in_dim3A_100 = arith.constant 0.000000e+00 : f32
    %broadcast_in_dim3A_101 = vector.broadcast %broadcast_in_dim3A_100 : f32 to vector<2x16xf32>
    %slice3A_102 = vector.extract_strided_slice %add3A_99 {offsets = [0, 0], sizes = [2046, 16], strides = [1, 1]} : vector<2048x16xf32> to vector<2046x16xf32>
    %concatenate3A_103 = tpu.concatenate %broadcast_in_dim3A_101, %slice3A_102 in 0 : vector<2x16xf32>, vector<2046x16xf32> -> vector<2048x16xf32>
    %add3A_104 = arith.addf %add3A_99, %concatenate3A_103 : vector<2048x16xf32>
    %broadcast_in_dim3A_105 = arith.constant 0.000000e+00 : f32
    %broadcast_in_dim3A_106 = vector.broadcast %broadcast_in_dim3A_105 : f32 to vector<4x16xf32>
    %slice3A_107 = vector.extract_strided_slice %add3A_104 {offsets = [0, 0], sizes = [2044, 16], strides = [1, 1]} : vector<2048x16xf32> to vector<2044x16xf32>
    %concatenate3A_108 = tpu.concatenate %broadcast_in_dim3A_106, %slice3A_107 in 0 : vector<4x16xf32>, vector<2044x16xf32> -> vector<2048x16xf32>
    %add3A_109 = arith.addf %add3A_104, %concatenate3A_108 : vector<2048x16xf32>
    %broadcast_in_dim3A_110 = arith.constant 0.000000e+00 : f32
    %broadcast_in_dim3A_111 = vector.broadcast %broadcast_in_dim3A_110 : f32 to vector<8x16xf32>
    %slice3A_112 = vector.extract_strided_slice %add3A_109 {offsets = [0, 0], sizes = [2040, 16], strides = [1, 1]} : vector<2048x16xf32> to vector<2040x16xf32>
    %concatenate3A_113 = tpu.concatenate %broadcast_in_dim3A_111, %slice3A_112 in 0 : vector<8x16xf32>, vector<2040x16xf32> -> vector<2048x16xf32>
    %add3A_114 = arith.addf %add3A_109, %concatenate3A_113 : vector<2048x16xf32>
    %broadcast_in_dim3A_115 = arith.constant 0.000000e+00 : f32
    %broadcast_in_dim3A_116 = vector.broadcast %broadcast_in_dim3A_115 : f32 to vector<16x16xf32>
    %slice3A_117 = vector.extract_strided_slice %add3A_114 {offsets = [0, 0], sizes = [2032, 16], strides = [1, 1]} : vector<2048x16xf32> to vector<2032x16xf32>
    %concatenate3A_118 = tpu.concatenate %broadcast_in_dim3A_116, %slice3A_117 in 0 : vector<16x16xf32>, vector<2032x16xf32> -> vector<2048x16xf32>
    %add3A_119 = arith.addf %add3A_114, %concatenate3A_118 : vector<2048x16xf32>
    %broadcast_in_dim3A_120 = arith.constant 0.000000e+00 : f32
    %broadcast_in_dim3A_121 = vector.broadcast %broadcast_in_dim3A_120 : f32 to vector<32x16xf32>
    %slice3A_122 = vector.extract_strided_slice %add3A_119 {offsets = [0, 0], sizes = [2016, 16], strides = [1, 1]} : vector<2048x16xf32> to vector<2016x16xf32>
    %concatenate3A_123 = tpu.concatenate %broadcast_in_dim3A_121, %slice3A_122 in 0 : vector<32x16xf32>, vector<2016x16xf32> -> vector<2048x16xf32>
    %add3A_124 = arith.addf %add3A_119, %concatenate3A_123 : vector<2048x16xf32>
    %broadcast_in_dim3A_125 = arith.constant 0.000000e+00 : f32
    %broadcast_in_dim3A_126 = vector.broadcast %broadcast_in_dim3A_125 : f32 to vector<64x16xf32>
    %slice3A_127 = vector.extract_strided_slice %add3A_124 {offsets = [0, 0], sizes = [1984, 16], strides = [1, 1]} : vector<2048x16xf32> to vector<1984x16xf32>
    %concatenate3A_128 = tpu.concatenate %broadcast_in_dim3A_126, %slice3A_127 in 0 : vector<64x16xf32>, vector<1984x16xf32> -> vector<2048x16xf32>
    %add3A_129 = arith.addf %add3A_124, %concatenate3A_128 : vector<2048x16xf32>
    %broadcast_in_dim3A_130 = arith.constant 0.000000e+00 : f32
    %broadcast_in_dim3A_131 = vector.broadcast %broadcast_in_dim3A_130 : f32 to vector<128x16xf32>
    %slice3A_132 = vector.extract_strided_slice %add3A_129 {offsets = [0, 0], sizes = [1920, 16], strides = [1, 1]} : vector<2048x16xf32> to vector<1920x16xf32>
    %concatenate3A_133 = tpu.concatenate %broadcast_in_dim3A_131, %slice3A_132 in 0 : vector<128x16xf32>, vector<1920x16xf32> -> vector<2048x16xf32>
    %add3A_134 = arith.addf %add3A_129, %concatenate3A_133 : vector<2048x16xf32>
    %broadcast_in_dim3A_135 = arith.constant 0.000000e+00 : f32
    %broadcast_in_dim3A_136 = vector.broadcast %broadcast_in_dim3A_135 : f32 to vector<256x16xf32>
    %slice3A_137 = vector.extract_strided_slice %add3A_134 {offsets = [0, 0], sizes = [1792, 16], strides = [1, 1]} : vector<2048x16xf32> to vector<1792x16xf32>
    %concatenate3A_138 = tpu.concatenate %broadcast_in_dim3A_136, %slice3A_137 in 0 : vector<256x16xf32>, vector<1792x16xf32> -> vector<2048x16xf32>
    %add3A_139 = arith.addf %add3A_134, %concatenate3A_138 : vector<2048x16xf32>
    %broadcast_in_dim3A_140 = arith.constant 0.000000e+00 : f32
    %broadcast_in_dim3A_141 = vector.broadcast %broadcast_in_dim3A_140 : f32 to vector<512x16xf32>
    %slice3A_142 = vector.extract_strided_slice %add3A_139 {offsets = [0, 0], sizes = [1536, 16], strides = [1, 1]} : vector<2048x16xf32> to vector<1536x16xf32>
    %concatenate3A_143 = tpu.concatenate %broadcast_in_dim3A_141, %slice3A_142 in 0 : vector<512x16xf32>, vector<1536x16xf32> -> vector<2048x16xf32>
    %add3A_144 = arith.addf %add3A_139, %concatenate3A_143 : vector<2048x16xf32>
    %broadcast_in_dim3A_145 = arith.constant 0.000000e+00 : f32
    %broadcast_in_dim3A_146 = vector.broadcast %broadcast_in_dim3A_145 : f32 to vector<1024x16xf32>
    %slice3A_147 = vector.extract_strided_slice %add3A_144 {offsets = [0, 0], sizes = [1024, 16], strides = [1, 1]} : vector<2048x16xf32> to vector<1024x16xf32>
    %concatenate3A_148 = tpu.concatenate %broadcast_in_dim3A_146, %slice3A_147 in 0 : vector<1024x16xf32>, vector<1024x16xf32> -> vector<2048x16xf32>
    %add3A_149 = arith.addf %add3A_144, %concatenate3A_148 : vector<2048x16xf32>
    %sub3A_150 = arith.subf %add3A_149, %concatenate3A_95 : vector<2048x16xf32>
    %slice3A_151 = vector.extract_strided_slice %sub3A_150 {offsets = [0, 0], sizes = [2048, 8], strides = [1, 1]} : vector<2048x16xf32> to vector<2048x8xf32>
    %slice3A_152 = vector.extract_strided_slice %sub3A_150 {offsets = [0, 8], sizes = [2048, 8], strides = [1, 1]} : vector<2048x16xf32> to vector<2048x8xf32>
    %reduce_sum3A_153 = arith.constant dense<0.000000e+00> : vector<8xf32>
    %reduce_sum3A_154 = vector.multi_reduction <add>, %select_n3A_87, %reduce_sum3A_153 [0] : vector<2048x8xf32> to vector<8xf32>
    %broadcast_in_dim3A_155 = vector.shape_cast %reduce_sum3A_154 : vector<8xf32> to vector<1x8xf32>
    %reduce_sum3A_156 = arith.constant dense<0.000000e+00> : vector<8xf32>
    %reduce_sum3A_157 = vector.multi_reduction <add>, %select_n3A_94, %reduce_sum3A_156 [0] : vector<2048x8xf32> to vector<8xf32>
    %broadcast_in_dim3A_158 = vector.shape_cast %reduce_sum3A_157 : vector<8xf32> to vector<1x8xf32>
    %add3A_159 = arith.addf %broadcast_in_dim3A_155, %broadcast_in_dim3A_158 : vector<1x8xf32>
    %mul3A_160 = arith.constant 3.906250e-03 : f32
    %mul3A_161 = vector.broadcast %mul3A_160 : f32 to vector<1x8xf32>
    %mul3A_162 = arith.mulf %add3A_159, %mul3A_161 : vector<1x8xf32>
    %ceil3A = math.ceil %mul3A_162 : vector<1x8xf32>
    %mul3A_163 = arith.constant 2.560000e+02 : f32
    %mul3A_164 = vector.broadcast %mul3A_163 : f32 to vector<1x8xf32>
    %mul3A_165 = arith.mulf %mul3A_164, %ceil3A : vector<1x8xf32>
    %iota3A_166 = tpu.iota {dimensions = array<i32: 0>} : vector<8x8xi32>
    %convert_element_type3A = arith.sitofp %iota3A_166 : vector<8x8xi32> to vector<8x8xf32>
    %iota3A_167 = tpu.iota {dimensions = array<i32: 1>} : vector<8x8xi32>
    %convert_element_type3A_168 = arith.sitofp %iota3A_167 : vector<8x8xi32> to vector<8x8xf32>
    %lt3A = arith.cmpf olt, %convert_element_type3A, %convert_element_type3A_168 : vector<8x8xf32>
    %jit3A_169 = arith.constant 1.000000e+00 : f32
    %jit3A_170 = arith.constant 0.000000e+00 : f32
    %broadcast_in_dim3A_171 = vector.broadcast %jit3A_169 : f32 to vector<8x8xf32>
    %broadcast_in_dim3A_172 = vector.broadcast %jit3A_170 : f32 to vector<8x8xf32>
    %select_n3A_173 = arith.select %lt3A, %broadcast_in_dim3A_171, %broadcast_in_dim3A_172 : vector<8x8xi1>, vector<8x8xf32>
    %dot_general3A_174 = arith.constant dense<0.000000e+00> : vector<1x8xf32>
    %dot_general3A_175 = tpu.matmul %mul3A_165, %select_n3A_173, %dot_general3A_174 {dimension_numbers = #tpu.dot_dimension_numbers<[1], [0], [0], [1], [0, 0, 1, 1], [], []>, transpose_lhs_hint = false} : vector<1x8xf32>, vector<8x8xf32>, vector<1x8xf32> -> vector<1x8xf32>
    %add3A_176 = vector.broadcast %dot_general3A_175 : vector<1x8xf32> to vector<2048x8xf32>
    %add3A_177 = arith.addf %add3A_176, %slice3A_151 : vector<2048x8xf32>
    %mul3A_178 = arith.mulf %select_n3A_87, %add3A_177 : vector<2048x8xf32>
    %reduce_sum3A_179 = arith.constant dense<0.000000e+00> : vector<2048xf32>
    %reduce_sum3A_180 = vector.multi_reduction <add>, %mul3A_178, %reduce_sum3A_179 [1] : vector<2048x8xf32> to vector<2048xf32>
    %broadcast_in_dim3A_181 = vector.shape_cast %reduce_sum3A_180 : vector<2048xf32> to vector<2048x1xf32>
    %add3A_182 = arith.addf %dot_general3A_175, %broadcast_in_dim3A_155 : vector<1x8xf32>
    %add3A_183 = vector.broadcast %add3A_182 : vector<1x8xf32> to vector<2048x8xf32>
    %add3A_184 = arith.addf %add3A_183, %slice3A_152 : vector<2048x8xf32>
    %mul3A_185 = arith.mulf %select_n3A_94, %add3A_184 : vector<2048x8xf32>
    %reduce_sum3A_186 = arith.constant dense<0.000000e+00> : vector<2048xf32>
    %reduce_sum3A_187 = vector.multi_reduction <add>, %mul3A_185, %reduce_sum3A_186 [1] : vector<2048x8xf32> to vector<2048xf32>
    %broadcast_in_dim3A_188 = vector.shape_cast %reduce_sum3A_187 : vector<2048xf32> to vector<2048x1xf32>
    %convert_element_type3A_189 = arith.fptosi %broadcast_in_dim3A_181 : vector<2048x1xf32> to vector<2048x1xi32>
    %transpose3A = tpu.transpose %convert_element_type3A_189, [1, 0] : vector<2048x1xi32> -> vector<1x2048xi32>
    %convert_element_type3A_190 = arith.fptosi %broadcast_in_dim3A_188 : vector<2048x1xf32> to vector<2048x1xi32>
    %transpose3A_191 = tpu.transpose %convert_element_type3A_190, [1, 0] : vector<2048x1xi32> -> vector<1x2048xi32>
    %concatenate3A_192 = tpu.concatenate %transpose3A, %transpose3A_191 in 0 : vector<1x2048xi32>, vector<1x2048xi32> -> vector<2x2048xi32>
    %swap3A_193 = arith.constant 0 : index
    %swap3A_194 = arith.constant 0 : index
    %swap3A_195 = vector.load %arg5[%swap3A_193, %swap3A_194] : memref<2x2048xi32, #tpu.memory_space<vmem>>, vector<2x2048xi32>
    tpu.vector_store %arg5[%swap3A_193, %swap3A_194], %concatenate3A_192 {strides = array<i32>} : memref<2x2048xi32, #tpu.memory_space<vmem>>, vector<2x2048xi32>,
    %iota3A_196 = tpu.iota {dimensions = array<i32: 0>} : vector<24x8xi32>
    %convert_element_type3A_197 = arith.sitofp %iota3A_196 : vector<24x8xi32> to vector<24x8xf32>
    %mul3A_198 = arith.constant 2.560000e+02 : f32
    %mul3A_199 = vector.broadcast %mul3A_198 : f32 to vector<24x8xf32>
    %mul3A_200 = arith.mulf %mul3A_199, %convert_element_type3A_197 : vector<24x8xf32>
    %broadcast_in_dim3A_201 = vector.shape_cast %dot_general3A_175 : vector<1x8xf32> to vector<1x8xf32>
    %broadcast_in_dim3A_202 = vector.broadcast %broadcast_in_dim3A_201 : vector<1x8xf32> to vector<24x8xf32>
    %broadcast_in_dim3A_203 = vector.shape_cast %mul3A_165 : vector<1x8xf32> to vector<1x8xf32>
    %broadcast_in_dim3A_204 = vector.broadcast %broadcast_in_dim3A_203 : vector<1x8xf32> to vector<24x8xf32>
    %ge3A = arith.cmpf oge, %mul3A_200, %broadcast_in_dim3A_202 : vector<24x8xf32>
    %add3A_205 = arith.addf %broadcast_in_dim3A_202, %broadcast_in_dim3A_204 : vector<24x8xf32>
    %lt3A_206 = arith.cmpf olt, %mul3A_200, %add3A_205 : vector<24x8xf32>
    %and3A = arith.andi %ge3A, %lt3A_206 : vector<24x8xi1>
    %jit3A_207 = arith.constant 1.000000e+00 : f32
    %jit3A_208 = arith.constant 0.000000e+00 : f32
    %broadcast_in_dim3A_209 = vector.broadcast %jit3A_207 : f32 to vector<24x8xf32>
    %broadcast_in_dim3A_210 = vector.broadcast %jit3A_208 : f32 to vector<24x8xf32>
    %select_n3A_211 = arith.select %and3A, %broadcast_in_dim3A_209, %broadcast_in_dim3A_210 : vector<24x8xi1>, vector<24x8xf32>
    %iota3A_212 = tpu.iota {dimensions = array<i32: 1>} : vector<24x8xi32>
    %convert_element_type3A_213 = arith.sitofp %iota3A_212 : vector<24x8xi32> to vector<24x8xf32>
    %mul3A_214 = arith.mulf %select_n3A_211, %convert_element_type3A_213 : vector<24x8xf32>
    %reduce_sum3A_215 = arith.constant dense<0.000000e+00> : vector<24xf32>
    %reduce_sum3A_216 = vector.multi_reduction <add>, %mul3A_214, %reduce_sum3A_215 [1] : vector<24x8xf32> to vector<24xf32>
    %broadcast_in_dim3A_217 = vector.shape_cast %reduce_sum3A_216 : vector<24xf32> to vector<24x1xf32>
    %reduce_sum3A_218 = vector.shape_cast %mul3A_165 : vector<1x8xf32> to vector<1x1x8xf32>
    %reduce_sum3A_219 = arith.constant dense<0.000000e+00> : vector<1xf32>
    %reduce_sum3A_220 = vector.multi_reduction <add>, %reduce_sum3A_218, %reduce_sum3A_219 [1, 2] : vector<1x1x8xf32> to vector<1xf32>
    %reduce_sum3A_221 = vector.shape_cast %reduce_sum3A_220 : vector<1xf32> to vector<1x1x1xf32>
    %reduce_sum3A_222 = vector.extract %reduce_sum3A_221[0, 0, 0] : f32 from vector<1x1x1xf32>
    %slice3A_223 = vector.extract_strided_slice %mul3A_200 {offsets = [0, 0], sizes = [24, 1], strides = [1, 1]} : vector<24x8xf32> to vector<24x1xf32>
    %lt3A_224 = vector.broadcast %reduce_sum3A_222 : f32 to vector<24x1xf32>
    %lt3A_225 = arith.cmpf olt, %slice3A_223, %lt3A_224 : vector<24x1xf32>
    %iota3A_226 = tpu.iota {dimensions = array<i32: 1>} : vector<1x8xi32>
    %convert_element_type3A_227 = arith.sitofp %iota3A_226 : vector<1x8xi32> to vector<1x8xf32>
    %gt3A = arith.constant 0.000000e+00 : f32
    %gt3A_228 = vector.broadcast %gt3A : f32 to vector<1x8xf32>
    %gt3A_229 = arith.cmpf ogt, %mul3A_165, %gt3A_228 : vector<1x8xf32>
    %jit3A_230 = arith.constant -1.000000e+00 : f32
    %broadcast_in_dim3A_231 = vector.broadcast %jit3A_230 : f32 to vector<1x8xf32>
    %select_n3A_232 = arith.select %gt3A_229, %convert_element_type3A_227, %broadcast_in_dim3A_231 : vector<1x8xi1>, vector<1x8xf32>
    %reduce_max3A_233 = vector.shape_cast %select_n3A_232 : vector<1x8xf32> to vector<1x1x8xf32>
    %reduce_max3A_234 = arith.constant dense<0xFF800000> : vector<1xf32>
    %reduce_max3A_235 = vector.multi_reduction <maximumf>, %reduce_max3A_233, %reduce_max3A_234 [1, 2] : vector<1x1x8xf32> to vector<1xf32>
    %reduce_max3A_236 = vector.shape_cast %reduce_max3A_235 : vector<1xf32> to vector<1x1x1xf32>
    %reduce_max3A_237 = vector.extract %reduce_max3A_236[0, 0, 0] : f32 from vector<1x1x1xf32>
    %broadcast_in_dim3A_238 = vector.broadcast %reduce_max3A_237 : f32 to vector<24x1xf32>
    %select_n3A_239 = arith.select %lt3A_225, %broadcast_in_dim3A_217, %broadcast_in_dim3A_238 : vector<24x1xi1>, vector<24x1xf32>
    %convert_element_type3A_240 = arith.fptosi %select_n3A_239 : vector<24x1xf32> to vector<24x1xi32>
    %swap3A_241 = arith.constant 0 : index
    %swap3A_242 = arith.constant 0 : index
    %swap3A_243 = vector.load %arg6[%swap3A_241, %swap3A_242] : memref<24x1xi32, #tpu.memory_space<vmem>>, vector<24x1xi32>
    tpu.vector_store %arg6[%swap3A_241, %swap3A_242], %convert_element_type3A_240 {strides = array<i32>} : memref<24x1xi32, #tpu.memory_space<vmem>>, vector<24x1xi32>,
    %convert_element_type3A_244 = arith.extui %lt3A_225 : vector<24x1xi1> to vector<24x1xi32>
    %swap3A_245 = arith.constant 0 : index
    %swap3A_246 = arith.constant 0 : index
    %swap3A_247 = vector.load %arg7[%swap3A_245, %swap3A_246] : memref<24x1xi32, #tpu.memory_space<vmem>>, vector<24x1xi32>
    tpu.vector_store %arg7[%swap3A_245, %swap3A_246], %convert_element_type3A_244 {strides = array<i32>} : memref<24x1xi32, #tpu.memory_space<vmem>>, vector<24x1xi32>,
    return
  }
}

module attributes {stable_mosaic.version = 14 : i64} {
  func.func @_ffn_kernel(%arg0: i32, %arg1: memref<24xi32, #tpu.memory_space<smem>>, %arg2: memref<24xi32, #tpu.memory_space<smem>>, %arg3: memref<256x768xf32, #tpu.memory_space<vmem>>, %arg4: memref<1x768x1024xf32, #tpu.memory_space<vmem>>, %arg5: memref<1x1x1024xf32, #tpu.memory_space<vmem>>, %arg6: memref<1x1024x768xf32, #tpu.memory_space<vmem>>, %arg7: memref<1x1x768xf32, #tpu.memory_space<vmem>>, %arg8: memref<1x1x256xf32, #tpu.memory_space<vmem>>, %arg9: memref<256x768xf32, #tpu.memory_space<vmem>>) attributes {dimension_semantics = [#tpu.dimension_semantics<arbitrary>], iteration_bounds = array<i64: 24>, scalar_prefetch = 2 : i64, scratch_operands = 0 : i64, tpu.core_type = #tpu.core_type<tc>, window_params = [{transform_indices = @transform_0, window_bounds = array<i64: 256, 768>}, {transform_indices = @transform_1, window_bounds = array<i64: 1, 768, 1024>}, {transform_indices = @transform_2, window_bounds = array<i64: 1, 1, 1024>}, {transform_indices = @transform_3, window_bounds = array<i64: 1, 1024, 768>}, {transform_indices = @transform_4, window_bounds = array<i64: 1, 1, 768>}, {transform_indices = @transform_5, window_bounds = array<i64: 1, 1, 256>}, {transform_indices = @transform_6, window_bounds = array<i64: 256, 768>}]} {
    %get3A = arith.index_cast %arg0 : i32 to index
    %get3A_0 = memref.load %arg2[%get3A] : memref<24xi32, #tpu.memory_space<smem>>
    %ne3A = arith.constant 0 : i32
    %ne3A_1 = arith.cmpi ne, %get3A_0, %ne3A : i32
    %convert_element_type3A = arith.extui %ne3A_1 : i1 to i32
    %cond3A = arith.constant 0 : i32
    %cond3A_2 = arith.cmpi ne, %convert_element_type3A, %cond3A : i32
    scf.if %cond3A_2 {
      %get3A_3 = arith.constant 0 : index
      %get3A_4 = arith.constant 0 : index
      %get3A_5 = vector.load %arg3[%get3A_3, %get3A_4] : memref<256x768xf32, #tpu.memory_space<vmem>>, vector<256x768xf32>
      %get3A_6 = arith.constant 0 : index
      %get3A_7 = arith.constant 0 : index
      %get3A_8 = arith.constant 0 : index
      %get3A_9 = vector.load %arg7[%get3A_6, %get3A_7, %get3A_8] : memref<1x1x768xf32, #tpu.memory_space<vmem>>, vector<1x1x768xf32>
      %get3A_10 = vector.shape_cast %get3A_9 : vector<1x1x768xf32> to vector<1x768xf32>
      %broadcast_in_dim3A = arith.constant 0.000000e+00 : f32
      %broadcast_in_dim3A_11 = vector.broadcast %broadcast_in_dim3A : f32 to vector<256x768xf32>
      %scan3A = arith.constant 0 : i32
      %mul3A = arith.constant 1024 : i32
      %mul3A_12 = arith.muli %scan3A, %mul3A : i32
      %get3A_13 = arith.constant 0 : index
      %get3A_14 = arith.constant 0 : index
      %get3A_15 = arith.index_cast %mul3A_12 : i32 to index
      %get3A_16 = vector.load %arg4[%get3A_13, %get3A_14, %get3A_15] : memref<1x768x1024xf32, #tpu.memory_space<vmem>>, vector<1x768x1024xf32>
      %get3A_17 = vector.shape_cast %get3A_16 : vector<1x768x1024xf32> to vector<768x1024xf32>
      %dot_general3A = arith.constant dense<0.000000e+00> : vector<256x1024xf32>
      %dot_general3A_18 = tpu.matmul %get3A_5, %get3A_17, %dot_general3A {dimension_numbers = #tpu.dot_dimension_numbers<[1], [0], [0], [1], [0, 0, 1, 1], [], []>, transpose_lhs_hint = false} : vector<256x768xf32>, vector<768x1024xf32>, vector<256x1024xf32> -> vector<256x1024xf32>
      %mul3A_19 = arith.constant 1024 : i32
      %mul3A_20 = arith.muli %scan3A, %mul3A_19 : i32
      %get3A_21 = arith.constant 0 : index
      %get3A_22 = arith.constant 0 : index
      %get3A_23 = arith.index_cast %mul3A_20 : i32 to index
      %get3A_24 = vector.load %arg5[%get3A_21, %get3A_22, %get3A_23] : memref<1x1x1024xf32, #tpu.memory_space<vmem>>, vector<1x1x1024xf32>
      %get3A_25 = vector.shape_cast %get3A_24 : vector<1x1x1024xf32> to vector<1x1024xf32>
      %add3A = vector.broadcast %get3A_25 : vector<1x1024xf32> to vector<256x1024xf32>
      %add3A_26 = arith.addf %dot_general3A_18, %add3A : vector<256x1024xf32>
      %mul3A_27 = arith.constant 5.000000e-01 : f32
      %mul3A_28 = vector.broadcast %mul3A_27 : f32 to vector<256x1024xf32>
      %mul3A_29 = arith.mulf %mul3A_28, %add3A_26 : vector<256x1024xf32>
      %mul3A_30 = arith.constant 0.707106769 : f32
      %mul3A_31 = vector.broadcast %mul3A_30 : f32 to vector<256x1024xf32>
      %mul3A_32 = arith.mulf %add3A_26, %mul3A_31 : vector<256x1024xf32>
      %erf3A = math.erf %mul3A_32 : vector<256x1024xf32>
      %add3A_33 = arith.constant 1.000000e+00 : f32
      %add3A_34 = vector.broadcast %add3A_33 : f32 to vector<256x1024xf32>
      %add3A_35 = arith.addf %add3A_34, %erf3A : vector<256x1024xf32>
      %mul3A_36 = arith.mulf %mul3A_29, %add3A_35 : vector<256x1024xf32>
      %mul3A_37 = arith.constant 1024 : i32
      %mul3A_38 = arith.muli %scan3A, %mul3A_37 : i32
      %get3A_39 = arith.constant 0 : index
      %get3A_40 = arith.index_cast %mul3A_38 : i32 to index
      %get3A_41 = arith.constant 0 : index
      %get3A_42 = vector.load %arg6[%get3A_39, %get3A_40, %get3A_41] : memref<1x1024x768xf32, #tpu.memory_space<vmem>>, vector<1x1024x768xf32>
      %get3A_43 = vector.shape_cast %get3A_42 : vector<1x1024x768xf32> to vector<1024x768xf32>
      %dot_general3A_44 = arith.constant dense<0.000000e+00> : vector<256x768xf32>
      %dot_general3A_45 = tpu.matmul %mul3A_36, %get3A_43, %dot_general3A_44 {dimension_numbers = #tpu.dot_dimension_numbers<[1], [0], [0], [1], [0, 0, 1, 1], [], []>, transpose_lhs_hint = false} : vector<256x1024xf32>, vector<1024x768xf32>, vector<256x768xf32> -> vector<256x768xf32>
      %add3A_46 = arith.addf %broadcast_in_dim3A_11, %dot_general3A_45 : vector<256x768xf32>
      %scan3A_47 = arith.constant 1 : i32
      %add3A_48 = vector.broadcast %get3A_10 : vector<1x768xf32> to vector<256x768xf32>
      %add3A_49 = arith.addf %add3A_46, %add3A_48 : vector<256x768xf32>
      %get3A_50 = arith.constant 0 : index
      %get3A_51 = arith.constant 0 : index
      %get3A_52 = arith.constant 0 : index
      %get3A_53 = vector.load %arg8[%get3A_50, %get3A_51, %get3A_52] : memref<1x1x256xf32, #tpu.memory_space<vmem>>, vector<1x1x256xf32>
      %get3A_54 = vector.shape_cast %get3A_53 : vector<1x1x256xf32> to vector<1x256xf32>
      %transpose3A = tpu.transpose %get3A_54, [1, 0] : vector<1x256xf32> -> vector<256x1xf32>
      %mul3A_55 = vector.broadcast %transpose3A : vector<256x1xf32> to vector<256x768xf32>
      %mul3A_56 = arith.mulf %add3A_49, %mul3A_55 : vector<256x768xf32>
      %swap3A = arith.constant 0 : index
      %swap3A_57 = arith.constant 0 : index
      %swap3A_58 = vector.load %arg9[%swap3A, %swap3A_57] : memref<256x768xf32, #tpu.memory_space<vmem>>, vector<256x768xf32>
      tpu.vector_store %arg9[%swap3A, %swap3A_57], %mul3A_56 {strides = array<i32>} : memref<256x768xf32, #tpu.memory_space<vmem>>, vector<256x768xf32>,
    } else {
    }
    return
  }
  func.func @transform_0(%arg0: i32, %arg1: memref<24xi32, #tpu.memory_space<smem>>, %arg2: memref<24xi32, #tpu.memory_space<smem>>) -> (i32, i32) {
    %c0_i32 = arith.constant 0 : i32
    %c0_i32_0 = arith.constant 0 : i32
    return %arg0, %c0_i32 : i32, i32
  }
  func.func @transform_1(%arg0: i32, %arg1: memref<24xi32, #tpu.memory_space<smem>>, %arg2: memref<24xi32, #tpu.memory_space<smem>>) -> (i32, i32, i32) {
    %get3A = arith.index_cast %arg0 : i32 to index
    %get3A_0 = memref.load %arg1[%get3A] : memref<24xi32, #tpu.memory_space<smem>>
    %c0_i32 = arith.constant 0 : i32
    %c0_i32_1 = arith.constant 0 : i32
    %c0_i32_2 = arith.constant 0 : i32
    return %get3A_0, %c0_i32, %c0_i32_1 : i32, i32, i32
  }
  func.func @transform_2(%arg0: i32, %arg1: memref<24xi32, #tpu.memory_space<smem>>, %arg2: memref<24xi32, #tpu.memory_space<smem>>) -> (i32, i32, i32) {
    %get3A = arith.index_cast %arg0 : i32 to index
    %get3A_0 = memref.load %arg1[%get3A] : memref<24xi32, #tpu.memory_space<smem>>
    %c0_i32 = arith.constant 0 : i32
    %c0_i32_1 = arith.constant 0 : i32
    %c0_i32_2 = arith.constant 0 : i32
    return %get3A_0, %c0_i32, %c0_i32_1 : i32, i32, i32
  }
  func.func @transform_3(%arg0: i32, %arg1: memref<24xi32, #tpu.memory_space<smem>>, %arg2: memref<24xi32, #tpu.memory_space<smem>>) -> (i32, i32, i32) {
    %get3A = arith.index_cast %arg0 : i32 to index
    %get3A_0 = memref.load %arg1[%get3A] : memref<24xi32, #tpu.memory_space<smem>>
    %c0_i32 = arith.constant 0 : i32
    %c0_i32_1 = arith.constant 0 : i32
    %c0_i32_2 = arith.constant 0 : i32
    return %get3A_0, %c0_i32, %c0_i32_1 : i32, i32, i32
  }
  func.func @transform_4(%arg0: i32, %arg1: memref<24xi32, #tpu.memory_space<smem>>, %arg2: memref<24xi32, #tpu.memory_space<smem>>) -> (i32, i32, i32) {
    %get3A = arith.index_cast %arg0 : i32 to index
    %get3A_0 = memref.load %arg1[%get3A] : memref<24xi32, #tpu.memory_space<smem>>
    %c0_i32 = arith.constant 0 : i32
    %c0_i32_1 = arith.constant 0 : i32
    %c0_i32_2 = arith.constant 0 : i32
    return %get3A_0, %c0_i32, %c0_i32_1 : i32, i32, i32
  }
  func.func @transform_5(%arg0: i32, %arg1: memref<24xi32, #tpu.memory_space<smem>>, %arg2: memref<24xi32, #tpu.memory_space<smem>>) -> (i32, i32, i32) {
    %c0_i32 = arith.constant 0 : i32
    %c0_i32_0 = arith.constant 0 : i32
    %c0_i32_1 = arith.constant 0 : i32
    return %arg0, %c0_i32, %c0_i32_0 : i32, i32, i32
  }
  func.func @transform_6(%arg0: i32, %arg1: memref<24xi32, #tpu.memory_space<smem>>, %arg2: memref<24xi32, #tpu.memory_space<smem>>) -> (i32, i32) {
    %c0_i32 = arith.constant 0 : i32
    %c0_i32_0 = arith.constant 0 : i32
    return %arg0, %c0_i32 : i32, i32
  }
}

</mosaic_0001>

<sc_bundles>
// kernel: kernel.6.cloned.1.call-start
scs
__scs_entry_jumppad:
0x0: {  	(pc) =	sbr.rel $0x88, $3  }
0x1: {  	(tag) =	ssettag $0x0;
	lr =	simm.s32 $0x1  }
0x2: {  	[smem:$0x3F9A] =	sst lr;
	_ =	strace $0xD0000000  }
0x3: {  	_ = 	snop  }
0x4: {  	_ = 	snop  }
0x5: {  	_ = 	snop  }
0x6: {  	_ = 	snop  }
0x7: {  	_ = 	snop  }
__scs_overlays_trampoline_lowered:
0x8: {  	[smem:$0x3FA9] =	sst s0  }
0x9: {  	[smem:$0x3FAA] =	sst s1  }
0xa: {  	[smem:$0x3FAB] =	sst s2  }
0xb: {  	[smem:$0x3FAC] =	sst s3  }
0xc: {  	[smem:$0x3FAD] =	sst s4  }
0xd: {  	[smem:$0x3FAE] =	sst s5  }
0xe: {  	[smem:$0x3FAF] =	sst s6  }
0xf: {  	[smem:$0x3FB0] =	sst s7  }
0x10: {  	[smem:$0x3FB1] =	sst s8  }
0x11: {  	[smem:$0x3FB2] =	sst s9;
	s0 =	simm.s32 @!p0 $0x0  }
0x12: {  	s1 =	sld [smem:$0x3F98];
	s0 =	simm.s32 @p0 $0x1  }
0x13: {  	[smem:$0x3FB3] =	sst s0;
	s0 =	simm.s32 @!p1 $0x0  }
0x14: {  	s2 =	sld [smem:$0x3F97];
	s0 =	simm.s32 @p1 $0x1  }
0x15: {  	[smem:$0x3FB4] =	sst s0;
	s0 =	simm.s32 @!p2 $0x0  }
0x16: {  	s3 =	sld [smem:$0x3FDB];
	s0 =	simm.s32 @p2 $0x1  }
0x17: {  	s4 =	simm.s32 $0x1BF5;
	[smem:$0x3FB6] =	sst s0  }
0x18: {  	s0 =	sld [smem:$0x3F99];
	_ =	swait.ge [sflag:s4], $0x0  }
0x19: {  	s7 =	sld [smem:$0x3F9A]  }
0x1a: {  	s8 =	sadd.s32 $0xFFFFE003, lr  }
0x1b: {  	s9 =	sadd.s32 $0xFFFFFEF7, lr;
	s5 =	simm.s32 $0xFFFFFFFF;
	p2 =	slt.u32 s8, $0xFFFFF086  }
0x1c: {  	p1 =	slt.u32 s9, $0xF7A;
	s5 =	simm.s32 @!p2 $0x0  }
0x1d: {  	s5 =	simm.s32 @p1 $0x1;
	p0 =	seq.s32 s7, s2  }
0x1e: {  	s7 =	smul.u32 @!p0 $0xF7A, s2;
	p2 =	seq.s32 @!p0 s5, $0x0  }
0x1f: {  	s9 =	smul.u32 $0xF7A, s1;
	s8 =	simm.s32 @!p0 $0x1BF5;
	p2 =	por !p2, p0  }
0x20: {  	[sflag:s8] =	ssyncset.s32 @!p0 $0xFFFFF086;
	s6 =	sadd.s32 @!p0 s3, s7;
	s7 =	simm.s32 @!p0 $0x108  }
0x21: {  	s3 =	sadd.s32 s3, s9;
	s6 =	sadd.s32 @!p0 $0x88, s6;
	s7 =	simm.s32 @p2 $0x1082  }
0x22: {  	[simem:s7], [sflag:s8] =	dma.local @!p0 [hbm:s6], $0xF7A  }
0x23: {  	s9 =	sor.u32 $0xD0000000, s2;
	s6 =	simm.s32 $0x108;
	_ =	swait.ge @!p0 [sflag:s8], $0x0  }
0x24: {  	s3 =	sadd.s32 $0x88, s3;
	s6 =	simm.s32 @!p1 $0x1082;
	[sflag:s4] =	ssyncset.s32 $0xFFFFF086  }
0x25: {  	[simem:s6], [sflag:s4] =	dma.local [hbm:s3], $0xF7A  }
0x26: {  	[smem:$0x3F9A] =	sst s1;
	(tag) =	ssettag s2;
	_ =	strace s9  }
0x27: {  	s1 =	sld [smem:$0x3FAA]  }
0x28: {  	s2 =	sld [smem:$0x3FAB]  }
0x29: {  	s4 =	sld [smem:$0x3FAD]  }
0x2a: {  	p0 =	seq.s32 s5, $0x0;
	s5 =	sld [smem:$0x3FAE]  }
0x2b: {  	s6 =	sld [smem:$0x3FAF]  }
0x2c: {  	s7 =	sld [smem:$0x3FB0]  }
0x2d: {  	s3 =	simm.s32 $0x108;
	s8 =	sld [smem:$0x3FB1]  }
0x2e: {  	s3 =	simm.s32 @!p0 $0x1082;
	s9 =	sld [smem:$0x3FB2]  }
0x2f: {  	lr =	sadd.s32 s0, s3;
	s0 =	sld [smem:$0x3FA9]  }
0x30: {  	s3 =	sld [smem:$0x3FAC]  }
0x31: {  	[smem:$0x3FB5] =	sst s10  }
0x32: {  	s10 =	sld [smem:$0x3FB3];
	_ =	sdelay $0x3  }
0x33: {  	p0 =	seq.s32 s10, $0x1;
	s10 =	sld [smem:$0x3FB5];
	_ =	sdelay $0x3  }
0x34: {  	[smem:$0x3FB5] =	sst s10  }
0x35: {  	s10 =	sld [smem:$0x3FB4];
	_ =	sdelay $0x3  }
0x36: {  	p1 =	seq.s32 s10, $0x1;
	s10 =	sld [smem:$0x3FB5];
	_ =	sdelay $0x3  }
0x37: {  	[smem:$0x3FB5] =	sst s10  }
0x38: {  	s10 =	sld [smem:$0x3FB6]  }
0x39: {  	_ = 	snop;
	(pc) =	sbr.ind lr, $3  }
0x3a: {  	_ = 	snop  }
0x3b: {  	_ = 	snop  }
0x3c: {  	p2 =	seq.s32 s10, $0x1;
	s10 =	sld [smem:$0x3FB5]  }
0x3d: {  	_ =	shalt  }
0x3e: {  	_ =	shalt  }
0x3f: {  	_ =	shalt  }
0x40: {  	_ =	shalt  }
0x41: {  	_ =	shalt  }
0x42: {  	_ =	shalt  }
0x43: {  	_ =	shalt  }
0x44: {  	_ =	shalt  }
0x45: {  	_ =	shalt  }
0x46: {  	_ =	shalt  }
0x47: {  	_ =	shalt  }
0x48: {  	_ =	shalt  }
0x49: {  	_ =	shalt  }
0x4a: {  	_ =	shalt  }
0x4b: {  	_ =	shalt  }
0x4c: {  	_ =	shalt  }
0x4d: {  	_ =	shalt  }
0x4e: {  	_ =	shalt  }
0x4f: {  	_ =	shalt  }
0x50: {  	_ =	shalt  }
0x51: {  	_ =	shalt  }
0x52: {  	_ =	shalt  }
0x53: {  	_ =	shalt  }
0x54: {  	_ =	shalt  }
0x55: {  	_ =	shalt  }
0x56: {  	_ =	shalt  }
0x57: {  	_ =	shalt  }
0x58: {  	_ =	shalt  }
0x59: {  	_ =	shalt  }
0x5a: {  	_ =	shalt  }
0x5b: {  	_ =	shalt  }
0x5c: {  	_ =	shalt  }
0x5d: {  	_ =	shalt  }
0x5e: {  	_ =	shalt  }
0x5f: {  	_ =	shalt  }
0x60: {  	_ =	shalt  }
0x61: {  	_ =	shalt  }
0x62: {  	_ =	shalt  }
0x63: {  	_ =	shalt  }
0x64: {  	_ =	shalt  }
0x65: {  	_ =	shalt  }
0x66: {  	_ =	shalt  }
0x67: {  	_ =	shalt  }
0x68: {  	_ =	shalt  }
0x69: {  	_ =	shalt  }
0x6a: {  	_ =	shalt  }
0x6b: {  	_ =	shalt  }
0x6c: {  	_ =	shalt  }
0x6d: {  	_ =	shalt  }
0x6e: {  	_ =	shalt  }
0x6f: {  	_ =	shalt  }
0x70: {  	_ =	shalt  }
0x71: {  	_ =	shalt  }
0x72: {  	_ =	shalt  }
0x73: {  	_ =	shalt  }
0x74: {  	_ =	shalt  }
0x75: {  	_ =	shalt  }
0x76: {  	_ =	shalt  }
0x77: {  	_ =	shalt  }
0x78: {  	_ =	shalt  }
0x79: {  	_ =	shalt  }
0x7a: {  	_ =	shalt  }
0x7b: {  	_ =	shalt  }
0x7c: {  	_ =	shalt  }
0x7d: {  	_ =	shalt  }
0x7e: {  	_ =	shalt  }
0x7f: {  	_ =	shalt  }
0x80: {  	_ =	shalt  }
0x81: {  	_ =	shalt  }
0x82: {  	_ =	shalt  }
0x83: {  	_ =	shalt  }
0x84: {  	_ =	shalt  }
0x85: {  	_ =	shalt  }
0x86: {  	_ =	shalt  }
0x87: {  	_ =	shalt  }
.Lfunc_end0:
.L_simem_size_0:
called_computation_lowered:
.L_overlay_start_0:
0x88: {  	s2 =	sld [smem:$0x3FD9]  }
0x89: {  	s3 =	sld [smem:$0x3FFE];
	_ =	sdelay $0x1  }
0x8a: {  	s1 =	srdreg.scid  }
0x8b: {  	s0 =	sand.u32 $0x1, s1  }
0x8c: {  	s14 =	sshll.u32 s0, $0xA;
	s2 =	sadd.s32 s3, s2  }
0x8d: {  	s2 =	sadd.s32 s2, s14  }
0x8e: {  	[smem:$0x3FC1] =	sst s2  }
0x8f: {  	_ = 	snop  }
0x90: {  	s2 =	sld [smem:$0x3FD0];
	_ =	sdelay $0x2  }
0x91: {  	s4 =	simm.s32 $0xA;
	s5 =	simm.s32 $0x10;
	s15 =	sld [smem:$0x3FC9]  }
0x92: {  	[smem:s5], [sflag:s4] =	dma.local [hbm:s2], $0x1  }
0x93: {  	_ =	swait.eq [sflag:s4], $0x1  }
0x94: {  	[sflag:s4] =	ssyncset.done $0x0  }
0x95: {  	s16 =	sld [smem:$0x10];
	[sflag:s4] =	ssyncadd.s32 $0xFFFFFFFF  }
0x96: {  	s17 =	sld [smem:$0x12];
	(tm) =	ssettm $0x1  }
0x97: {  	s18 =	sld [smem:$0x3FFB];
	_ =	sdelay $0x3  }
0x98: {  	_ =	strace s18  }
0x99: {  	s5 =	sld [smem:$0x3FFC];
	_ =	sdelay $0x3  }
0x9a: {  	_ =	strace s5  }
0x9b: {  	s5 =	sld [smem:$0x3FFD];
	_ =	sdelay $0x3  }
0x9c: {  	_ =	strace s5  }
0x9d: {  	_ =	strace $0x8FFFFFFF  }
0x9e: {  	s19 =	sld [smem:$0x3FDB];
	_ =	sdelay $0x1  }
0x9f: {  	s6 =	simm.s32 $_scs_section_size  }
0xa0: {  	s7 =	simm.s32 $_size__tile_overlayer_lowered;
	s8 =	simm.s32 $_tile_overlayer_lowered  }
0xa1: {  	s22 =	simm.s32 $0x1BFF;
	s21 =	sshll.u32 s8, $0x1;
	s5 =	sadd.s32 s6, s19  }
0xa2: {  	s9 =	simm.s32 $0x0;
	s20 =	sshll.u32 s7, $0x1;
	s7 =	sadd.s32 s21, s5  }
0xa3: {  	[timem:s9], [sflag:s22] =	dma.local [hbm:s7], s20  }
0xa4: {  	_ =	swait.ge [sflag:s22], s20  }
0xa5: {  	s6 =	ssub.s32 $0x0, s20;
	[sflag:s22] =	ssyncset.done $0x0  }
0xa6: {  	[sflag:s22] =	ssyncadd.s32 s6;
	_ =	sdelay $0x1  }
0xa7: {  	s23 =	simm.s32 $0x1B8B  }
0xa8: {  	_ =	swait.ge [sflag:s23], $0x1  }
0xa9: {  	[sflag:s23] =	ssyncset.done $0x0  }
0xaa: {  	s25 =	simm.s32 $0x1B8E;
	s24 =	sld [smem:$0x3FFE];
	[sflag:s23] =	ssyncadd.s32 $0xFFFFFFFF  }
0xab: {  	s26 =	simm.s32 $execute0_lowered;
	[smem:$0x3FD2] =	sst s25  }
0xac: {  	s7 =	sshll.u32 s26, $0x1;
	_ =	strace $0x80000046;
	[dreg:$0x1] =	wrdreg $0xFFFFFFFF  }
0xad: {  	s28 =	simm.s32 $_size_execute0_lowered;
	s5 =	sadd.s32 s5, s7;
	[dreg:$0x0] =	wrdreg $0x0  }
0xae: {  	s7 =	sshll.u32 s28, $0x1;
	[dreg:$0x2] =	wrdreg s5  }
0xaf: {  	[dreg:$0x3] =	wrdreg s7  }
0xb0: {  	[dreg:$0x4] =	wrdreg $0xC0  }
0xb1: {  	_ =	task [dreg:s9], $0x5FFFF  }
0xb2: {  	[dreg:$0x1] =	wrdreg $0xFFFFFFFF  }
0xb3: {  	[dreg:$0x0] =	wrdreg $0x60  }
0xb4: {  	[dreg:$0x2] =	wrdreg s15  }
0xb5: {  	[dreg:$0x3] =	wrdreg s16  }
0xb6: {  	[dreg:$0x4] =	wrdreg s17  }
0xb7: {  	[dreg:$0x5] =	wrdreg s24  }
0xb8: {  	[dreg:$0x6] =	wrdreg $0x9  }
0xb9: {  	_ =	task.clear_ibuf [dreg:s9], $0x7FFFF;
	_ =	strace $0x90000046  }
0xba: {  	s29 =	simm.s32 $0x9;
	_ =	strace $0x80000048  }
0xbb: {  	_ =	swait.ge [sflag:s29], $0x1  }
0xbc: {  	[sflag:s29] =	ssyncadd.s32 $0xFFFFFFFF  }
0xbd: {  	_ =	strace $0x90000048  }
0xbe: {  	_ =	sfence  }
0xbf: {  	s30 =	sld [smem:$0x0];
	_ =	sdelay $0x2  }
0xc0: {  	s31 =	sshll.u32 s1, $0xD;
	s1 =	sshrl.u32 s1, $0x2  }
0xc1: {  	s3 =	sand.u32 $0x4000, s31;
	s1 =	sadd.s32 s1, s30  }
0xc2: {  	s0 =	sor.u32 s3, s0;
	s1 =	sshll.u32 s1, $0x11  }
0xc3: {  	s0 =	sor.u32 s1, s0  }
0xc4: {  	s0 =	sadd.s32 $0x8F2B, s0  }
0xc5: {  	[sflag:s0] =	ssyncadd.remote.s32 $0x1  }
0xc6: {  	_ =	sfence.sel $0xFFFF  }
0xc7: {  	[dreg:$0x0] =	wrdreg $0xFFFFFFFF;
	(pc) =	sbr.abs _section_cstart, $3  }
0xc8: {  	[dreg:$0x1] =	wrdreg $0xFFFFFFFF  }
0xc9: {  	_ =	task.clear_ibuf [dreg:s9], $0x2FFFF;
	_ =	strace $0x9FFFFFFF  }
0xca: {  	(tm) =	ssettm $0x7FFFFFFF  }
0xcb: {  	_ =	shalt  }
tec
execute0_lowered:
.L_overlay_start_1:
0x0: {  	(tag) =	ssettag $0x1  }
0x1: {  	s4 =	rddreg [dreg:$0x0]  }
0x2: {  	s3 =	rddreg [dreg:$0x1]  }
0x3: {  	s1 =	srdreg.scid;
	s0 =	stileid.u32  }
0x4: {  	s5 =	rddreg [dreg:$0x2];
	s6 =	sand.u32 $0x1, s1;
	s2 =	sshll.u32 s0, $0x1  }
0x5: {  	s1 =	rddreg [dreg:$0x3];
	s7 =	sor.u32 s6, s2;
	s2 =	simm.s32 $0x0  }
0x6: {  	s14 =	simm.s32 $0x980;
	[smem:$0x7FF] =	sst s2  }
0x7: {  	s15 =	simm.s32 $0x1180;
	_ =	strace $0x80000047;
	[dreg:$0x9] =	wrdreg s14  }
0x8: {  	s16 =	simm.s32 $0x1980;
	[dreg:$0xa] =	wrdreg s15  }
0x9: {  	s17 =	simm.s32 $0x2180;
	[dreg:$0xb] =	wrdreg s16  }
0xa: {  	s18 =	simm.s32 $0x2980;
	[dreg:$0xc] =	wrdreg s17  }
0xb: {  	s19 =	simm.s32 $0x3180;
	[dreg:$0xd] =	wrdreg s18  }
0xc: {  	s20 =	simm.s32 $0x3980;
	[dreg:$0xe] =	wrdreg s19  }
0xd: {  	s21 =	simm.s32 $0x4180;
	[dreg:$0xf] =	wrdreg s20  }
0xe: {  	s22 =	simm.s32 $0x4980;
	[dreg:$0x10] =	wrdreg s21  }
0xf: {  	s23 =	simm.s32 $0x5180;
	[dreg:$0x11] =	wrdreg s22  }
0x10: {  	s24 =	simm.s32 $0x5980;
	[dreg:$0x12] =	wrdreg s23  }
0x11: {  	s25 =	simm.s32 $0x6180;
	s26 =	simm.s32 $0x6980;
	[dreg:$0x13] =	wrdreg s24  }
0x12: {  	s11 =	simm.s32 $0xA180;
	s28 =	simm.s32 $0x17180;
	[dreg:$0x14] =	wrdreg s25  }
0x13: {  	s29 =	simm.s32 $0x17980;
	s0 =	simm.s32 $0x7180;
	[dreg:$0x15] =	wrdreg s26  }
0x14: {  	s30 =	simm.s32 $0x3;
	s8 =	sshll.u32 s7, $0x4;
	[dreg:$0x16] =	wrdreg s0  }
0x15: {  	s31 =	simm.s32 $0x40;
	s5 =	sadd.s32 s5, s8;
	[dreg:$0x1c] =	wrdreg s11  }
0x16: {  	s9 =	sand.u32 $0xF0, s8;
	s8 =	simm.s32 $0x8980;
	[dreg:$0x6] =	wrdreg s5  }
0x17: {  	s6 =	ssub.s32 $0x2, s6;
	s14 =	simm.s32 $0xB980;
	[dreg:$0x19] =	wrdreg s8  }
0x18: {  	s7 =	sshll.u32 s7, $0x5;
	s16 =	simm.s32 $0xC980;
	[dreg:$0x1f] =	wrdreg s14  }
0x19: {  	s3 =	sadd.s32 s3, s7;
	s17 =	simm.s32 $0xD180;
	[smem:$0x7F3] =	sst s16  }
0x1a: {  	s15 =	sshrl.u32 s6, $0x1;
	s18 =	simm.s32 $0xD980;
	[smem:$0x7F4] =	sst s17  }
0x1b: {  	s19 =	simm.s32 $0xE180;
	s20 =	simm.s32 $0xE980;
	[smem:$0x7F5] =	sst s18  }
0x1c: {  	s21 =	simm.s32 $0xF180;
	s22 =	simm.s32 $0xF980;
	[smem:$0x7F6] =	sst s19  }
0x1d: {  	s11 =	simm.s32 $0x180;
	s23 =	simm.s32 $0x10180;
	[smem:$0x7F7] =	sst s20  }
0x1e: {  	s24 =	simm.s32 $0x10980;
	s25 =	simm.s32 $0x11180;
	[smem:$0x7F8] =	sst s21  }
0x1f: {  	s26 =	simm.s32 $0x11980;
	s12 =	smul.u32 $0x1800, s9;
	[smem:$0x7F9] =	sst s22  }
0x20: {  	s10 =	sadd.s32 $0x10, s3;
	s9 =	smul.u32 $0x300, s9;
	[smem:$0x7FA] =	sst s23  }
0x21: {  	s5 =	simm.s32 $0x7980;
	s8 =	ssub.s32 s6, s15;
	[smem:$0x7FB] =	sst s24  }
0x22: {  	s6 =	sadd.s32 $0x1900, s1;
	s14 =	simm.s32 $0x4;
	[smem:$0x7FC] =	sst s25  }
0x23: {  	s15 =	simm.s32 $0x2;
	s16 =	simm.s32 $0x5;
	[smem:$0x7FD] =	sst s26  }
0x24: {  	s18 =	simm.s32 $0x12980;
	s19 =	simm.s32 $0x13180;
	s20 =	simm.s32 $0x13980  }
0x25: {  	s21 =	simm.s32 $0x14180;
	s22 =	simm.s32 $0x14980;
	s23 =	simm.s32 $0x15180  }
0x26: {  	s24 =	simm.s32 $0x15980;
	s25 =	simm.s32 $0x16180;
	[dreg:$0x5] =	wrdreg s10  }
0x27: {  	s26 =	simm.s32 $0x16980;
	[dreg:$0x17] =	wrdreg s5;
	s10 =	simm.s32 $0x9980  }
0x28: {  	s5 =	sadd.s32 $0x1400, s1;
	s8 =	smax.u32 s8, $0x1;
	s7 =	sshrl.u32 s12, $0x3  }
0x29: {  	s13 =	sadd.s32 s4, s9;
	s9 =	simm.s32 $0x9180;
	[dreg:$0x1b] =	wrdreg s10  }
0x2a: {  	s12 =	simm.s32 $0xA980;
	s10 =	simm.s32 $0x100;
	[dreg:$0x7] =	wrdreg s13  }
0x2b: {  	s4 =	sadd.s32 s4, s7;
	s7 =	simm.s32 $0x8180;
	[dreg:$0x1a] =	wrdreg s9  }
0x2c: {  	[dreg:$0x1d] =	wrdreg s12;
	s13 =	simm.s32 $0xB180;
	s9 =	simm.s32 $0x80  }
0x2d: {  	v2 =	vlaneseq.u32;
	s12 =	simm.s32 $0xC180;
	s4 =	sadd.s32 $0x1800, s4;
	[dreg:$0x18] =	wrdreg s7  }
0x2e: {  	vm0 =	vmmov $0xffff;
	v1 =	vshrl.u32 v2, $0x3;
	[dreg:$0x1e] =	wrdreg s13;
	s7 =	sadd.s32 $0x1A00, s1;
	s13 =	simm.s32 $0x1  }
0x2f: {  	v0 =	vand.u32 $0x7, v2;
	v2 =	vor.u32 $0x8, v2;
	v1 =	vmul.u32 $0x8, v1;
	[dreg:$0x8] =	wrdreg s4;
	s4 =	sadd.s32 $0x1800, s1;
	s1 =	simm.s32 $0x140  }
.LBB2_1:
0x30: {  	[tilespmem:s2], [sflag:$0x1] =	stream.linear.gather [hbm4b:s3+s2], $0x80, $0x38;
	[tilespmem:$0x18180] =	vst v63  }
0x31: {  	s0 =	rddreg [dreg:$0x5]  }
0x32: {  	[tilespmem:s9], [sflag:$0x2] =	stream.linear.gather [hbm4b:s0+s2], $0x80, $0x38;
	[tilespmem:$0x18180] =	vst v63  }
0x33: {  	s17 =	rddreg [dreg:$0x6]  }
0x34: {  	[tilespmem:s10], [sflag:$0x3] =	stream.linear.gather [hbm4b:s17+s2], $0x80, $0x38;
	[tilespmem:$0x18180] =	vst v63  }
0x35: {  	s0 =	rddreg [dreg:$0x7]  }
0x36: {  	[tilespmem:s11], [sflag:$0x4] =	stream.linear.gather [hbm4b:s0+s2], $0xC000, $0x38;
	[tilespmem:$0x18180] =	vst v63  }
0x37: {  	s17 =	rddreg [dreg:$0x8]  }
0x38: {  	[tilespmem:s12], [sflag:$0x5] =	stream.linear.gather [hbm4b:s17+s2], $0xC000, $0x38;
	[tilespmem:$0x18180] =	vst v63  }
0x39: {  	_ =	swait.ge [sflag:s13], $0x80  }
0x3a: {  	[sflag:s13] =	ssyncset.done $0x0  }
0x3b: {  	[sflag:s13] =	ssyncadd.s32 $0xFFFFFF80  }
0x3c: {  	_ =	swait.ge [sflag:s14], $0xC000  }
0x3d: {  	[sflag:s14] =	ssyncset.done $0x0  }
0x3e: {  	[sflag:s14] =	ssyncadd.s32 $0xFFFF4000  }
0x3f: {  	v3 =	vld [tilespmem:$0x0];
	_ =	sdelay $0x4  }
0x40: {  	v4 =	vshrl.u32 v3, $0x3  }
0x41: {  	v4 =	vmul.u32 $0x30, v4  }
0x42: {  	v3 =	vand.u32 $0x7, v3  }
0x43: {  	v3 =	vor.u32 v3, v4  }
0x44: {  	v4 =	vperm.xlane v3, v0;
	_ =	sdelay $0x1  }
0x45: {  	v4 =	vadd.s32 v1, v4;
	_ =	sdelay $0x3  }
0x46: {  	v3 =	vperm.xlane v3, v2  }
0x47: {  	[hbm4b:s4+s2] =	stream.indirect_vreg.scatter [tilespmem:s11], [sflag:$0x4], $0x80, v4, vm0, $0xb8;
	[tilespmem:$0x18180] =	vst v63  }
0x48: {  	s0 =	rddreg [dreg:$0x9];
	v3 =	vadd.s32 v1, v3  }
0x49: {  	[hbm4b:s6+s2] =	stream.indirect_vreg.scatter [tilespmem:s0], [sflag:$0x4], $0x80, v4, vm0, $0xb8;
	[tilespmem:$0x18180] =	vst v63  }
0x4a: {  	s17 =	rddreg [dreg:$0xa]  }
0x4b: {  	[hbm4b:s7+s2] =	stream.indirect_vreg.scatter [tilespmem:s17], [sflag:$0x4], $0x80, v4, vm0, $0xb8;
	[tilespmem:$0x18180] =	vst v63  }
0x4c: {  	s0 =	rddreg [dreg:$0xb]  }
0x4d: {  	[hbm4b:s4+s2] =	stream.indirect_vreg.scatter [tilespmem:s0], [sflag:$0x4], $0x80, v3, vm0, $0xb8;
	[tilespmem:$0x18180] =	vst v63  }
0x4e: {  	s17 =	rddreg [dreg:$0xc]  }
0x4f: {  	[hbm4b:s6+s2] =	stream.indirect_vreg.scatter [tilespmem:s17], [sflag:$0x4], $0x80, v3, vm0, $0xb8;
	[tilespmem:$0x18180] =	vst v63  }
0x50: {  	s0 =	rddreg [dreg:$0xd]  }
0x51: {  	[hbm4b:s7+s2] =	stream.indirect_vreg.scatter [tilespmem:s0], [sflag:$0x4], $0x80, v3, vm0, $0xb8;
	[tilespmem:$0x18180] =	vst v63  }
0x52: {  	v3 =	vld [tilespmem:$0x10];
	_ =	sdelay $0x4  }
0x53: {  	v57 =	vshrl.u32 v3, $0x3  }
0x54: {  	v4 =	vmul.u32 $0x30, v57  }
0x55: {  	v3 =	vand.u32 $0x7, v3  }
0x56: {  	v3 =	vor.u32 v3, v4  }
0x57: {  	v4 =	vperm.xlane v3, v0;
	_ =	sdelay $0x1  }
0x58: {  	v4 =	vadd.s32 v1, v4;
	_ =	sdelay $0x3  }
0x59: {  	s0 =	rddreg [dreg:$0xe];
	v3 =	vperm.xlane v3, v2  }
0x5a: {  	[hbm4b:s4+s2] =	stream.indirect_vreg.scatter [tilespmem:s0], [sflag:$0x4], $0x80, v4, vm0, $0xb8;
	[tilespmem:$0x18180] =	vst v63  }
0x5b: {  	s17 =	rddreg [dreg:$0xf];
	v3 =	vadd.s32 v1, v3  }
0x5c: {  	[hbm4b:s6+s2] =	stream.indirect_vreg.scatter [tilespmem:s17], [sflag:$0x4], $0x80, v4, vm0, $0xb8;
	[tilespmem:$0x18180] =	vst v63  }
0x5d: {  	s0 =	rddreg [dreg:$0x10]  }
0x5e: {  	[hbm4b:s7+s2] =	stream.indirect_vreg.scatter [tilespmem:s0], [sflag:$0x4], $0x80, v4, vm0, $0xb8;
	[tilespmem:$0x18180] =	vst v63  }
0x5f: {  	s17 =	rddreg [dreg:$0x11]  }
0x60: {  	[hbm4b:s4+s2] =	stream.indirect_vreg.scatter [tilespmem:s17], [sflag:$0x4], $0x80, v3, vm0, $0xb8;
	[tilespmem:$0x18180] =	vst v63  }
0x61: {  	s0 =	rddreg [dreg:$0x12]  }
0x62: {  	[hbm4b:s6+s2] =	stream.indirect_vreg.scatter [tilespmem:s0], [sflag:$0x4], $0x80, v3, vm0, $0xb8;
	[tilespmem:$0x18180] =	vst v63  }
0x63: {  	s17 =	rddreg [dreg:$0x13]  }
0x64: {  	[hbm4b:s7+s2] =	stream.indirect_vreg.scatter [tilespmem:s17], [sflag:$0x4], $0x80, v3, vm0, $0xb8;
	[tilespmem:$0x18180] =	vst v63  }
0x65: {  	v3 =	vld [tilespmem:$0x20];
	_ =	sdelay $0x4  }
0x66: {  	v58 =	vshrl.u32 v3, $0x3  }
0x67: {  	v4 =	vmul.u32 $0x30, v58  }
0x68: {  	v3 =	vand.u32 $0x7, v3  }
0x69: {  	v3 =	vor.u32 v3, v4  }
0x6a: {  	v4 =	vperm.xlane v3, v0;
	_ =	sdelay $0x1  }
0x6b: {  	v4 =	vadd.s32 v1, v4;
	_ =	sdelay $0x3  }
0x6c: {  	s0 =	rddreg [dreg:$0x14];
	v3 =	vperm.xlane v3, v2  }
0x6d: {  	[hbm4b:s4+s2] =	stream.indirect_vreg.scatter [tilespmem:s0], [sflag:$0x4], $0x80, v4, vm0, $0xb8;
	[tilespmem:$0x18180] =	vst v63  }
0x6e: {  	s17 =	rddreg [dreg:$0x15];
	v3 =	vadd.s32 v1, v3  }
0x6f: {  	[hbm4b:s6+s2] =	stream.indirect_vreg.scatter [tilespmem:s17], [sflag:$0x4], $0x80, v4, vm0, $0xb8;
	[tilespmem:$0x18180] =	vst v63  }
0x70: {  	s0 =	rddreg [dreg:$0x16]  }
0x71: {  	[hbm4b:s7+s2] =	stream.indirect_vreg.scatter [tilespmem:s0], [sflag:$0x4], $0x80, v4, vm0, $0xb8;
	[tilespmem:$0x18180] =	vst v63  }
0x72: {  	s17 =	rddreg [dreg:$0x17]  }
0x73: {  	[hbm4b:s4+s2] =	stream.indirect_vreg.scatter [tilespmem:s17], [sflag:$0x4], $0x80, v3, vm0, $0xb8;
	[tilespmem:$0x18180] =	vst v63  }
0x74: {  	s0 =	rddreg [dreg:$0x18]  }
0x75: {  	[hbm4b:s6+s2] =	stream.indirect_vreg.scatter [tilespmem:s0], [sflag:$0x4], $0x80, v3, vm0, $0xb8;
	[tilespmem:$0x18180] =	vst v63  }
0x76: {  	s17 =	rddreg [dreg:$0x19]  }
0x77: {  	[hbm4b:s7+s2] =	stream.indirect_vreg.scatter [tilespmem:s17], [sflag:$0x4], $0x80, v3, vm0, $0xb8;
	[tilespmem:$0x18180] =	vst v63  }
0x78: {  	v3 =	vld [tilespmem:$0x30];
	_ =	sdelay $0x4  }
0x79: {  	v59 =	vshrl.u32 v3, $0x3  }
0x7a: {  	v4 =	vmul.u32 $0x30, v59  }
0x7b: {  	v3 =	vand.u32 $0x7, v3  }
0x7c: {  	v3 =	vor.u32 v3, v4  }
0x7d: {  	v4 =	vperm.xlane v3, v0;
	_ =	sdelay $0x1  }
0x7e: {  	v4 =	vadd.s32 v1, v4;
	_ =	sdelay $0x3  }
0x7f: {  	s0 =	rddreg [dreg:$0x1a];
	v3 =	vperm.xlane v3, v2  }
0x80: {  	[hbm4b:s4+s2] =	stream.indirect_vreg.scatter [tilespmem:s0], [sflag:$0x4], $0x80, v4, vm0, $0xb8;
	[tilespmem:$0x18180] =	vst v63  }
0x81: {  	s17 =	rddreg [dreg:$0x1b];
	v3 =	vadd.s32 v1, v3  }
0x82: {  	[hbm4b:s6+s2] =	stream.indirect_vreg.scatter [tilespmem:s17], [sflag:$0x4], $0x80, v4, vm0, $0xb8;
	[tilespmem:$0x18180] =	vst v63  }
0x83: {  	s0 =	rddreg [dreg:$0x1c]  }
0x84: {  	[hbm4b:s7+s2] =	stream.indirect_vreg.scatter [tilespmem:s0], [sflag:$0x4], $0x80, v4, vm0, $0xb8;
	[tilespmem:$0x18180] =	vst v63  }
0x85: {  	s17 =	rddreg [dreg:$0x1d]  }
0x86: {  	[hbm4b:s4+s2] =	stream.indirect_vreg.scatter [tilespmem:s17], [sflag:$0x4], $0x80, v3, vm0, $0xb8;
	[tilespmem:$0x18180] =	vst v63  }
0x87: {  	s0 =	rddreg [dreg:$0x1e]  }
0x88: {  	[hbm4b:s6+s2] =	stream.indirect_vreg.scatter [tilespmem:s0], [sflag:$0x4], $0x80, v3, vm0, $0xb8;
	[tilespmem:$0x18180] =	vst v63  }
0x89: {  	s17 =	rddreg [dreg:$0x1f]  }
0x8a: {  	[hbm4b:s7+s2] =	stream.indirect_vreg.scatter [tilespmem:s17], [sflag:$0x4], $0x80, v3, vm0, $0xb8;
	[tilespmem:$0x18180] =	vst v63  }
0x8b: {  	_ =	swait.ge [sflag:s15], $0x80  }
0x8c: {  	[sflag:s15] =	ssyncset.done $0x0  }
0x8d: {  	[sflag:s15] =	ssyncadd.s32 $0xFFFFFF80  }
0x8e: {  	_ =	swait.ge [sflag:s16], $0xC000  }
0x8f: {  	[sflag:s16] =	ssyncset.done $0x0  }
0x90: {  	[sflag:s16] =	ssyncadd.s32 $0xFFFF4000  }
0x91: {  	v3 =	vld [tilespmem:$0x80];
	_ =	sdelay $0x4  }
0x92: {  	v60 =	vshrl.u32 v3, $0x3  }
0x93: {  	v4 =	vmul.u32 $0x30, v60  }
0x94: {  	v3 =	vand.u32 $0x7, v3  }
0x95: {  	v3 =	vor.u32 v3, v4  }
0x96: {  	v4 =	vperm.xlane v3, v0;
	_ =	sdelay $0x1  }
0x97: {  	v4 =	vadd.s32 v1, v4;
	_ =	sdelay $0x3  }
0x98: {  	s0 =	sld [smem:$0x7F3];
	v3 =	vperm.xlane v3, v2  }
0x99: {  	[hbm4b:s4+s2] =	stream.indirect_vreg.scatter [tilespmem:s12], [sflag:$0x5], $0x80, v4, vm0, $0xb8;
	[tilespmem:$0x18180] =	vst v63  }
0x9a: {  	s17 =	sld [smem:$0x7F4];
	v3 =	vadd.s32 v1, v3  }
0x9b: {  	[hbm4b:s6+s2] =	stream.indirect_vreg.scatter [tilespmem:s0], [sflag:$0x5], $0x80, v4, vm0, $0xb8;
	[tilespmem:$0x18180] =	vst v63  }
0x9c: {  	s0 =	sld [smem:$0x7F5]  }
0x9d: {  	[hbm4b:s7+s2] =	stream.indirect_vreg.scatter [tilespmem:s17], [sflag:$0x5], $0x80, v4, vm0, $0xb8;
	[tilespmem:$0x18180] =	vst v63  }
0x9e: {  	s17 =	sld [smem:$0x7F6]  }
0x9f: {  	[hbm4b:s4+s2] =	stream.indirect_vreg.scatter [tilespmem:s0], [sflag:$0x5], $0x80, v3, vm0, $0xb8;
	[tilespmem:$0x18180] =	vst v63  }
0xa0: {  	s0 =	sld [smem:$0x7F7]  }
0xa1: {  	[hbm4b:s6+s2] =	stream.indirect_vreg.scatter [tilespmem:s17], [sflag:$0x5], $0x80, v3, vm0, $0xb8;
	[tilespmem:$0x18180] =	vst v63  }
0xa2: {  	_ = 	snop  }
0xa3: {  	[hbm4b:s7+s2] =	stream.indirect_vreg.scatter [tilespmem:s0], [sflag:$0x5], $0x80, v3, vm0, $0xb8;
	[tilespmem:$0x18180] =	vst v63  }
0xa4: {  	v3 =	vld [tilespmem:$0x90];
	_ =	sdelay $0x4  }
0xa5: {  	v61 =	vshrl.u32 v3, $0x3  }
0xa6: {  	v4 =	vmul.u32 $0x30, v61  }
0xa7: {  	v3 =	vand.u32 $0x7, v3  }
0xa8: {  	v3 =	vor.u32 v3, v4  }
0xa9: {  	v4 =	vperm.xlane v3, v0;
	_ =	sdelay $0x1  }
0xaa: {  	v4 =	vadd.s32 v1, v4;
	_ =	sdelay $0x1  }
0xab: {  	s0 =	sld [smem:$0x7F8];
	_ =	sdelay $0x1  }
0xac: {  	s17 =	sld [smem:$0x7F9];
	v3 =	vperm.xlane v3, v2  }
0xad: {  	[hbm4b:s4+s2] =	stream.indirect_vreg.scatter [tilespmem:s0], [sflag:$0x5], $0x80, v4, vm0, $0xb8;
	[tilespmem:$0x18180] =	vst v63  }
0xae: {  	v3 =	vadd.s32 v1, v3;
	s0 =	sld [smem:$0x7FA]  }
0xaf: {  	[hbm4b:s6+s2] =	stream.indirect_vreg.scatter [tilespmem:s17], [sflag:$0x5], $0x80, v4, vm0, $0xb8;
	[tilespmem:$0x18180] =	vst v63  }
0xb0: {  	s17 =	sld [smem:$0x7FB]  }
0xb1: {  	[hbm4b:s7+s2] =	stream.indirect_vreg.scatter [tilespmem:s0], [sflag:$0x5], $0x80, v4, vm0, $0xb8;
	[tilespmem:$0x18180] =	vst v63  }
0xb2: {  	s0 =	sld [smem:$0x7FC]  }
0xb3: {  	[hbm4b:s4+s2] =	stream.indirect_vreg.scatter [tilespmem:s17], [sflag:$0x5], $0x80, v3, vm0, $0xb8;
	[tilespmem:$0x18180] =	vst v63  }
0xb4: {  	s17 =	sld [smem:$0x7FD]  }
0xb5: {  	[hbm4b:s6+s2] =	stream.indirect_vreg.scatter [tilespmem:s0], [sflag:$0x5], $0x80, v3, vm0, $0xb8;
	[tilespmem:$0x18180] =	vst v63  }
0xb6: {  	_ = 	snop  }
0xb7: {  	[hbm4b:s7+s2] =	stream.indirect_vreg.scatter [tilespmem:s17], [sflag:$0x5], $0x80, v3, vm0, $0xb8;
	[tilespmem:$0x18180] =	vst v63  }
0xb8: {  	v3 =	vld [tilespmem:$0xA0];
	_ =	sdelay $0x4  }
0xb9: {  	v62 =	vshrl.u32 v3, $0x3  }
0xba: {  	v4 =	vmul.u32 $0x30, v62  }
0xbb: {  	v3 =	vand.u32 $0x7, v3  }
0xbc: {  	v3 =	vor.u32 v3, v4  }
0xbd: {  	v4 =	vperm.xlane v3, v0;
	_ =	sdelay $0x1  }
0xbe: {  	v4 =	vadd.s32 v1, v4;
	_ =	sdelay $0x3  }
0xbf: {  	s17 =	simm.s32 $0x12180;
	v3 =	vperm.xlane v3, v2  }
0xc0: {  	[hbm4b:s4+s2] =	stream.indirect_vreg.scatter [tilespmem:s17], [sflag:$0x5], $0x80, v4, vm0, $0xb8;
	[tilespmem:$0x18180] =	vst v63  }
0xc1: {  	v3 =	vadd.s32 v1, v3  }
0xc2: {  	[hbm4b:s6+s2] =	stream.indirect_vreg.scatter [tilespmem:s18], [sflag:$0x5], $0x80, v4, vm0, $0xb8;
	[tilespmem:$0x18180] =	vst v63  }
0xc3: {  	_ = 	snop  }
0xc4: {  	[hbm4b:s7+s2] =	stream.indirect_vreg.scatter [tilespmem:s19], [sflag:$0x5], $0x80, v4, vm0, $0xb8;
	[tilespmem:$0x18180] =	vst v63  }
0xc5: {  	_ = 	snop  }
0xc6: {  	[hbm4b:s4+s2] =	stream.indirect_vreg.scatter [tilespmem:s20], [sflag:$0x5], $0x80, v3, vm0, $0xb8;
	[tilespmem:$0x18180] =	vst v63  }
0xc7: {  	_ = 	snop  }
0xc8: {  	[hbm4b:s6+s2] =	stream.indirect_vreg.scatter [tilespmem:s21], [sflag:$0x5], $0x80, v3, vm0, $0xb8;
	[tilespmem:$0x18180] =	vst v63  }
0xc9: {  	_ = 	snop  }
0xca: {  	[hbm4b:s7+s2] =	stream.indirect_vreg.scatter [tilespmem:s22], [sflag:$0x5], $0x80, v3, vm0, $0xb8;
	[tilespmem:$0x18180] =	vst v63  }
0xcb: {  	v3 =	vld [tilespmem:$0xB0];
	_ =	sdelay $0x4  }
0xcc: {  	v63 =	vshrl.u32 v3, $0x3  }
0xcd: {  	v4 =	vmul.u32 $0x30, v63  }
0xce: {  	v3 =	vand.u32 $0x7, v3  }
0xcf: {  	v3 =	vor.u32 v3, v4  }
0xd0: {  	v4 =	vperm.xlane v3, v0;
	_ =	sdelay $0x1  }
0xd1: {  	v4 =	vadd.s32 v1, v4;
	_ =	sdelay $0x3  }
0xd2: {  	v3 =	vperm.xlane v3, v2  }
0xd3: {  	[hbm4b:s4+s2] =	stream.indirect_vreg.scatter [tilespmem:s23], [sflag:$0x5], $0x80, v4, vm0, $0xb8;
	[tilespmem:$0x18180] =	vst v63  }
0xd4: {  	v3 =	vadd.s32 v1, v3  }
0xd5: {  	[hbm4b:s6+s2] =	stream.indirect_vreg.scatter [tilespmem:s24], [sflag:$0x5], $0x80, v4, vm0, $0xb8;
	[tilespmem:$0x18180] =	vst v63  }
0xd6: {  	_ = 	snop  }
0xd7: {  	[hbm4b:s7+s2] =	stream.indirect_vreg.scatter [tilespmem:s25], [sflag:$0x5], $0x80, v4, vm0, $0xb8;
	[tilespmem:$0x18180] =	vst v63  }
0xd8: {  	_ = 	snop  }
0xd9: {  	[hbm4b:s4+s2] =	stream.indirect_vreg.scatter [tilespmem:s26], [sflag:$0x5], $0x80, v3, vm0, $0xb8;
	[tilespmem:$0x18180] =	vst v63  }
0xda: {  	_ = 	snop  }
0xdb: {  	[hbm4b:s6+s2] =	stream.indirect_vreg.scatter [tilespmem:s28], [sflag:$0x5], $0x80, v3, vm0, $0xb8;
	[tilespmem:$0x18180] =	vst v63  }
0xdc: {  	_ = 	snop  }
0xdd: {  	[hbm4b:s7+s2] =	stream.indirect_vreg.scatter [tilespmem:s29], [sflag:$0x5], $0x80, v3, vm0, $0xb8;
	[tilespmem:$0x18180] =	vst v63  }
0xde: {  	_ =	swait.ge [sflag:s30], $0x80  }
0xdf: {  	[sflag:s30] =	ssyncset.done $0x0  }
0xe0: {  	[sflag:s30] =	ssyncadd.s32 $0xFFFFFF80  }
0xe1: {  	[hbm4b:s5+s31] =	stream.indirect.scatter [tilespmem:s10], [sflag:$0x1], $0x1, s2, s31, $0xb8;
	[tilespmem:$0x18180] =	vst v63  }
0xe2: {  	_ = 	snop  }
0xe3: {  	[hbm4b:s5+s31] =	stream.indirect.scatter [tilespmem:s1], [sflag:$0x2], $0x1, s9, s31, $0xb8;
	[tilespmem:$0x18180] =	vst v63  }
0xe4: {  	_ =	swait.ge [sflag:s14], $0xC000  }
0xe5: {  	[sflag:s14] =	ssyncset.done $0x0  }
0xe6: {  	[sflag:s14] =	ssyncadd.s32 $0xFFFF4000  }
0xe7: {  	_ =	swait.ge [sflag:s16], $0xC000  }
0xe8: {  	[sflag:s16] =	ssyncset.done $0x0  }
0xe9: {  	[sflag:s16] =	ssyncadd.s32 $0xFFFF4000  }
0xea: {  	p0 =	sne.s32 s8, $0x1;
	_ =	swait.ge [sflag:s13], $0x40  }
.Ltmp0:
0xeb: {  	[sflag:s13] =	ssyncset.done $0x0;
	(pc) =	sbr.rel @p0 .LBB2_1-.Ltmp0, $4  }
0xec: {  	[sflag:s13] =	ssyncadd.s32 $0xFFFFFFC0  }
0xed: {  	_ =	swait.ge [sflag:s15], $0x40  }
0xee: {  	[sflag:s15] =	ssyncset.done $0x0  }
0xef: {  	s8 =	sadd.s32 $0xFFFFFFFF, s8;
	[sflag:s15] =	ssyncadd.s32 $0xFFFFFFC0  }
0xf0: {  	_ =	sfence.sel $0x180000  }
0xf1: {  	[bflag:$0x0] =	sbarrier.arrive $0xFFFF  }
0xf2: {  	_ =	strace $0x90000047  }
0xf3: {  	s0 =	stileid.u32;
	[bflag:$0x2] =	sbarrier.arrive $0xFFFF  }
0xf4: {  	p0 =	sne.s32 s0, $0x0;
	s0 =	rddreg [dreg:$0x4]  }
0xf5: {  	s0 =	sadd.s32 @!p0 $0x100000, s0  }
0xf6: {  	[sflag:s0] =	ssyncadd.tile.s32 @!p0 $0x1;
	_ =	shalt  }
.Lfunc_end2:
_tile_overlayer_lowered:
.L_overlay_start_2:
0xf7: {  	(tag) =	ssettag $0x2  }
0xf8: {  	s0 =	rddreg [dreg:$0x0];
	s2 =	stileid.u32  }
0xf9: {  	s1 =	rddreg [dreg:$0x1];
	p0 =	sne.s32 s2, $0x0  }
0xfa: {  	s3 =	rddreg [dreg:$0x2];
	[bflag:$0x3] =	sbarrier.arrive $0xFFFF;
	s2 =	simm.s32 @!p0 $0x1C06  }
0xfb: {  	[timem:s3], [sflag:s2] =	dma.local @!p0 [hbm:s0], s1  }
0xfc: {  	s0 =	simm.s32 @!p0 $0x6  }
0xfd: {  	_ =	swait.ge @!p0 [sflag:s0], s1  }
0xfe: {  	s1 =	ssub.s32 @!p0 $0x0, s1;
	[sflag:s0] =	ssyncset.done @!p0 $0x0  }
0xff: {  	[sflag:s0] =	ssyncadd.s32 @!p0 s1  }
0x100: {  	[bflag:$0x3] =	sbarrier.arrive $0xFFFF  }
0x101: {  	_ =	shalt  }

// kernel: kernel.9.cloned.1.call-start
scs
__scs_entry_jumppad:
0x0: {  	(pc) =	sbr.rel $0x88, $3  }
0x1: {  	(tag) =	ssettag $0x0;
	lr =	simm.s32 $0x1  }
0x2: {  	[smem:$0x3F9A] =	sst lr;
	_ =	strace $0xD0000000  }
0x3: {  	_ = 	snop  }
0x4: {  	_ = 	snop  }
0x5: {  	_ = 	snop  }
0x6: {  	_ = 	snop  }
0x7: {  	_ = 	snop  }
__scs_overlays_trampoline_lowered:
0x8: {  	[smem:$0x3FA9] =	sst s0  }
0x9: {  	[smem:$0x3FAA] =	sst s1  }
0xa: {  	[smem:$0x3FAB] =	sst s2  }
0xb: {  	[smem:$0x3FAC] =	sst s3  }
0xc: {  	[smem:$0x3FAD] =	sst s4  }
0xd: {  	[smem:$0x3FAE] =	sst s5  }
0xe: {  	[smem:$0x3FAF] =	sst s6  }
0xf: {  	[smem:$0x3FB0] =	sst s7  }
0x10: {  	[smem:$0x3FB1] =	sst s8  }
0x11: {  	[smem:$0x3FB2] =	sst s9;
	s0 =	simm.s32 @!p0 $0x0  }
0x12: {  	s1 =	sld [smem:$0x3F98];
	s0 =	simm.s32 @p0 $0x1  }
0x13: {  	[smem:$0x3FB3] =	sst s0;
	s0 =	simm.s32 @!p1 $0x0  }
0x14: {  	s2 =	sld [smem:$0x3F97];
	s0 =	simm.s32 @p1 $0x1  }
0x15: {  	[smem:$0x3FB4] =	sst s0;
	s0 =	simm.s32 @!p2 $0x0  }
0x16: {  	s3 =	sld [smem:$0x3FDB];
	s0 =	simm.s32 @p2 $0x1  }
0x17: {  	s4 =	simm.s32 $0x1BF5;
	[smem:$0x3FB6] =	sst s0  }
0x18: {  	s0 =	sld [smem:$0x3F99];
	_ =	swait.ge [sflag:s4], $0x0  }
0x19: {  	s7 =	sld [smem:$0x3F9A]  }
0x1a: {  	s8 =	sadd.s32 $0xFFFFE003, lr  }
0x1b: {  	s9 =	sadd.s32 $0xFFFFFEF7, lr;
	s5 =	simm.s32 $0xFFFFFFFF;
	p2 =	slt.u32 s8, $0xFFFFF086  }
0x1c: {  	p1 =	slt.u32 s9, $0xF7A;
	s5 =	simm.s32 @!p2 $0x0  }
0x1d: {  	s5 =	simm.s32 @p1 $0x1;
	p0 =	seq.s32 s7, s2  }
0x1e: {  	s7 =	smul.u32 @!p0 $0xF7A, s2;
	p2 =	seq.s32 @!p0 s5, $0x0  }
0x1f: {  	s9 =	smul.u32 $0xF7A, s1;
	s8 =	simm.s32 @!p0 $0x1BF5;
	p2 =	por !p2, p0  }
0x20: {  	[sflag:s8] =	ssyncset.s32 @!p0 $0xFFFFF086;
	s6 =	sadd.s32 @!p0 s3, s7;
	s7 =	simm.s32 @!p0 $0x108  }
0x21: {  	s3 =	sadd.s32 s3, s9;
	s6 =	sadd.s32 @!p0 $0x88, s6;
	s7 =	simm.s32 @p2 $0x1082  }
0x22: {  	[simem:s7], [sflag:s8] =	dma.local @!p0 [hbm:s6], $0xF7A  }
0x23: {  	s9 =	sor.u32 $0xD0000000, s2;
	s6 =	simm.s32 $0x108;
	_ =	swait.ge @!p0 [sflag:s8], $0x0  }
0x24: {  	s3 =	sadd.s32 $0x88, s3;
	s6 =	simm.s32 @!p1 $0x1082;
	[sflag:s4] =	ssyncset.s32 $0xFFFFF086  }
0x25: {  	[simem:s6], [sflag:s4] =	dma.local [hbm:s3], $0xF7A  }
0x26: {  	[smem:$0x3F9A] =	sst s1;
	(tag) =	ssettag s2;
	_ =	strace s9  }
0x27: {  	s1 =	sld [smem:$0x3FAA]  }
0x28: {  	s2 =	sld [smem:$0x3FAB]  }
0x29: {  	s4 =	sld [smem:$0x3FAD]  }
0x2a: {  	p0 =	seq.s32 s5, $0x0;
	s5 =	sld [smem:$0x3FAE]  }
0x2b: {  	s6 =	sld [smem:$0x3FAF]  }
0x2c: {  	s7 =	sld [smem:$0x3FB0]  }
0x2d: {  	s3 =	simm.s32 $0x108;
	s8 =	sld [smem:$0x3FB1]  }
0x2e: {  	s3 =	simm.s32 @!p0 $0x1082;
	s9 =	sld [smem:$0x3FB2]  }
0x2f: {  	lr =	sadd.s32 s0, s3;
	s0 =	sld [smem:$0x3FA9]  }
0x30: {  	s3 =	sld [smem:$0x3FAC]  }
0x31: {  	[smem:$0x3FB5] =	sst s10  }
0x32: {  	s10 =	sld [smem:$0x3FB3];
	_ =	sdelay $0x3  }
0x33: {  	p0 =	seq.s32 s10, $0x1;
	s10 =	sld [smem:$0x3FB5];
	_ =	sdelay $0x3  }
0x34: {  	[smem:$0x3FB5] =	sst s10  }
0x35: {  	s10 =	sld [smem:$0x3FB4];
	_ =	sdelay $0x3  }
0x36: {  	p1 =	seq.s32 s10, $0x1;
	s10 =	sld [smem:$0x3FB5];
	_ =	sdelay $0x3  }
0x37: {  	[smem:$0x3FB5] =	sst s10  }
0x38: {  	s10 =	sld [smem:$0x3FB6]  }
0x39: {  	_ = 	snop;
	(pc) =	sbr.ind lr, $3  }
0x3a: {  	_ = 	snop  }
0x3b: {  	_ = 	snop  }
0x3c: {  	p2 =	seq.s32 s10, $0x1;
	s10 =	sld [smem:$0x3FB5]  }
0x3d: {  	_ =	shalt  }
0x3e: {  	_ =	shalt  }
0x3f: {  	_ =	shalt  }
0x40: {  	_ =	shalt  }
0x41: {  	_ =	shalt  }
0x42: {  	_ =	shalt  }
0x43: {  	_ =	shalt  }
0x44: {  	_ =	shalt  }
0x45: {  	_ =	shalt  }
0x46: {  	_ =	shalt  }
0x47: {  	_ =	shalt  }
0x48: {  	_ =	shalt  }
0x49: {  	_ =	shalt  }
0x4a: {  	_ =	shalt  }
0x4b: {  	_ =	shalt  }
0x4c: {  	_ =	shalt  }
0x4d: {  	_ =	shalt  }
0x4e: {  	_ =	shalt  }
0x4f: {  	_ =	shalt  }
0x50: {  	_ =	shalt  }
0x51: {  	_ =	shalt  }
0x52: {  	_ =	shalt  }
0x53: {  	_ =	shalt  }
0x54: {  	_ =	shalt  }
0x55: {  	_ =	shalt  }
0x56: {  	_ =	shalt  }
0x57: {  	_ =	shalt  }
0x58: {  	_ =	shalt  }
0x59: {  	_ =	shalt  }
0x5a: {  	_ =	shalt  }
0x5b: {  	_ =	shalt  }
0x5c: {  	_ =	shalt  }
0x5d: {  	_ =	shalt  }
0x5e: {  	_ =	shalt  }
0x5f: {  	_ =	shalt  }
0x60: {  	_ =	shalt  }
0x61: {  	_ =	shalt  }
0x62: {  	_ =	shalt  }
0x63: {  	_ =	shalt  }
0x64: {  	_ =	shalt  }
0x65: {  	_ =	shalt  }
0x66: {  	_ =	shalt  }
0x67: {  	_ =	shalt  }
0x68: {  	_ =	shalt  }
0x69: {  	_ =	shalt  }
0x6a: {  	_ =	shalt  }
0x6b: {  	_ =	shalt  }
0x6c: {  	_ =	shalt  }
0x6d: {  	_ =	shalt  }
0x6e: {  	_ =	shalt  }
0x6f: {  	_ =	shalt  }
0x70: {  	_ =	shalt  }
0x71: {  	_ =	shalt  }
0x72: {  	_ =	shalt  }
0x73: {  	_ =	shalt  }
0x74: {  	_ =	shalt  }
0x75: {  	_ =	shalt  }
0x76: {  	_ =	shalt  }
0x77: {  	_ =	shalt  }
0x78: {  	_ =	shalt  }
0x79: {  	_ =	shalt  }
0x7a: {  	_ =	shalt  }
0x7b: {  	_ =	shalt  }
0x7c: {  	_ =	shalt  }
0x7d: {  	_ =	shalt  }
0x7e: {  	_ =	shalt  }
0x7f: {  	_ =	shalt  }
0x80: {  	_ =	shalt  }
0x81: {  	_ =	shalt  }
0x82: {  	_ =	shalt  }
0x83: {  	_ =	shalt  }
0x84: {  	_ =	shalt  }
0x85: {  	_ =	shalt  }
0x86: {  	_ =	shalt  }
0x87: {  	_ =	shalt  }
.Lfunc_end0:
.L_simem_size_0:
called_computation.1_lowered:
.L_overlay_start_0:
0x88: {  	s2 =	sld [smem:$0x3FD9]  }
0x89: {  	s3 =	sld [smem:$0x3FFE];
	_ =	sdelay $0x1  }
0x8a: {  	s1 =	srdreg.scid  }
0x8b: {  	s0 =	sand.u32 $0x1, s1  }
0x8c: {  	s14 =	sshll.u32 s0, $0xA;
	s2 =	sadd.s32 s3, s2  }
0x8d: {  	s2 =	sadd.s32 s2, s14  }
0x8e: {  	[smem:$0x3FC1] =	sst s2  }
0x8f: {  	_ = 	snop  }
0x90: {  	s2 =	sld [smem:$0x3FD0];
	_ =	sdelay $0x2  }
0x91: {  	s15 =	simm.s32 $0xA;
	s4 =	simm.s32 $0x10  }
0x92: {  	[smem:s4], [sflag:s15] =	dma.local [hbm:s2], $0x1  }
0x93: {  	_ =	swait.eq [sflag:s15], $0x1  }
0x94: {  	[sflag:s15] =	ssyncset.done $0x0  }
0x95: {  	[sflag:s15] =	ssyncadd.s32 $0xFFFFFFFF  }
0x96: {  	s16 =	sld [smem:$0x10];
	(tm) =	ssettm $0x1  }
0x97: {  	s17 =	sld [smem:$0x3FFB];
	_ =	sdelay $0x3  }
0x98: {  	_ =	strace s17  }
0x99: {  	s3 =	sld [smem:$0x3FFC];
	_ =	sdelay $0x3  }
0x9a: {  	_ =	strace s3  }
0x9b: {  	s3 =	sld [smem:$0x3FFD];
	_ =	sdelay $0x3  }
0x9c: {  	_ =	strace s3  }
0x9d: {  	_ =	strace $0x8FFFFFFF  }
0x9e: {  	s18 =	sld [smem:$0x3FDB];
	_ =	sdelay $0x1  }
0x9f: {  	s19 =	simm.s32 $_scs_section_size  }
0xa0: {  	s5 =	simm.s32 $_size__tile_overlayer_lowered;
	s6 =	simm.s32 $_tile_overlayer_lowered  }
0xa1: {  	s22 =	simm.s32 $0x1BFF;
	s21 =	sshll.u32 s6, $0x1;
	s3 =	sadd.s32 s19, s18  }
0xa2: {  	s7 =	simm.s32 $0x0;
	s20 =	sshll.u32 s5, $0x1;
	s5 =	sadd.s32 s21, s3  }
0xa3: {  	[timem:s7], [sflag:s22] =	dma.local [hbm:s5], s20  }
0xa4: {  	_ =	swait.ge [sflag:s22], s20  }
0xa5: {  	s4 =	ssub.s32 $0x0, s20;
	[sflag:s22] =	ssyncset.done $0x0  }
0xa6: {  	[sflag:s22] =	ssyncadd.s32 s4;
	_ =	sdelay $0x1  }
0xa7: {  	s23 =	simm.s32 $0x1B8B  }
0xa8: {  	_ =	swait.ge [sflag:s23], $0x1  }
0xa9: {  	[sflag:s23] =	ssyncset.done $0x0  }
0xaa: {  	s25 =	simm.s32 $0x1B8E;
	s24 =	sld [smem:$0x3FFE];
	[sflag:s23] =	ssyncadd.s32 $0xFFFFFFFF  }
0xab: {  	s26 =	simm.s32 $execute0_lowered;
	[smem:$0x3FD2] =	sst s25  }
0xac: {  	s5 =	sshll.u32 s26, $0x1;
	_ =	strace $0x80000049;
	[dreg:$0x1] =	wrdreg $0xFFFFFFFF  }
0xad: {  	s28 =	simm.s32 $_size_execute0_lowered;
	s3 =	sadd.s32 s3, s5;
	[dreg:$0x0] =	wrdreg $0x0  }
0xae: {  	s5 =	sshll.u32 s28, $0x1;
	[dreg:$0x2] =	wrdreg s3  }
0xaf: {  	[dreg:$0x3] =	wrdreg s5  }
0xb0: {  	[dreg:$0x4] =	wrdreg $0xC0  }
0xb1: {  	_ =	task [dreg:s7], $0x5FFFF  }
0xb2: {  	[dreg:$0x1] =	wrdreg $0xFFFFFFFF  }
0xb3: {  	[dreg:$0x0] =	wrdreg $0x60  }
0xb4: {  	[dreg:$0x2] =	wrdreg s24  }
0xb5: {  	[dreg:$0x3] =	wrdreg s16  }
0xb6: {  	[dreg:$0x4] =	wrdreg $0x9  }
0xb7: {  	_ =	task.clear_ibuf [dreg:s7], $0x5FFFF;
	_ =	strace $0x90000049  }
0xb8: {  	s29 =	simm.s32 $0x9;
	_ =	strace $0x8000004B  }
0xb9: {  	_ =	swait.ge [sflag:s29], $0x1  }
0xba: {  	[sflag:s29] =	ssyncadd.s32 $0xFFFFFFFF  }
0xbb: {  	_ =	strace $0x9000004B  }
0xbc: {  	_ =	sfence  }
0xbd: {  	s30 =	sld [smem:$0x0];
	_ =	sdelay $0x2  }
0xbe: {  	s31 =	sshll.u32 s1, $0xD;
	s1 =	sshrl.u32 s1, $0x2  }
0xbf: {  	s3 =	sand.u32 $0x4000, s31;
	s1 =	sadd.s32 s1, s30  }
0xc0: {  	s0 =	sor.u32 s3, s0;
	s1 =	sshll.u32 s1, $0x11  }
0xc1: {  	s0 =	sor.u32 s1, s0  }
0xc2: {  	s0 =	sadd.s32 $0x8F2B, s0  }
0xc3: {  	[sflag:s0] =	ssyncadd.remote.s32 $0x1  }
0xc4: {  	_ =	sfence.sel $0xFFFF  }
0xc5: {  	[dreg:$0x0] =	wrdreg $0xFFFFFFFF;
	(pc) =	sbr.abs _section_cstart, $3  }
0xc6: {  	[dreg:$0x1] =	wrdreg $0xFFFFFFFF  }
0xc7: {  	_ =	task.clear_ibuf [dreg:s7], $0x2FFFF;
	_ =	strace $0x9FFFFFFF  }
0xc8: {  	(tm) =	ssettm $0x7FFFFFFF  }
0xc9: {  	_ =	shalt  }
tec
execute0_lowered:
.L_overlay_start_1:
0x0: {  	(tag) =	ssettag $0x1  }
0x1: {  	s0 =	rddreg [dreg:$0x0]  }
0x2: {  	s1 =	rddreg [dreg:$0x1]  }
0x3: {  	s2 =	simm.s32 $0x0;
	s3 =	srdreg.scid;
	s5 =	stileid.u32  }
0x4: {  	s11 =	simm.s32 $0x1;
	s12 =	simm.s32 $0x100;
	s15 =	simm.s32 $0x2  }
0x5: {  	s28 =	simm.s32 $0x11900;
	s29 =	simm.s32 $0x12100;
	s30 =	simm.s32 $0x12900  }
0x6: {  	s31 =	simm.s32 $0x13100;
	s10 =	simm.s32 $0x14900;
	s13 =	simm.s32 $0x15100  }
0x7: {  	s14 =	simm.s32 $0x15900;
	s16 =	simm.s32 $0x16100;
	s17 =	simm.s32 $0x16900  }
0x8: {  	s18 =	simm.s32 $0x17100;
	s19 =	simm.s32 $0x17900;
	s20 =	simm.s32 $0x3  }
0x9: {  	s21 =	simm.s32 $0x0;
	[smem:$0x7FF] =	sst s2;
	s4 =	sand.u32 $0x1, s3  }
0xa: {  	s5 =	sshll.u32 s5, $0x4;
	s3 =	sadd.s32 $0x1400, s0;
	s6 =	sshll.u32 s4, $0x3  }
0xb: {  	_ =	strace $0x8000004A;
	s4 =	ssub.s32 $0x2, s4;
	s5 =	sor.u32 s6, s5  }
0xc: {  	s7 =	sshrl.u32 s4, $0x1;
	s6 =	sadd.s32 s5, s0;
	s8 =	smul.u32 $0x300, s5  }
0xd: {  	v2 =	vlaneseq.u32;
	s9 =	ssub.s32 s4, s7;
	s7 =	sadd.s32 $0x1600, s0;
	s4 =	sadd.s32 $0x91A00, s6  }
0xe: {  	vm0 =	vmmov $0xffff;
	v1 =	vshrl.u32 v2, $0x3;
	s5 =	sadd.s32 $0x91800, s6;
	s6 =	sadd.s32 $0x1500, s0;
	s9 =	smax.u32 s9, $0x1  }
0xf: {  	v0 =	vand.u32 $0x7, v2;
	v2 =	vor.u32 $0x8, v2;
	v1 =	vmul.u32 $0x8, v1;
	s0 =	simm.s32 $0x13900;
	s8 =	sadd.s32 s1, s8;
	s1 =	simm.s32 $0x14100  }
.LBB2_1:
0x10: {  	[tilespmem:s2], [sflag:$0x1] =	stream.linear.gather [hbm4b:s4+s2], $0x40, $0x38;
	[tilespmem:$0x18100] =	vst v63  }
0x11: {  	s22 =	simm.s32 $0x80  }
0x12: {  	[tilespmem:s22], [sflag:$0x2] =	stream.linear.gather [hbm4b:s5+s2], $0x40, $0x38;
	[tilespmem:$0x18100] =	vst v63  }
0x13: {  	_ =	swait.ge [sflag:s11], $0x40  }
0x14: {  	[sflag:s11] =	ssyncset.done $0x0  }
0x15: {  	[sflag:s11] =	ssyncadd.s32 $0xFFFFFFC0  }
0x16: {  	v3 =	vld [tilespmem:$0x0];
	_ =	sdelay $0x4  }
0x17: {  	v4 =	vshrl.u32 v3, $0x3  }
0x18: {  	v4 =	vmul.u32 $0x30, v4  }
0x19: {  	v3 =	vand.u32 $0x7, v3  }
0x1a: {  	v3 =	vor.u32 v3, v4  }
0x1b: {  	v4 =	vperm.xlane v3, v0;
	_ =	sdelay $0x1  }
0x1c: {  	v4 =	vadd.s32 v1, v4;
	_ =	sdelay $0x3  }
0x1d: {  	v3 =	vperm.xlane v3, v2  }
0x1e: {  	[tilespmem:s12], [sflag:$0x1] =	stream.indirect_vreg.gather [hbm4b:s3+s2], $0x80, v4, vm0, $0xb8;
	[tilespmem:$0x18100] =	vst v63  }
0x1f: {  	s24 =	simm.s32 $0x900;
	v3 =	vadd.s32 v1, v3  }
0x20: {  	[tilespmem:s24], [sflag:$0x1] =	stream.indirect_vreg.gather [hbm4b:s6+s2], $0x80, v4, vm0, $0xb8;
	[tilespmem:$0x18100] =	vst v63  }
0x21: {  	s25 =	simm.s32 $0x1100  }
0x22: {  	[tilespmem:s25], [sflag:$0x1] =	stream.indirect_vreg.gather [hbm4b:s7+s2], $0x80, v4, vm0, $0xb8;
	[tilespmem:$0x18100] =	vst v63  }
0x23: {  	s26 =	simm.s32 $0x1900  }
0x24: {  	[tilespmem:s26], [sflag:$0x1] =	stream.indirect_vreg.gather [hbm4b:s3+s2], $0x80, v3, vm0, $0xb8;
	[tilespmem:$0x18100] =	vst v63  }
0x25: {  	s23 =	simm.s32 $0x2100  }
0x26: {  	[tilespmem:s23], [sflag:$0x1] =	stream.indirect_vreg.gather [hbm4b:s6+s2], $0x80, v3, vm0, $0xb8;
	[tilespmem:$0x18100] =	vst v63  }
0x27: {  	s24 =	simm.s32 $0x2900  }
0x28: {  	[tilespmem:s24], [sflag:$0x1] =	stream.indirect_vreg.gather [hbm4b:s7+s2], $0x80, v3, vm0, $0xb8;
	[tilespmem:$0x18100] =	vst v63  }
0x29: {  	v3 =	vld [tilespmem:$0x10];
	_ =	sdelay $0x4  }
0x2a: {  	v4 =	vshrl.u32 v3, $0x3  }
0x2b: {  	v4 =	vmul.u32 $0x30, v4  }
0x2c: {  	v3 =	vand.u32 $0x7, v3  }
0x2d: {  	v3 =	vor.u32 v3, v4  }
0x2e: {  	v4 =	vperm.xlane v3, v0;
	_ =	sdelay $0x1  }
0x2f: {  	v4 =	vadd.s32 v1, v4;
	_ =	sdelay $0x3  }
0x30: {  	s25 =	simm.s32 $0x3100;
	v3 =	vperm.xlane v3, v2  }
0x31: {  	[tilespmem:s25], [sflag:$0x1] =	stream.indirect_vreg.gather [hbm4b:s3+s2], $0x80, v4, vm0, $0xb8;
	[tilespmem:$0x18100] =	vst v63  }
0x32: {  	s26 =	simm.s32 $0x3900;
	v3 =	vadd.s32 v1, v3  }
0x33: {  	[tilespmem:s26], [sflag:$0x1] =	stream.indirect_vreg.gather [hbm4b:s6+s2], $0x80, v4, vm0, $0xb8;
	[tilespmem:$0x18100] =	vst v63  }
0x34: {  	s23 =	simm.s32 $0x4100  }
0x35: {  	[tilespmem:s23], [sflag:$0x1] =	stream.indirect_vreg.gather [hbm4b:s7+s2], $0x80, v4, vm0, $0xb8;
	[tilespmem:$0x18100] =	vst v63  }
0x36: {  	s24 =	simm.s32 $0x4900  }
0x37: {  	[tilespmem:s24], [sflag:$0x1] =	stream.indirect_vreg.gather [hbm4b:s3+s2], $0x80, v3, vm0, $0xb8;
	[tilespmem:$0x18100] =	vst v63  }
0x38: {  	s25 =	simm.s32 $0x5100  }
0x39: {  	[tilespmem:s25], [sflag:$0x1] =	stream.indirect_vreg.gather [hbm4b:s6+s2], $0x80, v3, vm0, $0xb8;
	[tilespmem:$0x18100] =	vst v63  }
0x3a: {  	s26 =	simm.s32 $0x5900  }
0x3b: {  	[tilespmem:s26], [sflag:$0x1] =	stream.indirect_vreg.gather [hbm4b:s7+s2], $0x80, v3, vm0, $0xb8;
	[tilespmem:$0x18100] =	vst v63  }
0x3c: {  	v3 =	vld [tilespmem:$0x20];
	_ =	sdelay $0x4  }
0x3d: {  	v4 =	vshrl.u32 v3, $0x3  }
0x3e: {  	v4 =	vmul.u32 $0x30, v4  }
0x3f: {  	v3 =	vand.u32 $0x7, v3  }
0x40: {  	v3 =	vor.u32 v3, v4  }
0x41: {  	v4 =	vperm.xlane v3, v0;
	_ =	sdelay $0x1  }
0x42: {  	v4 =	vadd.s32 v1, v4;
	_ =	sdelay $0x3  }
0x43: {  	s23 =	simm.s32 $0x6100;
	v3 =	vperm.xlane v3, v2  }
0x44: {  	[tilespmem:s23], [sflag:$0x1] =	stream.indirect_vreg.gather [hbm4b:s3+s2], $0x80, v4, vm0, $0xb8;
	[tilespmem:$0x18100] =	vst v63  }
0x45: {  	s24 =	simm.s32 $0x6900;
	v3 =	vadd.s32 v1, v3  }
0x46: {  	[tilespmem:s24], [sflag:$0x1] =	stream.indirect_vreg.gather [hbm4b:s6+s2], $0x80, v4, vm0, $0xb8;
	[tilespmem:$0x18100] =	vst v63  }
0x47: {  	s25 =	simm.s32 $0x7100  }
0x48: {  	[tilespmem:s25], [sflag:$0x1] =	stream.indirect_vreg.gather [hbm4b:s7+s2], $0x80, v4, vm0, $0xb8;
	[tilespmem:$0x18100] =	vst v63  }
0x49: {  	s26 =	simm.s32 $0x7900  }
0x4a: {  	[tilespmem:s26], [sflag:$0x1] =	stream.indirect_vreg.gather [hbm4b:s3+s2], $0x80, v3, vm0, $0xb8;
	[tilespmem:$0x18100] =	vst v63  }
0x4b: {  	s23 =	simm.s32 $0x8100  }
0x4c: {  	[tilespmem:s23], [sflag:$0x1] =	stream.indirect_vreg.gather [hbm4b:s6+s2], $0x80, v3, vm0, $0xb8;
	[tilespmem:$0x18100] =	vst v63  }
0x4d: {  	s24 =	simm.s32 $0x8900  }
0x4e: {  	[tilespmem:s24], [sflag:$0x1] =	stream.indirect_vreg.gather [hbm4b:s7+s2], $0x80, v3, vm0, $0xb8;
	[tilespmem:$0x18100] =	vst v63  }
0x4f: {  	v3 =	vld [tilespmem:$0x30];
	_ =	sdelay $0x4  }
0x50: {  	v4 =	vshrl.u32 v3, $0x3  }
0x51: {  	v4 =	vmul.u32 $0x30, v4  }
0x52: {  	v3 =	vand.u32 $0x7, v3  }
0x53: {  	v3 =	vor.u32 v3, v4  }
0x54: {  	v4 =	vperm.xlane v3, v0;
	_ =	sdelay $0x1  }
0x55: {  	v4 =	vadd.s32 v1, v4;
	_ =	sdelay $0x3  }
0x56: {  	s25 =	simm.s32 $0x9100;
	v3 =	vperm.xlane v3, v2  }
0x57: {  	[tilespmem:s25], [sflag:$0x1] =	stream.indirect_vreg.gather [hbm4b:s3+s2], $0x80, v4, vm0, $0xb8;
	[tilespmem:$0x18100] =	vst v63  }
0x58: {  	s26 =	simm.s32 $0x9900;
	v3 =	vadd.s32 v1, v3  }
0x59: {  	[tilespmem:s26], [sflag:$0x1] =	stream.indirect_vreg.gather [hbm4b:s6+s2], $0x80, v4, vm0, $0xb8;
	[tilespmem:$0x18100] =	vst v63  }
0x5a: {  	s23 =	simm.s32 $0xA100  }
0x5b: {  	[tilespmem:s23], [sflag:$0x1] =	stream.indirect_vreg.gather [hbm4b:s7+s2], $0x80, v4, vm0, $0xb8;
	[tilespmem:$0x18100] =	vst v63  }
0x5c: {  	s24 =	simm.s32 $0xA900  }
0x5d: {  	[tilespmem:s24], [sflag:$0x1] =	stream.indirect_vreg.gather [hbm4b:s3+s2], $0x80, v3, vm0, $0xb8;
	[tilespmem:$0x18100] =	vst v63  }
0x5e: {  	s25 =	simm.s32 $0xB100  }
0x5f: {  	[tilespmem:s25], [sflag:$0x1] =	stream.indirect_vreg.gather [hbm4b:s6+s2], $0x80, v3, vm0, $0xb8;
	[tilespmem:$0x18100] =	vst v63  }
0x60: {  	s26 =	simm.s32 $0xB900  }
0x61: {  	[tilespmem:s26], [sflag:$0x1] =	stream.indirect_vreg.gather [hbm4b:s7+s2], $0x80, v3, vm0, $0xb8;
	[tilespmem:$0x18100] =	vst v63  }
0x62: {  	_ =	swait.ge [sflag:s15], $0x40  }
0x63: {  	[sflag:s15] =	ssyncset.done $0x0  }
0x64: {  	[sflag:s15] =	ssyncadd.s32 $0xFFFFFFC0  }
0x65: {  	v3 =	vld [tilespmem:$0x80];
	_ =	sdelay $0x4  }
0x66: {  	v4 =	vshrl.u32 v3, $0x3  }
0x67: {  	v4 =	vmul.u32 $0x30, v4  }
0x68: {  	v3 =	vand.u32 $0x7, v3  }
0x69: {  	v3 =	vor.u32 v3, v4  }
0x6a: {  	v4 =	vperm.xlane v3, v0;
	_ =	sdelay $0x1  }
0x6b: {  	v4 =	vadd.s32 v1, v4;
	_ =	sdelay $0x3  }
0x6c: {  	s23 =	simm.s32 $0xC100;
	v3 =	vperm.xlane v3, v2  }
0x6d: {  	[tilespmem:s23], [sflag:$0x2] =	stream.indirect_vreg.gather [hbm4b:s3+s2], $0x80, v4, vm0, $0xb8;
	[tilespmem:$0x18100] =	vst v63  }
0x6e: {  	s24 =	simm.s32 $0xC900;
	v3 =	vadd.s32 v1, v3  }
0x6f: {  	[tilespmem:s24], [sflag:$0x2] =	stream.indirect_vreg.gather [hbm4b:s6+s2], $0x80, v4, vm0, $0xb8;
	[tilespmem:$0x18100] =	vst v63  }
0x70: {  	s25 =	simm.s32 $0xD100  }
0x71: {  	[tilespmem:s25], [sflag:$0x2] =	stream.indirect_vreg.gather [hbm4b:s7+s2], $0x80, v4, vm0, $0xb8;
	[tilespmem:$0x18100] =	vst v63  }
0x72: {  	s26 =	simm.s32 $0xD900  }
0x73: {  	[tilespmem:s26], [sflag:$0x2] =	stream.indirect_vreg.gather [hbm4b:s3+s2], $0x80, v3, vm0, $0xb8;
	[tilespmem:$0x18100] =	vst v63  }
0x74: {  	s23 =	simm.s32 $0xE100  }
0x75: {  	[tilespmem:s23], [sflag:$0x2] =	stream.indirect_vreg.gather [hbm4b:s6+s2], $0x80, v3, vm0, $0xb8;
	[tilespmem:$0x18100] =	vst v63  }
0x76: {  	s24 =	simm.s32 $0xE900  }
0x77: {  	[tilespmem:s24], [sflag:$0x2] =	stream.indirect_vreg.gather [hbm4b:s7+s2], $0x80, v3, vm0, $0xb8;
	[tilespmem:$0x18100] =	vst v63  }
0x78: {  	v3 =	vld [tilespmem:$0x90];
	_ =	sdelay $0x4  }
0x79: {  	v4 =	vshrl.u32 v3, $0x3  }
0x7a: {  	v4 =	vmul.u32 $0x30, v4  }
0x7b: {  	v3 =	vand.u32 $0x7, v3  }
0x7c: {  	v3 =	vor.u32 v3, v4  }
0x7d: {  	v4 =	vperm.xlane v3, v0;
	_ =	sdelay $0x1  }
0x7e: {  	v4 =	vadd.s32 v1, v4;
	_ =	sdelay $0x3  }
0x7f: {  	s25 =	simm.s32 $0xF100;
	v3 =	vperm.xlane v3, v2  }
0x80: {  	[tilespmem:s25], [sflag:$0x2] =	stream.indirect_vreg.gather [hbm4b:s3+s2], $0x80, v4, vm0, $0xb8;
	[tilespmem:$0x18100] =	vst v63  }
0x81: {  	s26 =	simm.s32 $0xF900;
	v3 =	vadd.s32 v1, v3  }
0x82: {  	[tilespmem:s26], [sflag:$0x2] =	stream.indirect_vreg.gather [hbm4b:s6+s2], $0x80, v4, vm0, $0xb8;
	[tilespmem:$0x18100] =	vst v63  }
0x83: {  	s23 =	simm.s32 $0x10100  }
0x84: {  	[tilespmem:s23], [sflag:$0x2] =	stream.indirect_vreg.gather [hbm4b:s7+s2], $0x80, v4, vm0, $0xb8;
	[tilespmem:$0x18100] =	vst v63  }
0x85: {  	s24 =	simm.s32 $0x10900  }
0x86: {  	[tilespmem:s24], [sflag:$0x2] =	stream.indirect_vreg.gather [hbm4b:s3+s2], $0x80, v3, vm0, $0xb8;
	[tilespmem:$0x18100] =	vst v63  }
0x87: {  	s25 =	simm.s32 $0x11100  }
0x88: {  	[tilespmem:s25], [sflag:$0x2] =	stream.indirect_vreg.gather [hbm4b:s6+s2], $0x80, v3, vm0, $0xb8;
	[tilespmem:$0x18100] =	vst v63  }
0x89: {  	_ = 	snop  }
0x8a: {  	[tilespmem:s28], [sflag:$0x2] =	stream.indirect_vreg.gather [hbm4b:s7+s2], $0x80, v3, vm0, $0xb8;
	[tilespmem:$0x18100] =	vst v63  }
0x8b: {  	v3 =	vld [tilespmem:$0xA0];
	_ =	sdelay $0x4  }
0x8c: {  	v4 =	vshrl.u32 v3, $0x3  }
0x8d: {  	v4 =	vmul.u32 $0x30, v4  }
0x8e: {  	v3 =	vand.u32 $0x7, v3  }
0x8f: {  	v3 =	vor.u32 v3, v4  }
0x90: {  	v4 =	vperm.xlane v3, v0;
	_ =	sdelay $0x1  }
0x91: {  	v4 =	vadd.s32 v1, v4;
	_ =	sdelay $0x3  }
0x92: {  	v3 =	vperm.xlane v3, v2  }
0x93: {  	[tilespmem:s29], [sflag:$0x2] =	stream.indirect_vreg.gather [hbm4b:s3+s2], $0x80, v4, vm0, $0xb8;
	[tilespmem:$0x18100] =	vst v63  }
0x94: {  	v3 =	vadd.s32 v1, v3  }
0x95: {  	[tilespmem:s30], [sflag:$0x2] =	stream.indirect_vreg.gather [hbm4b:s6+s2], $0x80, v4, vm0, $0xb8;
	[tilespmem:$0x18100] =	vst v63  }
0x96: {  	_ = 	snop  }
0x97: {  	[tilespmem:s31], [sflag:$0x2] =	stream.indirect_vreg.gather [hbm4b:s7+s2], $0x80, v4, vm0, $0xb8;
	[tilespmem:$0x18100] =	vst v63  }
0x98: {  	_ = 	snop  }
0x99: {  	[tilespmem:s0], [sflag:$0x2] =	stream.indirect_vreg.gather [hbm4b:s3+s2], $0x80, v3, vm0, $0xb8;
	[tilespmem:$0x18100] =	vst v63  }
0x9a: {  	_ = 	snop  }
0x9b: {  	[tilespmem:s1], [sflag:$0x2] =	stream.indirect_vreg.gather [hbm4b:s6+s2], $0x80, v3, vm0, $0xb8;
	[tilespmem:$0x18100] =	vst v63  }
0x9c: {  	_ = 	snop  }
0x9d: {  	[tilespmem:s10], [sflag:$0x2] =	stream.indirect_vreg.gather [hbm4b:s7+s2], $0x80, v3, vm0, $0xb8;
	[tilespmem:$0x18100] =	vst v63  }
0x9e: {  	v3 =	vld [tilespmem:$0xB0];
	_ =	sdelay $0x4  }
0x9f: {  	v4 =	vshrl.u32 v3, $0x3  }
0xa0: {  	v4 =	vmul.u32 $0x30, v4  }
0xa1: {  	v3 =	vand.u32 $0x7, v3  }
0xa2: {  	v3 =	vor.u32 v3, v4  }
0xa3: {  	v4 =	vperm.xlane v3, v0;
	_ =	sdelay $0x1  }
0xa4: {  	v4 =	vadd.s32 v1, v4;
	_ =	sdelay $0x3  }
0xa5: {  	v3 =	vperm.xlane v3, v2  }
0xa6: {  	[tilespmem:s13], [sflag:$0x2] =	stream.indirect_vreg.gather [hbm4b:s3+s2], $0x80, v4, vm0, $0xb8;
	[tilespmem:$0x18100] =	vst v63  }
0xa7: {  	v3 =	vadd.s32 v1, v3  }
0xa8: {  	[tilespmem:s14], [sflag:$0x2] =	stream.indirect_vreg.gather [hbm4b:s6+s2], $0x80, v4, vm0, $0xb8;
	[tilespmem:$0x18100] =	vst v63  }
0xa9: {  	_ = 	snop  }
0xaa: {  	[tilespmem:s16], [sflag:$0x2] =	stream.indirect_vreg.gather [hbm4b:s7+s2], $0x80, v4, vm0, $0xb8;
	[tilespmem:$0x18100] =	vst v63  }
0xab: {  	_ = 	snop  }
0xac: {  	[tilespmem:s17], [sflag:$0x2] =	stream.indirect_vreg.gather [hbm4b:s3+s2], $0x80, v3, vm0, $0xb8;
	[tilespmem:$0x18100] =	vst v63  }
0xad: {  	_ = 	snop  }
0xae: {  	[tilespmem:s18], [sflag:$0x2] =	stream.indirect_vreg.gather [hbm4b:s6+s2], $0x80, v3, vm0, $0xb8;
	[tilespmem:$0x18100] =	vst v63  }
0xaf: {  	_ = 	snop  }
0xb0: {  	[tilespmem:s19], [sflag:$0x2] =	stream.indirect_vreg.gather [hbm4b:s7+s2], $0x80, v3, vm0, $0xb8;
	[tilespmem:$0x18100] =	vst v63  }
0xb1: {  	_ =	swait.ge [sflag:s11], $0xC000  }
0xb2: {  	[sflag:s11] =	ssyncset.done $0x0  }
0xb3: {  	s26 =	simm.s32 $0x0;
	[sflag:s11] =	ssyncadd.s32 $0xFFFF4000  }
0xb4: {  	s22 =	smul.u32 $0x1800, s26;
	_ =	swait.ge [sflag:s15], $0xC000  }
0xb5: {  	s23 =	sand.u32 $0x380, s2;
	[sflag:s15] =	ssyncset.done $0x0  }
0xb6: {  	s22 =	sor.u32 s23, s22;
	[sflag:s15] =	ssyncadd.s32 $0xFFFF4000  }
0xb7: {  	v12 =	vld [tilespmem:s22+$0xC100]  }
0xb8: {  	v13 =	vld [tilespmem:s22+$0xC110]  }
0xb9: {  	v14 =	vld [tilespmem:s22+$0xC120]  }
0xba: {  	v15 =	vld [tilespmem:s22+$0xC130]  }
0xbb: {  	v16 =	vld [tilespmem:s22+$0xC140]  }
0xbc: {  	v17 =	vld [tilespmem:s22+$0xC150]  }
0xbd: {  	v18 =	vld [tilespmem:s22+$0xC160]  }
0xbe: {  	v19 =	vld [tilespmem:s22+$0xC170]  }
0xbf: {  	v20 =	vld [tilespmem:s22+$0xC500]  }
0xc0: {  	v21 =	vld [tilespmem:s22+$0xC510]  }
0xc1: {  	v22 =	vld [tilespmem:s22+$0xC520]  }
0xc2: {  	v23 =	vld [tilespmem:s22+$0xC530]  }
0xc3: {  	v24 =	vld [tilespmem:s22+$0xC540]  }
0xc4: {  	v25 =	vld [tilespmem:s22+$0xC550]  }
0xc5: {  	v26 =	vld [tilespmem:s22+$0xC560]  }
0xc6: {  	v27 =	vld [tilespmem:s22+$0xC570]  }
0xc7: {  	v28 =	vld [tilespmem:s22+$0xC900]  }
0xc8: {  	v29 =	vld [tilespmem:s22+$0xC910]  }
0xc9: {  	v30 =	vld [tilespmem:s22+$0xC920]  }
0xca: {  	v31 =	vld [tilespmem:s22+$0xC930]  }
0xcb: {  	v32 =	vld [tilespmem:s22+$0xC940]  }
0xcc: {  	v33 =	vld [tilespmem:s22+$0xC950]  }
0xcd: {  	v34 =	vld [tilespmem:s22+$0xC960]  }
0xce: {  	v35 =	vld [tilespmem:s22+$0xC970]  }
0xcf: {  	v36 =	vld [tilespmem:s22+$0xCD00]  }
0xd0: {  	v37 =	vld [tilespmem:s22+$0xCD10]  }
0xd1: {  	v38 =	vld [tilespmem:s22+$0xCD20]  }
0xd2: {  	v39 =	vld [tilespmem:s22+$0xCD30]  }
0xd3: {  	v40 =	vld [tilespmem:s22+$0xCD40]  }
0xd4: {  	v41 =	vld [tilespmem:s22+$0xCD50]  }
0xd5: {  	v42 =	vld [tilespmem:s22+$0xCD60]  }
0xd6: {  	v43 =	vld [tilespmem:s22+$0xCD70]  }
0xd7: {  	v44 =	vld [tilespmem:s22+$0xD100]  }
0xd8: {  	v45 =	vld [tilespmem:s22+$0xD110]  }
0xd9: {  	v46 =	vld [tilespmem:s22+$0xD120]  }
0xda: {  	v47 =	vld [tilespmem:s22+$0xD130]  }
0xdb: {  	v48 =	vld [tilespmem:s22+$0xD140]  }
0xdc: {  	v49 =	vld [tilespmem:s22+$0xD150]  }
0xdd: {  	v50 =	vld [tilespmem:s22+$0xD160]  }
0xde: {  	v11 =	vld [tilespmem:s22+$0xD170]  }
0xdf: {  	v10 =	vld [tilespmem:s22+$0xD500]  }
0xe0: {  	v9 =	vld [tilespmem:s22+$0xD510]  }
0xe1: {  	v8 =	vld [tilespmem:s22+$0xD520]  }
0xe2: {  	v7 =	vld [tilespmem:s22+$0xD530]  }
0xe3: {  	v6 =	vld [tilespmem:s22+$0xD540]  }
0xe4: {  	v51 =	vld [tilespmem:s22+$0x100]  }
0xe5: {  	v52 =	vld [tilespmem:s22+$0x110]  }
0xe6: {  	v53 =	vld [tilespmem:s22+$0x120]  }
0xe7: {  	v54 =	vld [tilespmem:s22+$0x130]  }
0xe8: {  	v55 =	vld [tilespmem:s22+$0x140]  }
0xe9: {  	v62 =	vld [tilespmem:s22+$0x150];
	v12 =	vadd.f32 v12, v51  }
0xea: {  	v63 =	vld [tilespmem:s22+$0x160];
	v13 =	vadd.f32 v13, v52  }
0xeb: {  	[tilespmem:s22+$0x100] =	vst v12;
	v12 =	vadd.f32 v14, v53;
	v14 =	vld [tilespmem:s22+$0x170]  }
0xec: {  	[tilespmem:s22+$0x110] =	vst v13;
	v13 =	vadd.f32 v15, v54;
	v15 =	vld [tilespmem:s22+$0x500]  }
0xed: {  	[tilespmem:s22+$0x120] =	vst v12;
	v12 =	vadd.f32 v16, v55;
	v16 =	vld [tilespmem:s22+$0x510]  }
0xee: {  	[tilespmem:s22+$0x130] =	vst v13;
	v13 =	vadd.f32 v17, v62;
	v17 =	vld [tilespmem:s22+$0x520]  }
0xef: {  	v5 =	vld [tilespmem:s22+$0xD550]  }
0xf0: {  	[tilespmem:s22+$0x140] =	vst v12;
	v12 =	vadd.f32 v18, v63;
	v18 =	vld [tilespmem:s22+$0x570]  }
0xf1: {  	[tilespmem:s22+$0x150] =	vst v13;
	v13 =	vadd.f32 v19, v14;
	v14 =	vld [tilespmem:s22+$0x530]  }
0xf2: {  	[tilespmem:s22+$0x160] =	vst v12;
	v12 =	vadd.f32 v20, v15;
	v15 =	vld [tilespmem:s22+$0x540]  }
0xf3: {  	[tilespmem:s22+$0x170] =	vst v13;
	v13 =	vadd.f32 v21, v16;
	v16 =	vadd.f32 v22, v17;
	v17 =	vld [tilespmem:s22+$0x560]  }
0xf4: {  	[tilespmem:s22+$0x500] =	vst v12;
	v12 =	vld [tilespmem:s22+$0x550]  }
0xf5: {  	[tilespmem:s22+$0x510] =	vst v13;
	v13 =	vld [tilespmem:s22+$0x900];
	v18 =	vadd.f32 v27, v18  }
0xf6: {  	[tilespmem:s22+$0x520] =	vst v16;
	v16 =	vld [tilespmem:s22+$0x910];
	v14 =	vadd.f32 v23, v14  }
0xf7: {  	v4 =	vld [tilespmem:s22+$0xD560];
	v15 =	vadd.f32 v24, v15;
	[tilespmem:s22+$0x570] =	vst v18  }
0xf8: {  	[tilespmem:s22+$0x530] =	vst v14;
	v14 =	vld [tilespmem:s22+$0x920];
	v17 =	vadd.f32 v26, v17  }
0xf9: {  	v12 =	vadd.f32 v25, v12;
	[tilespmem:s22+$0x540] =	vst v15;
	v15 =	vld [tilespmem:s22+$0x930]  }
0xfa: {  	v18 =	vld [tilespmem:s22+$0x970];
	[tilespmem:s22+$0x560] =	vst v17;
	v13 =	vadd.f32 v28, v13  }
0xfb: {  	v16 =	vadd.f32 v29, v16;
	[tilespmem:s22+$0x550] =	vst v12;
	v12 =	vld [tilespmem:s22+$0x940]  }
0xfc: {  	v17 =	vld [tilespmem:s22+$0x950];
	[tilespmem:s22+$0x900] =	vst v13  }
0xfd: {  	[tilespmem:s22+$0x910] =	vst v16;
	v16 =	vld [tilespmem:s22+$0x960];
	v13 =	vadd.f32 v30, v14  }
0xfe: {  	v14 =	vld [tilespmem:s22+$0xD00];
	v15 =	vadd.f32 v31, v15  }
0xff: {  	[tilespmem:s22+$0x920] =	vst v13;
	v13 =	vld [tilespmem:s22+$0xD10]  }
0x100: {  	v12 =	vadd.f32 v32, v12;
	[tilespmem:s22+$0x930] =	vst v15;
	v15 =	vld [tilespmem:s22+$0xD20]  }
0x101: {  	v3 =	vld [tilespmem:s22+$0xD570];
	v17 =	vadd.f32 v33, v17  }
0x102: {  	v16 =	vadd.f32 v34, v16;
	[tilespmem:s22+$0x940] =	vst v12;
	v12 =	vld [tilespmem:s22+$0xD30]  }
0x103: {  	[tilespmem:s22+$0x950] =	vst v17;
	v17 =	vld [tilespmem:s22+$0xD40];
	v14 =	vadd.f32 v36, v14  }
0x104: {  	v18 =	vadd.f32 v35, v18;
	[tilespmem:s22+$0x960] =	vst v16;
	v16 =	vld [tilespmem:s22+$0xD50]  }
0x105: {  	v13 =	vadd.f32 v37, v13;
	[tilespmem:s22+$0xD00] =	vst v14;
	v14 =	vadd.f32 v38, v15;
	v15 =	vld [tilespmem:s22+$0xD60]  }
0x106: {  	[tilespmem:s22+$0x970] =	vst v18;
	v18 =	vld [tilespmem:s22+$0xD70]  }
0x107: {  	[tilespmem:s22+$0xD10] =	vst v13;
	v13 =	vld [tilespmem:s22+$0x1100];
	v12 =	vadd.f32 v39, v12  }
0x108: {  	v17 =	vadd.f32 v40, v17;
	[tilespmem:s22+$0xD20] =	vst v14;
	v14 =	vld [tilespmem:s22+$0x1110]  }
0x109: {  	v16 =	vadd.f32 v41, v16;
	[tilespmem:s22+$0xD30] =	vst v12;
	v12 =	vld [tilespmem:s22+$0x1120]  }
0x10a: {  	[tilespmem:s22+$0xD40] =	vst v17;
	v17 =	vld [tilespmem:s22+$0x1130];
	v15 =	vadd.f32 v42, v15  }
0x10b: {  	v19 =	vld [tilespmem:s22+$0x1140];
	[tilespmem:s22+$0xD50] =	vst v16;
	v16 =	vadd.f32 v43, v18  }
0x10c: {  	v18 =	vld [tilespmem:s22+$0x1150];
	v13 =	vadd.f32 v44, v13;
	[tilespmem:s22+$0xD60] =	vst v15  }
0x10d: {  	v20 =	vld [tilespmem:s22+$0x1160];
	[tilespmem:s22+$0xD70] =	vst v16;
	v14 =	vadd.f32 v45, v14  }
0x10e: {  	v16 =	vld [tilespmem:s22+$0x1170];
	[tilespmem:s22+$0x1100] =	vst v13;
	v12 =	vadd.f32 v46, v12  }
0x10f: {  	v15 =	vld [tilespmem:s22+$0x1500];
	v13 =	vadd.f32 v47, v17;
	[tilespmem:s22+$0x1110] =	vst v14  }
0x110: {  	v14 =	vld [tilespmem:s22+$0x1510];
	[tilespmem:s22+$0x1120] =	vst v12;
	v12 =	vadd.f32 v48, v19  }
0x111: {  	[tilespmem:s22+$0x1130] =	vst v13;
	v13 =	vld [tilespmem:s22+$0x1520];
	v18 =	vadd.f32 v49, v18  }
0x112: {  	s23 =	simm.s32 $0x1;
	s24 =	simm.s32 $0x0;
	v17 =	vadd.f32 v50, v20;
	[tilespmem:s22+$0x1140] =	vst v12;
	v12 =	vld [tilespmem:s22+$0x1530]  }
.LBB2_2:
0x113: {  	s25 =	sshrl.u32 s23, $0x3;
	p0 =	sne.s32 s23, $0x3F;
	[tilespmem:s22+$0x1150] =	vst v18;
	v11 =	vadd.f32 v11, v16;
	v16 =	vld [tilespmem:s22+$0x1540]  }
0x114: {  	s24 =	sadd.s32 $0x80, s24;
	s25 =	smul.u32 $0x1800, s25;
	[tilespmem:s22+$0x1160] =	vst v17;
	v10 =	vadd.f32 v10, v15;
	v15 =	vld [tilespmem:s22+$0x1550]  }
0x115: {  	s26 =	sand.u32 $0x380, s24;
	[tilespmem:s22+$0x1170] =	vst v11;
	v9 =	vadd.f32 v9, v14;
	v11 =	vld [tilespmem:s22+$0x1560]  }
0x116: {  	s25 =	sor.u32 s26, s25;
	[tilespmem:s22+$0x1500] =	vst v10;
	v8 =	vadd.f32 v8, v13;
	v10 =	vld [tilespmem:s22+$0x1570]  }
0x117: {  	v39 =	vld [tilespmem:s25+$0xC100];
	[tilespmem:s22+$0x1510] =	vst v9;
	v7 =	vadd.f32 v7, v12  }
0x118: {  	v40 =	vld [tilespmem:s25+$0xC110];
	[tilespmem:s22+$0x1520] =	vst v8;
	v6 =	vadd.f32 v6, v16  }
0x119: {  	v41 =	vld [tilespmem:s25+$0xC120];
	[tilespmem:s22+$0x1530] =	vst v7;
	v5 =	vadd.f32 v5, v15  }
0x11a: {  	v42 =	vld [tilespmem:s25+$0xC130];
	[tilespmem:s22+$0x1540] =	vst v6;
	v4 =	vadd.f32 v4, v11  }
0x11b: {  	v43 =	vld [tilespmem:s25+$0xC140];
	[tilespmem:s22+$0x1550] =	vst v5;
	v3 =	vadd.f32 v3, v10  }
0x11c: {  	v44 =	vld [tilespmem:s25+$0xC150];
	[tilespmem:s22+$0x1560] =	vst v4  }
0x11d: {  	v45 =	vld [tilespmem:s25+$0xC160];
	[tilespmem:s22+$0x1570] =	vst v3;
	s22 =	smov.u32 s25  }
0x11e: {  	v46 =	vld [tilespmem:s22+$0xC170]  }
0x11f: {  	v47 =	vld [tilespmem:s22+$0xC500]  }
0x120: {  	v48 =	vld [tilespmem:s22+$0xC510]  }
0x121: {  	v49 =	vld [tilespmem:s22+$0xC520]  }
0x122: {  	v50 =	vld [tilespmem:s22+$0xC530]  }
0x123: {  	v38 =	vld [tilespmem:s22+$0xC540]  }
0x124: {  	v37 =	vld [tilespmem:s22+$0xC550]  }
0x125: {  	v36 =	vld [tilespmem:s22+$0xC560]  }
0x126: {  	v35 =	vld [tilespmem:s22+$0xC570]  }
0x127: {  	v34 =	vld [tilespmem:s22+$0xC900]  }
0x128: {  	v33 =	vld [tilespmem:s22+$0xC910]  }
0x129: {  	v32 =	vld [tilespmem:s22+$0xC920]  }
0x12a: {  	v31 =	vld [tilespmem:s22+$0xC930]  }
0x12b: {  	v30 =	vld [tilespmem:s22+$0xC940]  }
0x12c: {  	v29 =	vld [tilespmem:s22+$0xC950]  }
0x12d: {  	v28 =	vld [tilespmem:s22+$0xC960]  }
0x12e: {  	v27 =	vld [tilespmem:s22+$0xC970]  }
0x12f: {  	v26 =	vld [tilespmem:s22+$0xCD00]  }
0x130: {  	v25 =	vld [tilespmem:s22+$0xCD10]  }
0x131: {  	v24 =	vld [tilespmem:s22+$0xCD20]  }
0x132: {  	v23 =	vld [tilespmem:s22+$0xCD30]  }
0x133: {  	v22 =	vld [tilespmem:s22+$0xCD40]  }
0x134: {  	v21 =	vld [tilespmem:s22+$0xCD50]  }
0x135: {  	v20 =	vld [tilespmem:s22+$0xCD60]  }
0x136: {  	v19 =	vld [tilespmem:s22+$0xCD70]  }
0x137: {  	v18 =	vld [tilespmem:s22+$0xD100]  }
0x138: {  	v17 =	vld [tilespmem:s22+$0xD110]  }
0x139: {  	v16 =	vld [tilespmem:s22+$0xD120]  }
0x13a: {  	v15 =	vld [tilespmem:s22+$0xD130]  }
0x13b: {  	v14 =	vld [tilespmem:s22+$0xD140]  }
0x13c: {  	v13 =	vld [tilespmem:s22+$0xD150]  }
0x13d: {  	v12 =	vld [tilespmem:s22+$0xD160]  }
0x13e: {  	v11 =	vld [tilespmem:s22+$0xD170]  }
0x13f: {  	v10 =	vld [tilespmem:s22+$0xD500]  }
0x140: {  	v9 =	vld [tilespmem:s22+$0xD510]  }
0x141: {  	v8 =	vld [tilespmem:s22+$0xD520]  }
0x142: {  	v7 =	vld [tilespmem:s22+$0xD530]  }
0x143: {  	v6 =	vld [tilespmem:s22+$0xD540]  }
0x144: {  	v5 =	vld [tilespmem:s22+$0xD550]  }
0x145: {  	v4 =	vld [tilespmem:s22+$0xD560]  }
0x146: {  	v3 =	vld [tilespmem:s22+$0xD570]  }
0x147: {  	v51 =	vld [tilespmem:s22+$0x100]  }
0x148: {  	v52 =	vld [tilespmem:s22+$0x110]  }
0x149: {  	v53 =	vld [tilespmem:s22+$0x120]  }
0x14a: {  	v54 =	vld [tilespmem:s22+$0x130]  }
0x14b: {  	v55 =	vld [tilespmem:s22+$0x140]  }
0x14c: {  	v39 =	vadd.f32 v39, v51;
	v51 =	vld [tilespmem:s22+$0x150]  }
0x14d: {  	v40 =	vadd.f32 v40, v52;
	v52 =	vld [tilespmem:s22+$0x160]  }
0x14e: {  	[tilespmem:s22+$0x100] =	vst v39;
	v39 =	vadd.f32 v41, v53;
	v41 =	vld [tilespmem:s22+$0x170]  }
0x14f: {  	[tilespmem:s22+$0x110] =	vst v40;
	v40 =	vadd.f32 v42, v54;
	v42 =	vld [tilespmem:s22+$0x500]  }
0x150: {  	[tilespmem:s22+$0x120] =	vst v39;
	v39 =	vadd.f32 v43, v55;
	v43 =	vld [tilespmem:s22+$0x510]  }
0x151: {  	[tilespmem:s22+$0x130] =	vst v40;
	v40 =	vadd.f32 v44, v51;
	v44 =	vld [tilespmem:s22+$0x520]  }
0x152: {  	[tilespmem:s22+$0x140] =	vst v39;
	v39 =	vadd.f32 v45, v52;
	v45 =	vld [tilespmem:s22+$0x530]  }
0x153: {  	[tilespmem:s22+$0x150] =	vst v40;
	v40 =	vadd.f32 v46, v41;
	v41 =	vld [tilespmem:s22+$0x540]  }
0x154: {  	[tilespmem:s22+$0x160] =	vst v39;
	v39 =	vadd.f32 v47, v42;
	v42 =	vld [tilespmem:s22+$0x550]  }
0x155: {  	[tilespmem:s22+$0x170] =	vst v40;
	v40 =	vadd.f32 v48, v43;
	v43 =	vld [tilespmem:s22+$0x560]  }
0x156: {  	[tilespmem:s22+$0x500] =	vst v39;
	v39 =	vadd.f32 v49, v44;
	v44 =	vld [tilespmem:s22+$0x570]  }
0x157: {  	[tilespmem:s22+$0x510] =	vst v40;
	v40 =	vadd.f32 v50, v45;
	v45 =	vld [tilespmem:s22+$0x900]  }
0x158: {  	[tilespmem:s22+$0x520] =	vst v39;
	v38 =	vadd.f32 v38, v41;
	v39 =	vld [tilespmem:s22+$0x910]  }
0x159: {  	[tilespmem:s22+$0x530] =	vst v40;
	v37 =	vadd.f32 v37, v42;
	v40 =	vld [tilespmem:s22+$0x920]  }
0x15a: {  	[tilespmem:s22+$0x540] =	vst v38;
	v36 =	vadd.f32 v36, v43;
	v38 =	vld [tilespmem:s22+$0x930]  }
0x15b: {  	[tilespmem:s22+$0x550] =	vst v37;
	v35 =	vadd.f32 v35, v44;
	v37 =	vld [tilespmem:s22+$0x940]  }
0x15c: {  	[tilespmem:s22+$0x560] =	vst v36;
	v34 =	vadd.f32 v34, v45;
	v36 =	vld [tilespmem:s22+$0x950]  }
0x15d: {  	[tilespmem:s22+$0x570] =	vst v35;
	v33 =	vadd.f32 v33, v39;
	v35 =	vld [tilespmem:s22+$0x960]  }
0x15e: {  	[tilespmem:s22+$0x900] =	vst v34;
	v32 =	vadd.f32 v32, v40;
	v34 =	vld [tilespmem:s22+$0x970]  }
0x15f: {  	[tilespmem:s22+$0x910] =	vst v33;
	v31 =	vadd.f32 v31, v38;
	v33 =	vld [tilespmem:s22+$0xD00]  }
0x160: {  	[tilespmem:s22+$0x920] =	vst v32;
	v30 =	vadd.f32 v30, v37;
	v32 =	vld [tilespmem:s22+$0xD10]  }
0x161: {  	[tilespmem:s22+$0x930] =	vst v31;
	v29 =	vadd.f32 v29, v36;
	v31 =	vld [tilespmem:s22+$0xD20]  }
0x162: {  	[tilespmem:s22+$0x940] =	vst v30;
	v28 =	vadd.f32 v28, v35;
	v30 =	vld [tilespmem:s22+$0xD30]  }
0x163: {  	[tilespmem:s22+$0x950] =	vst v29;
	v27 =	vadd.f32 v27, v34;
	v29 =	vld [tilespmem:s22+$0xD40]  }
0x164: {  	[tilespmem:s22+$0x960] =	vst v28;
	v26 =	vadd.f32 v26, v33;
	v28 =	vld [tilespmem:s22+$0xD50]  }
0x165: {  	[tilespmem:s22+$0x970] =	vst v27;
	v25 =	vadd.f32 v25, v32;
	v27 =	vld [tilespmem:s22+$0xD60]  }
0x166: {  	[tilespmem:s22+$0xD00] =	vst v26;
	v24 =	vadd.f32 v24, v31;
	v26 =	vld [tilespmem:s22+$0xD70]  }
0x167: {  	[tilespmem:s22+$0xD10] =	vst v25;
	v23 =	vadd.f32 v23, v30;
	v25 =	vld [tilespmem:s22+$0x1100]  }
0x168: {  	[tilespmem:s22+$0xD20] =	vst v24;
	v22 =	vadd.f32 v22, v29;
	v24 =	vld [tilespmem:s22+$0x1110]  }
0x169: {  	[tilespmem:s22+$0xD30] =	vst v23;
	v21 =	vadd.f32 v21, v28;
	v23 =	vld [tilespmem:s22+$0x1120]  }
0x16a: {  	[tilespmem:s22+$0xD40] =	vst v22;
	v20 =	vadd.f32 v20, v27;
	v22 =	vld [tilespmem:s22+$0x1130]  }
0x16b: {  	[tilespmem:s22+$0xD50] =	vst v21;
	v19 =	vadd.f32 v19, v26;
	v21 =	vld [tilespmem:s22+$0x1140]  }
0x16c: {  	[tilespmem:s22+$0xD60] =	vst v20;
	v18 =	vadd.f32 v18, v25;
	v20 =	vld [tilespmem:s22+$0x1150]  }
0x16d: {  	[tilespmem:s22+$0xD70] =	vst v19;
	v17 =	vadd.f32 v17, v24;
	v19 =	vld [tilespmem:s22+$0x1160]  }
.Ltmp0:
0x16e: {  	[tilespmem:s22+$0x1100] =	vst v18;
	v18 =	vadd.f32 v16, v23;
	v16 =	vld [tilespmem:s22+$0x1170];
	(pc) =	sbr.rel @p0 .LBB2_2-.Ltmp0, $4  }
0x16f: {  	[tilespmem:s22+$0x1110] =	vst v17;
	v17 =	vadd.f32 v15, v22;
	v15 =	vld [tilespmem:s22+$0x1500]  }
0x170: {  	[tilespmem:s22+$0x1120] =	vst v18;
	v21 =	vadd.f32 v14, v21;
	v14 =	vld [tilespmem:s22+$0x1510]  }
0x171: {  	[tilespmem:s22+$0x1130] =	vst v17;
	v18 =	vadd.f32 v13, v20;
	v13 =	vld [tilespmem:s22+$0x1520]  }
0x172: {  	s23 =	sadd.s32 $0x1, s23;
	[tilespmem:s22+$0x1140] =	vst v21;
	v17 =	vadd.f32 v12, v19;
	v12 =	vld [tilespmem:s22+$0x1530]  }
0x173: {  	[tilespmem:s22+$0x1150] =	vst v18;
	v60 =	vld [tilespmem:s22+$0x1540];
	v11 =	vadd.f32 v11, v16  }
0x174: {  	v61 =	vld [tilespmem:s22+$0x1550];
	[tilespmem:s22+$0x1160] =	vst v17;
	v10 =	vadd.f32 v10, v15  }
0x175: {  	v62 =	vld [tilespmem:s22+$0x1560];
	[tilespmem:s22+$0x1170] =	vst v11;
	v9 =	vadd.f32 v9, v14  }
0x176: {  	v63 =	vld [tilespmem:s22+$0x1570];
	[tilespmem:s22+$0x1500] =	vst v10;
	v8 =	vadd.f32 v8, v13  }
0x177: {  	[tilespmem:s22+$0x1510] =	vst v9;
	v7 =	vadd.f32 v7, v12  }
0x178: {  	[tilespmem:s22+$0x1520] =	vst v8;
	v6 =	vadd.f32 v6, v60  }
0x179: {  	v5 =	vadd.f32 v5, v61;
	[tilespmem:s22+$0x1530] =	vst v7  }
0x17a: {  	v4 =	vadd.f32 v4, v62;
	[tilespmem:s22+$0x1540] =	vst v6  }
0x17b: {  	s21 =	sadd.s32 $0x1, s21;
	v3 =	vadd.f32 v3, v63;
	[tilespmem:s22+$0x1550] =	vst v5  }
0x17c: {  	p0 =	sne.s32 s21, s9;
	[tilespmem:s22+$0x1560] =	vst v4  }
.Ltmp1:
0x17d: {  	[tilespmem:s22+$0x1570] =	vst v3;
	(pc) =	sbr.rel @p0 .LBB2_1-.Ltmp1, $4  }
0x17e: {  	[hbm4b:s8+s2] =	stream.linear.scatter [tilespmem:s12], [sflag:$0x3], $0xC000, $0x38;
	[tilespmem:$0x18100] =	vst v63  }
0x17f: {  	_ =	swait.ge [sflag:s20], $0xC000  }
0x180: {  	[sflag:s20] =	ssyncset.done $0x0  }
0x181: {  	[sflag:s20] =	ssyncadd.s32 $0xFFFF4000  }
0x182: {  	_ =	sfence.sel $0x180000  }
0x183: {  	[bflag:$0x0] =	sbarrier.arrive $0xFFFF  }
0x184: {  	_ =	strace $0x9000004A  }
0x185: {  	s0 =	stileid.u32;
	[bflag:$0x2] =	sbarrier.arrive $0xFFFF  }
0x186: {  	p0 =	sne.s32 s0, $0x0;
	s0 =	rddreg [dreg:$0x2]  }
0x187: {  	s0 =	sadd.s32 @!p0 $0x100000, s0  }
0x188: {  	[sflag:s0] =	ssyncadd.tile.s32 @!p0 $0x1;
	_ =	shalt  }
.Lfunc_end2:
_tile_overlayer_lowered:
.L_overlay_start_2:
0x189: {  	(tag) =	ssettag $0x2  }
0x18a: {  	s0 =	rddreg [dreg:$0x0];
	s2 =	stileid.u32  }
0x18b: {  	s1 =	rddreg [dreg:$0x1];
	p0 =	sne.s32 s2, $0x0  }
0x18c: {  	s3 =	rddreg [dreg:$0x2];
	[bflag:$0x3] =	sbarrier.arrive $0xFFFF;
	s2 =	simm.s32 @!p0 $0x1C03  }
0x18d: {  	[timem:s3], [sflag:s2] =	dma.local @!p0 [hbm:s0], s1  }
0x18e: {  	s0 =	simm.s32 @!p0 $0x3  }
0x18f: {  	_ =	swait.ge @!p0 [sflag:s0], s1  }
0x190: {  	s1 =	ssub.s32 @!p0 $0x0, s1;
	[sflag:s0] =	ssyncset.done @!p0 $0x0  }
0x191: {  	[sflag:s0] =	ssyncadd.s32 @!p0 s1  }
0x192: {  	[bflag:$0x3] =	sbarrier.arrive $0xFFFF  }
0x193: {  	_ =	shalt  }

</sc_bundles>
